<compile_context>
chip_gen: v7x
topology: tpu7x:2x2x1
jax: 0.10.2.dev20260603
libtpu: 0.0.44.dev20260713+nightly
codegen_flags: <defaults>
</compile_context>

<pallas_src>
import functools

import numpy as np
import jax
import jax.numpy as jnp
from jax import lax
from jax.experimental import pallas as pl
from jax.experimental.pallas import tpu as pltpu
from jax.experimental.pallas import tpu_sc as plsc

NF = 128
NPOS = 16
NRBF = 16
KNB = 30
IN_DIM = NPOS + NRBF + 7
TILE = 128

_SIGMA = 20.0 / NRBF


def _nrm(v, axis=1):
    sq = jnp.sum(v * v, axis=axis, keepdims=True)
    return v / jnp.sqrt(jnp.maximum(sq, 1e-24))


def _cross(a, b):
    ax, ay, az = a[:, 0:1], a[:, 1:2], a[:, 2:3]
    bx, by, bz = b[:, 0:1], b[:, 1:2], b[:, 2:3]
    return jnp.concatenate([ay * bz - az * by, az * bx - ax * bz, ax * by - ay * bx], axis=1)


def _knn_body(xq_ref, xt_ref, xm_ref, xp_ref,
              table_ref, dnb_ref, eidx_ref):
    t = pl.program_id(1)
    N = xt_ref.shape[2]
    xq = xq_ref[0]
    xq0, xq1, xq2 = xq[:, 0:1], xq[:, 1:2], xq[:, 2:3]
    x0a = xt_ref[0, 0:1, :]
    x1a = xt_ref[0, 1:2, :]
    x2a = xt_ref[0, 2:3, :]
    d2 = (xq0 - x0a) ** 2 + (xq1 - x1a) ** 2 + (xq2 - x2a) ** 2
    neg = -jnp.sqrt(d2 + 1e-6)
    lane = lax.broadcasted_iota(jnp.int32, (TILE, N), 1)
    big = jnp.int32(2 ** 30)
    neg_inf = jnp.float32(-np.inf)
    dvals, idxs = [], []
    for _ in range(KNB):
        m = jnp.max(neg, axis=1, keepdims=True)
        cand = jnp.where(neg == m, lane, big)
        idx = jnp.min(cand, axis=1, keepdims=True)
        neg = jnp.where(lane == idx, neg_inf, neg)
        dvals.append(-m)
        idxs.append(idx)
    dnb_ref[0] = jnp.concatenate(dvals, axis=1)
    eidx_ref[0] = jnp.concatenate(idxs, axis=1)
    um = _nrm(xq - xm_ref[0])
    up = _nrm(xp_ref[0] - xq)
    bv = _nrm(um - up)
    nv = _nrm(_cross(um, up))
    cv = _cross(bv, nv)
    row = t * TILE + lax.broadcasted_iota(jnp.int32, (TILE, 1), 0)
    o9 = jnp.concatenate([bv, nv, cv], axis=1)
    o9 = jnp.where((row == 0) | (row >= N - 2), 0.0, o9)
    table_ref[0] = jnp.concatenate([xq, o9, jnp.zeros((TILE, 4), jnp.float32)], axis=1)


def _knn_pallas(X, mask):
    B, N, _ = X.shape
    T = N // TILE
    Xt = jnp.swapaxes(X, 1, 2)
    Xm = jnp.roll(X, 1, axis=1)
    Xp = jnp.roll(X, -1, axis=1)
    out_shapes = (
        jax.ShapeDtypeStruct((B, N, 16), jnp.float32),
        jax.ShapeDtypeStruct((B, N, KNB), jnp.float32),
        jax.ShapeDtypeStruct((B, N, KNB), jnp.int32),
    )
    return pl.pallas_call(
        _knn_body,
        grid=(B, T),
        in_specs=[
            pl.BlockSpec((1, TILE, 3), lambda b, t: (b, t, 0)),
            pl.BlockSpec((1, 3, N), lambda b, t: (b, 0, 0)),
            pl.BlockSpec((1, TILE, 3), lambda b, t: (b, t, 0)),
            pl.BlockSpec((1, TILE, 3), lambda b, t: (b, t, 0)),
        ],
        out_specs=[
            pl.BlockSpec((1, TILE, 16), lambda b, t: (b, t, 0)),
            pl.BlockSpec((1, TILE, KNB), lambda b, t: (b, t, 0)),
            pl.BlockSpec((1, TILE, KNB), lambda b, t: (b, t, 0)),
        ],
        out_shape=out_shapes,
    )(X, Xt, Xm, Xp)


def _edge_body(dnb_ref, eidx_ref, ipat_ref, g_ref, w_ref, b_ref, gam_ref, bet_ref, out_ref):
    ET = dnb_ref.shape[3]
    g = g_ref[0]
    dn = dnb_ref[0, 0]
    jf = eidx_ref[0, 0].astype(jnp.float32)
    i_f = ipat_ref[0].astype(jnp.float32)
    dpos = jf - i_f
    rows = []
    for c in range(NPOS // 2):
        fc = float(np.exp(2 * c * -(np.log(10000.0) / NPOS)))
        rows.append(jnp.cos(dpos * fc))
    for c in range(NPOS // 2):
        fc = float(np.exp(2 * c * -(np.log(10000.0) / NPOS)))
        rows.append(jnp.sin(dpos * fc))
    for m in range(NRBF):
        mu = float(m * 20.0 / (NRBF - 1))
        rows.append(jnp.exp(-(((dn - mu) / _SIGMA) ** 2)))

    def row(r):
        return g[r:r + 1, :]
    dx = [row(c) - row(12 + c) for c in range(3)]
    oj = [row(3 + c) for c in range(9)]
    oi = [row(15 + c) for c in range(9)]
    du = [sum(oi[3 * r + c] * dx[c] for c in range(3)) for r in range(3)]
    den = jnp.sqrt(jnp.maximum(du[0] * du[0] + du[1] * du[1] + du[2] * du[2], 1e-24))
    rows.extend(d / den for d in du)
    R = [[sum(oi[3 * d + r] * oj[3 * d + c] for d in range(3))
          for c in range(3)] for r in range(3)]
    rxx, ryy, rzz = R[0][0], R[1][1], R[2][2]
    m0 = 0.5 * jnp.sqrt(jnp.abs(1.0 + rxx - ryy - rzz))
    m1 = 0.5 * jnp.sqrt(jnp.abs(1.0 - rxx + ryy - rzz))
    m2 = 0.5 * jnp.sqrt(jnp.abs(1.0 - rxx - ryy + rzz))
    q = [jnp.sign(R[2][1] - R[1][2]) * m0,
         jnp.sign(R[0][2] - R[2][0]) * m1,
         jnp.sign(R[1][0] - R[0][1]) * m2,
         jnp.sqrt(jax.nn.relu(1.0 + rxx + ryy + rzz)) / 2.0]
    qden = jnp.sqrt(jnp.maximum(sum(x * x for x in q), 1e-24))
    rows.extend(x / qden for x in q)

    F = jnp.concatenate(rows, axis=0)
    e = lax.dot_general(F, w_ref[...], (((0,), (0,)), ((), ())),
                        preferred_element_type=jnp.float32) + b_ref[...]
    mean = jnp.mean(e, axis=1, keepdims=True)
    var = jnp.mean((e - mean) ** 2, axis=1, keepdims=True)
    en = (e - mean) / jnp.sqrt(var + 1e-5) * gam_ref[...] + bet_ref[...]
    out_ref[0] = en.reshape(TILE, KNB, NF)


def _edges_pallas(dnbf, eidxf, ipat, g2, W, b, gamma, beta):
    B = dnbf.shape[0]
    NK = g2.shape[2]
    ET = TILE * KNB
    T = NK // ET
    return pl.pallas_call(
        _edge_body,
        grid=(B, T),
        in_specs=[
            pl.BlockSpec((1, 1, 1, ET), lambda bi, t: (bi, t, 0, 0)),
            pl.BlockSpec((1, 1, 1, ET), lambda bi, t: (bi, t, 0, 0)),
            pl.BlockSpec((1, 1, ET), lambda bi, t: (t, 0, 0)),
            pl.BlockSpec((1, 24, ET), lambda bi, t: (bi, 0, t)),
            pl.BlockSpec((IN_DIM, NF), lambda bi, t: (0, 0)),
            pl.BlockSpec((1, NF), lambda bi, t: (0, 0)),
            pl.BlockSpec((1, NF), lambda bi, t: (0, 0)),
            pl.BlockSpec((1, NF), lambda bi, t: (0, 0)),
        ],
        out_specs=pl.BlockSpec((1, TILE, KNB, NF), lambda bi, t: (bi, t, 0, 0)),
        out_shape=jax.ShapeDtypeStruct((B, NK // KNB, KNB, NF), jnp.float32),
    )(dnbf, eidxf, ipat, g2, W, b.reshape(1, NF), gamma.reshape(1, NF), beta.reshape(1, NF))


def _make_gather(B, N):
    info = plsc.get_sparse_core_info()
    nw = info.num_cores * info.num_subcores
    wpb = nw // B
    per_w = (N * KNB) // wpb
    chunks = 4
    ch = per_w // chunks
    qch = ch // KNB
    assert per_w * wpb == N * KNB and ch * chunks == per_w and qch * KNB == ch
    mesh = plsc.VectorSubcoreMesh(core_axis_name="c", subcore_axis_name="s")

    @functools.partial(
        pl.kernel, mesh=mesh,
        compiler_params=pltpu.CompilerParams(needs_layout_passes=False),
        out_type=jax.ShapeDtypeStruct((B * 24, N * KNB), jnp.float32),
        scratch_types=[
            pltpu.VMEM((N * 16,), jnp.float32),
            pltpu.VMEM((ch,), jnp.int32),
            pltpu.VMEM((ch,), jnp.int32),
            pltpu.VMEM((24, ch), jnp.float32),
        ],
    )
    def g(table_hbm, idx_hbm, qpat_hbm, out_hbm, table_v, idx_v, qpat_v, out_v):
        wid = lax.axis_index("s") * info.num_cores + lax.axis_index("c")
        batch = wid // wpb
        quarter = wid % wpb
        pltpu.sync_copy(
            table_hbm.at[pl.ds(pl.multiple_of(batch * (N * 16), N * 16), N * 16)],
            table_v)
        pltpu.sync_copy(qpat_hbm, qpat_v)
        for c in range(chunks):
            ebase = pl.multiple_of(batch * (N * KNB) + quarter * per_w + c * ch, ch)
            pltpu.sync_copy(idx_hbm.at[pl.ds(ebase, ch)], idx_v)
            qbase = (quarter * (per_w // KNB) + c * qch) * 16

            def body(s, carry):
                sl = pl.ds(s * 16, 16)
                rows = idx_v[sl] * 16
                qrow = qpat_v[sl] * 16 + qbase
                for j in range(12):
                    cj = jnp.full((16,), j, jnp.int32)
                    out_v[j, sl] = plsc.load_gather(table_v, [rows + cj])
                    out_v[12 + j, sl] = plsc.load_gather(table_v, [qrow + cj])
                return carry

            lax.fori_loop(0, ch // 16, body, 0)
            colbase = pl.multiple_of(quarter * per_w + c * ch, ch)
            pltpu.sync_copy(out_v,
                            out_hbm.at[pl.ds(pl.multiple_of(batch * 24, 24), 24),
                                       pl.ds(colbase, ch)])

    return g, ch


def kernel(X, mask, W, b, gamma, beta):
    B, N, _ = X.shape
    NK = N * KNB
    ET = TILE * KNB
    table, dnb, eidx = _knn_pallas(X, mask)
    gather, ch = _make_gather(B, N)
    qpat = jnp.asarray(np.arange(ch, dtype=np.int32) // KNB)
    g2 = gather(table.reshape(B * N * 16), eidx.reshape(B * NK), qpat)
    ipat = jnp.asarray((np.arange(NK, dtype=np.int32) // KNB).reshape(NK // ET, 1, ET))
    E = _edges_pallas(dnb.reshape(B, NK // ET, 1, ET),
                      eidx.reshape(B, NK // ET, 1, ET),
                      ipat, g2.reshape(B, 24, NK), W, b, gamma, beta)
    return E, eidx

# --- scband reference (transcript-rebuilt; emitter-appended) ---
"""Pipeline reference for scband-edge-features-32263794328104 (READ-ONLY COPY).

The authoritative reference and input builder live on the scoring server;
editing this copy changes nothing except your own understanding.
"""

import jax, jax.numpy as jnp
import numpy as np

EDGE_FEATURES = 128
NUM_POSITIONAL = 16
NUM_RBF = 16
K_NEIGHBORS = 30


def _normalize(x, axis=-1, eps=1e-12):
    sq = jnp.sum(x * x, axis=axis, keepdims=True)
    denom = jnp.sqrt(jnp.maximum(sq, eps * eps))
    return x / denom


def _gather_nodes(nodes, idx):
    B, N, K = idx.shape
    flat = idx.reshape(B, N * K)
    out = jnp.take_along_axis(nodes, flat[:, :, None], axis=1)
    return out.reshape(B, N, K, nodes.shape[-1])


def _positional_encoding(E_idx):
    N = E_idx.shape[1]
    ii = jnp.arange(N, dtype=jnp.float32).reshape(1, -1, 1)
    d = (E_idx.astype(jnp.float32) - ii)[..., None]
    freq = jnp.exp(jnp.arange(0, NUM_POSITIONAL, 2, dtype=jnp.float32) * -(np.log(10000.0) / NUM_POSITIONAL))
    angles = d * freq.reshape(1, 1, 1, -1)
    return jnp.concatenate([jnp.cos(angles), jnp.sin(angles)], axis=-1)


def _rbf(D):
    mu = jnp.linspace(0.0, 20.0, NUM_RBF).reshape(1, 1, 1, -1)
    sigma = 20.0 / NUM_RBF
    return jnp.exp(-(((D[..., None] - mu) / sigma) ** 2))


def _rotation_to_quaternion(R):
    diag = jnp.diagonal(R, axis1=-2, axis2=-1)
    Rxx, Ryy, Rzz = diag[..., 0], diag[..., 1], diag[..., 2]
    mags = 0.5 * jnp.sqrt(jnp.abs(1.0 + jnp.stack([Rxx - Ryy - Rzz, -Rxx + Ryy - Rzz, -Rxx - Ryy + Rzz], axis=-1)))
    signs = jnp.sign(jnp.stack([R[..., 2, 1] - R[..., 1, 2], R[..., 0, 2] - R[..., 2, 0], R[..., 1, 0] - R[..., 0, 1]], axis=-1))
    xyz = signs * mags
    w = jnp.sqrt(jax.nn.relu(1.0 + jnp.sum(diag, axis=-1, keepdims=True))) / 2.0
    Q = jnp.concatenate([xyz, w], axis=-1)
    return _normalize(Q, axis=-1)


def _compute_knn(X, mask):
    mask_2D = mask[:, None, :] * mask[:, :, None]
    dX = X[:, None, :, :] - X[:, :, None, :]
    D = mask_2D * jnp.sqrt(jnp.sum(dX ** 2, axis=3) + 1e-06)
    D_max = jnp.max(D, axis=-1, keepdims=True)
    D_adjusted = D + (1.0 - mask_2D) * D_max
    neg_vals, E_idx = jax.lax.top_k(-D_adjusted, K_NEIGHBORS)
    return -neg_vals, E_idx


def _compute_orientations(X, E_idx):
    dXs = X[:, 1:] - X[:, :-1]
    U = _normalize(dXs, axis=-1)
    u_prev = U[:, :-2]
    u_next = U[:, 1:-1]
    n = _normalize(jnp.cross(u_prev, u_next), axis=-1)
    b = _normalize(u_prev - u_next, axis=-1)
    O = jnp.stack([b, n, jnp.cross(b, n)], axis=2)
    B, Nm3 = O.shape[0], O.shape[1]
    O = O.reshape(B, Nm3, 9)
    O = jnp.pad(O, ((0, 0), (1, 2), (0, 0)))
    O_neighbors = _gather_nodes(O, E_idx)
    X_neighbors = _gather_nodes(X, E_idx)
    N = X.shape[1]
    K = E_idx.shape[2]
    O_mat = O.reshape(B, N, 3, 3)
    O_nb_mat = O_neighbors.reshape(B, N, K, 3, 3)
    dX_nb = X_neighbors - X[:, :, None, :]
    dU = jnp.matmul(O_mat[:, :, None, :, :], dX_nb[..., None])[..., 0]
    dU = _normalize(dU, axis=-1)
    R = jnp.matmul(jnp.swapaxes(O_mat[:, :, None, :, :], -1, -2), O_nb_mat)
    Q = _rotation_to_quaternion(R)
    return jnp.concatenate([dU, Q], axis=-1)


def _forward(X, mask, W, b, gamma, beta):
    D_neighbors, E_idx = _compute_knn(X, mask)
    rbf = _rbf(D_neighbors)
    pos_enc = _positional_encoding(E_idx)
    orient = _compute_orientations(X, E_idx)
    E_raw = jnp.concatenate([pos_enc, rbf, orient], axis=-1)
    E = jnp.dot(E_raw, W) + b
    mean = jnp.mean(E, axis=-1, keepdims=True)
    var = jnp.var(E, axis=-1, keepdims=True)
    E = (E - mean) / jnp.sqrt(var + 1e-05) * gamma + beta
    return E, E_idx


def setup_inputs(seed: int = 0) -> dict:
    key = jax.random.key(seed)
    k1, k2 = jax.random.split(key)
    B, N = 8, 1024
    X = jax.random.normal(k1, (B, N, 3), dtype=jnp.float32) * 10.0
    mask = jnp.ones((B, N), dtype=jnp.float32)
    in_dim = NUM_POSITIONAL + NUM_RBF + 7
    W = jax.random.normal(k2, (in_dim, EDGE_FEATURES), dtype=jnp.float32) * 0.05
    b = jnp.zeros((EDGE_FEATURES,), dtype=jnp.float32)
    gamma = jnp.ones((EDGE_FEATURES,), dtype=jnp.float32)
    beta = jnp.zeros((EDGE_FEATURES,), dtype=jnp.float32)
    return {"X": X, "mask": mask, "W": W, "b": b, "gamma": gamma, "beta": beta}


def reference(X, mask, W, b, gamma, beta):
    return _forward(X, mask, W, b, gamma, beta)

if __name__ == "__main__":
    import jax
    _d = setup_inputs()
    print(jax.jit(kernel)(*tuple(_d.values())))

</pallas_src>

<mosaic_0001>
#map = affine_map<(d0, d1) -> (0)>
#map1 = affine_map<(d0, d1) -> (0, 0)>
module attributes {stable_mosaic.version = 14 : i64} {
  func.func @g(%arg0: i32, %arg1: i32, %arg2: memref<131072xf32, #tpu.memory_space<hbm>>, %arg3: memref<245760xi32, #tpu.memory_space<hbm>>, %arg4: memref<1920xi32, #tpu.memory_space<hbm>>, %arg5: memref<192x30720xf32, #tpu.memory_space<hbm>>, %arg6: memref<16384xf32, #tpu.memory_space<vmem>>, %arg7: memref<1920xi32, #tpu.memory_space<vmem>>, %arg8: memref<1920xi32, #tpu.memory_space<vmem>>, %arg9: memref<24x1920xf32, #tpu.memory_space<vmem>>) attributes {dimension_semantics = [#tpu.dimension_semantics<core_parallel>, #tpu.dimension_semantics<subcore_parallel>], iteration_bounds = array<i64: 2, 16>, scalar_prefetch = 0 : i64, scratch_operands = 4 : i64, tpu.core_type = #tpu.core_type<sc_vector_subcore>, window_params = [{transform_indices = #map}, {transform_indices = #map}, {transform_indices = #map}, {transform_indices = #map1}]} {
    %mul3A = arith.constant 2 : i32
    %mul3A_0 = arith.muli %arg1, %mul3A : i32
    %add3A = arith.addi %mul3A_0, %arg0 : i32
    %jit3A = arith.constant 4 : i32
    %div3A = arith.divsi %add3A, %jit3A : i32
    %sign3A = arith.constant 0 : i32
    %sign3A_1 = arith.cmpi sgt, %add3A, %sign3A : i32
    %sign3A_2 = arith.extui %sign3A_1 : i1 to i32
    %sign3A_3 = arith.constant 0 : i32
    %sign3A_4 = arith.cmpi slt, %add3A, %sign3A_3 : i32
    %sign3A_5 = arith.extui %sign3A_4 : i1 to i32
    %sign3A_6 = arith.subi %sign3A_2, %sign3A_5 : i32
    %sign3A_7 = arith.constant 0 : i32
    %sign3A_8 = arith.cmpi sgt, %jit3A, %sign3A_7 : i32
    %sign3A_9 = arith.extui %sign3A_8 : i1 to i32
    %sign3A_10 = arith.constant 0 : i32
    %sign3A_11 = arith.cmpi slt, %jit3A, %sign3A_10 : i32
    %sign3A_12 = arith.extui %sign3A_11 : i1 to i32
    %sign3A_13 = arith.subi %sign3A_9, %sign3A_12 : i32
    %ne3A = arith.cmpi ne, %sign3A_6, %sign3A_13 : i32
    %rem3A = arith.remsi %add3A, %jit3A : i32
    %ne3A_14 = arith.constant 0 : i32
    %ne3A_15 = arith.cmpi ne, %rem3A, %ne3A_14 : i32
    %and3A = arith.andi %ne3A, %ne3A_15 : i1
    %sub3A = arith.constant 1 : i32
    %sub3A_16 = arith.subi %div3A, %sub3A : i32
    %select_n3A = arith.select %and3A, %sub3A_16, %div3A : i32
    %jit3A_17 = arith.constant 4 : i32
    %eq3A = arith.constant 0 : i32
    %eq3A_18 = arith.cmpi eq, %jit3A_17, %eq3A : i32
    %jit3A_19 = arith.constant 1 : i32
    %select_n3A_20 = arith.select %eq3A_18, %jit3A_19, %jit3A_17 : i32
    %rem3A_21 = arith.remsi %add3A, %select_n3A_20 : i32
    %ne3A_22 = arith.constant 0 : i32
    %ne3A_23 = arith.cmpi ne, %rem3A_21, %ne3A_22 : i32
    %lt3A = arith.constant 0 : i32
    %lt3A_24 = arith.cmpi slt, %rem3A_21, %lt3A : i32
    %lt3A_25 = arith.constant 0 : i32
    %lt3A_26 = arith.cmpi slt, %select_n3A_20, %lt3A_25 : i32
    %ne3A_27 = arith.xori %lt3A_24, %lt3A_26 : i1
    %and3A_28 = arith.andi %ne3A_27, %ne3A_23 : i1
    %add3A_29 = arith.addi %rem3A_21, %select_n3A_20 : i32
    %select_n3A_30 = arith.select %and3A_28, %add3A_29, %rem3A_21 : i32
    %mul3A_31 = arith.constant 16384 : i32
    %mul3A_32 = arith.muli %select_n3A, %mul3A_31 : i32
    %multiple_of3A = tpu.assume_multiple %mul3A_32, 16384 : i32
    "tpu.region"() ({
      %run_scoped3A = tpu.sem_alloc : memref<!tpu.dma_semaphore, #tpu.memory_space<semaphore_mem>>
      %dma_start3A = tpu.memref_slice %arg2[%multiple_of3A] : memref<131072xf32, #tpu.memory_space<hbm>> -> memref<16384xf32, #tpu.memory_space<hbm>>
      %dma_start3A_144 = tpu.memref_slice %arg2[%multiple_of3A] : memref<131072xf32, #tpu.memory_space<hbm>> -> memref<16384xf32, #tpu.memory_space<hbm>>
      tpu.enqueue_dma source(%dma_start3A_144 : memref<16384xf32, #tpu.memory_space<hbm>>) target(%arg6 : memref<16384xf32, #tpu.memory_space<vmem>>) target_semaphore(%run_scoped3A : memref<!tpu.dma_semaphore, #tpu.memory_space<semaphore_mem>>)
      %dma_wait3A = tpu.memref_slice %arg2[%multiple_of3A] : memref<131072xf32, #tpu.memory_space<hbm>> -> memref<16384xf32, #tpu.memory_space<hbm>>
      %dma_wait3A_145 = tpu.memref_slice %arg2[%multiple_of3A] : memref<131072xf32, #tpu.memory_space<hbm>> -> memref<16384xf32, #tpu.memory_space<hbm>>
      tpu.wait_dma2 semaphore(%run_scoped3A : memref<!tpu.dma_semaphore, #tpu.memory_space<semaphore_mem>>) src(%dma_wait3A_145 : memref<16384xf32, #tpu.memory_space<hbm>>) dst(%arg6 : memref<16384xf32, #tpu.memory_space<vmem>>)
      tpu.yield
    }) : () -> ()
    "tpu.region"() ({
      %run_scoped3A = tpu.sem_alloc : memref<!tpu.dma_semaphore, #tpu.memory_space<semaphore_mem>>
      tpu.enqueue_dma source(%arg4 : memref<1920xi32, #tpu.memory_space<hbm>>) target(%arg8 : memref<1920xi32, #tpu.memory_space<vmem>>) target_semaphore(%run_scoped3A : memref<!tpu.dma_semaphore, #tpu.memory_space<semaphore_mem>>)
      tpu.wait_dma2 semaphore(%run_scoped3A : memref<!tpu.dma_semaphore, #tpu.memory_space<semaphore_mem>>) src(%arg4 : memref<1920xi32, #tpu.memory_space<hbm>>) dst(%arg8 : memref<1920xi32, #tpu.memory_space<vmem>>)
      tpu.yield
    }) : () -> ()
    %mul3A_33 = arith.constant 30720 : i32
    %mul3A_34 = arith.muli %select_n3A, %mul3A_33 : i32
    %mul3A_35 = arith.constant 7680 : i32
    %mul3A_36 = arith.muli %select_n3A_30, %mul3A_35 : i32
    %add3A_37 = arith.addi %mul3A_34, %mul3A_36 : i32
    %add3A_38 = arith.constant 0 : i32
    %add3A_39 = arith.addi %add3A_37, %add3A_38 : i32
    %multiple_of3A_40 = tpu.assume_multiple %add3A_39, 1920 : i32
    "tpu.region"() ({
      %run_scoped3A = tpu.sem_alloc : memref<!tpu.dma_semaphore, #tpu.memory_space<semaphore_mem>>
      %dma_start3A = tpu.memref_slice %arg3[%multiple_of3A_40] : memref<245760xi32, #tpu.memory_space<hbm>> -> memref<1920xi32, #tpu.memory_space<hbm>>
      %dma_start3A_144 = tpu.memref_slice %arg3[%multiple_of3A_40] : memref<245760xi32, #tpu.memory_space<hbm>> -> memref<1920xi32, #tpu.memory_space<hbm>>
      tpu.enqueue_dma source(%dma_start3A_144 : memref<1920xi32, #tpu.memory_space<hbm>>) target(%arg7 : memref<1920xi32, #tpu.memory_space<vmem>>) target_semaphore(%run_scoped3A : memref<!tpu.dma_semaphore, #tpu.memory_space<semaphore_mem>>)
      %dma_wait3A = tpu.memref_slice %arg3[%multiple_of3A_40] : memref<245760xi32, #tpu.memory_space<hbm>> -> memref<1920xi32, #tpu.memory_space<hbm>>
      %dma_wait3A_145 = tpu.memref_slice %arg3[%multiple_of3A_40] : memref<245760xi32, #tpu.memory_space<hbm>> -> memref<1920xi32, #tpu.memory_space<hbm>>
      tpu.wait_dma2 semaphore(%run_scoped3A : memref<!tpu.dma_semaphore, #tpu.memory_space<semaphore_mem>>) src(%dma_wait3A_145 : memref<1920xi32, #tpu.memory_space<hbm>>) dst(%arg7 : memref<1920xi32, #tpu.memory_space<vmem>>)
      tpu.yield
    }) : () -> ()
    %mul3A_41 = arith.constant 256 : i32
    %mul3A_42 = arith.muli %select_n3A_30, %mul3A_41 : i32
    %add3A_43 = arith.constant 0 : i32
    %add3A_44 = arith.addi %mul3A_42, %add3A_43 : i32
    %mul3A_45 = arith.constant 16 : i32
    %mul3A_46 = arith.muli %add3A_44, %mul3A_45 : i32
    %scan3A = arith.constant 0 : i32
    %scan3A_47 = arith.constant 0 : i32
    %scan3A_48 = arith.constant 120 : i32
    %scan3A_49 = arith.addi %scan3A_47, %scan3A_48 : i32
    %scan3A_50 = arith.constant 1 : i32
    scf.for %scan3A_144 = %scan3A_47 to %scan3A_49 step %scan3A_50  : i32 {
      %mul3A_145 = arith.constant 16 : i32
      %mul3A_146 = arith.muli %scan3A_144, %mul3A_145 : i32
      %get3A = arith.index_cast %mul3A_146 : i32 to index
      %get3A_147 = tpu.vector_load %arg7[%get3A] {strides = array<i32>} : memref<1920xi32, #tpu.memory_space<vmem>>, vector<16xi32>,
      %mul3A_148 = arith.constant 16 : i32
      %mul3A_149 = vector.broadcast %mul3A_148 : i32 to vector<16xi32>
      %mul3A_150 = arith.muli %get3A_147, %mul3A_149 : vector<16xi32>
      %get3A_151 = arith.index_cast %mul3A_146 : i32 to index
      %get3A_152 = tpu.vector_load %arg8[%get3A_151] {strides = array<i32>} : memref<1920xi32, #tpu.memory_space<vmem>>, vector<16xi32>,
      %mul3A_153 = arith.constant 16 : i32
      %mul3A_154 = vector.broadcast %mul3A_153 : i32 to vector<16xi32>
      %mul3A_155 = arith.muli %get3A_152, %mul3A_154 : vector<16xi32>
      %add3A_156 = vector.broadcast %mul3A_46 : i32 to vector<16xi32>
      %add3A_157 = arith.addi %mul3A_155, %add3A_156 : vector<16xi32>
      %broadcast_in_dim3A = arith.constant 0 : i32
      %broadcast_in_dim3A_158 = vector.broadcast %broadcast_in_dim3A : i32 to vector<16xi32>
      %add3A_159 = arith.addi %mul3A_150, %broadcast_in_dim3A_158 : vector<16xi32>
      %gather3A = tpu.vector_load_idx %arg6[%add3A_159] : memref<16384xf32, #tpu.memory_space<vmem>>[vector<16xi32>], vector<16xf32>,
      %swap3A = arith.constant 0 : i32
      %swap3A_160 = arith.index_cast %swap3A : i32 to index
      %swap3A_161 = arith.index_cast %mul3A_146 : i32 to index
      %swap3A_162 = tpu.vector_load %arg9[%swap3A_160, %swap3A_161] {strides = array<i32>} : memref<24x1920xf32, #tpu.memory_space<vmem>>, vector<16xf32>,
      tpu.vector_store %arg9[%swap3A_160, %swap3A_161], %gather3A {strides = array<i32>} : memref<24x1920xf32, #tpu.memory_space<vmem>>, vector<16xf32>,
      %add3A_163 = arith.addi %add3A_157, %broadcast_in_dim3A_158 : vector<16xi32>
      %gather3A_164 = tpu.vector_load_idx %arg6[%add3A_163] : memref<16384xf32, #tpu.memory_space<vmem>>[vector<16xi32>], vector<16xf32>,
      %swap3A_165 = arith.constant 12 : i32
      %swap3A_166 = arith.index_cast %swap3A_165 : i32 to index
      %swap3A_167 = arith.index_cast %mul3A_146 : i32 to index
      %swap3A_168 = tpu.vector_load %arg9[%swap3A_166, %swap3A_167] {strides = array<i32>} : memref<24x1920xf32, #tpu.memory_space<vmem>>, vector<16xf32>,
      tpu.vector_store %arg9[%swap3A_166, %swap3A_167], %gather3A_164 {strides = array<i32>} : memref<24x1920xf32, #tpu.memory_space<vmem>>, vector<16xf32>,
      %broadcast_in_dim3A_169 = arith.constant 1 : i32
      %broadcast_in_dim3A_170 = vector.broadcast %broadcast_in_dim3A_169 : i32 to vector<16xi32>
      %add3A_171 = arith.addi %mul3A_150, %broadcast_in_dim3A_170 : vector<16xi32>
      %gather3A_172 = tpu.vector_load_idx %arg6[%add3A_171] : memref<16384xf32, #tpu.memory_space<vmem>>[vector<16xi32>], vector<16xf32>,
      %swap3A_173 = arith.constant 1 : i32
      %swap3A_174 = arith.index_cast %swap3A_173 : i32 to index
      %swap3A_175 = arith.index_cast %mul3A_146 : i32 to index
      %swap3A_176 = tpu.vector_load %arg9[%swap3A_174, %swap3A_175] {strides = array<i32>} : memref<24x1920xf32, #tpu.memory_space<vmem>>, vector<16xf32>,
      tpu.vector_store %arg9[%swap3A_174, %swap3A_175], %gather3A_172 {strides = array<i32>} : memref<24x1920xf32, #tpu.memory_space<vmem>>, vector<16xf32>,
      %add3A_177 = arith.addi %add3A_157, %broadcast_in_dim3A_170 : vector<16xi32>
      %gather3A_178 = tpu.vector_load_idx %arg6[%add3A_177] : memref<16384xf32, #tpu.memory_space<vmem>>[vector<16xi32>], vector<16xf32>,
      %swap3A_179 = arith.constant 13 : i32
      %swap3A_180 = arith.index_cast %swap3A_179 : i32 to index
      %swap3A_181 = arith.index_cast %mul3A_146 : i32 to index
      %swap3A_182 = tpu.vector_load %arg9[%swap3A_180, %swap3A_181] {strides = array<i32>} : memref<24x1920xf32, #tpu.memory_space<vmem>>, vector<16xf32>,
      tpu.vector_store %arg9[%swap3A_180, %swap3A_181], %gather3A_178 {strides = array<i32>} : memref<24x1920xf32, #tpu.memory_space<vmem>>, vector<16xf32>,
      %broadcast_in_dim3A_183 = arith.constant 2 : i32
      %broadcast_in_dim3A_184 = vector.broadcast %broadcast_in_dim3A_183 : i32 to vector<16xi32>
      %add3A_185 = arith.addi %mul3A_150, %broadcast_in_dim3A_184 : vector<16xi32>
      %gather3A_186 = tpu.vector_load_idx %arg6[%add3A_185] : memref<16384xf32, #tpu.memory_space<vmem>>[vector<16xi32>], vector<16xf32>,
      %swap3A_187 = arith.constant 2 : i32
      %swap3A_188 = arith.index_cast %swap3A_187 : i32 to index
      %swap3A_189 = arith.index_cast %mul3A_146 : i32 to index
      %swap3A_190 = tpu.vector_load %arg9[%swap3A_188, %swap3A_189] {strides = array<i32>} : memref<24x1920xf32, #tpu.memory_space<vmem>>, vector<16xf32>,
      tpu.vector_store %arg9[%swap3A_188, %swap3A_189], %gather3A_186 {strides = array<i32>} : memref<24x1920xf32, #tpu.memory_space<vmem>>, vector<16xf32>,
      %add3A_191 = arith.addi %add3A_157, %broadcast_in_dim3A_184 : vector<16xi32>
      %gather3A_192 = tpu.vector_load_idx %arg6[%add3A_191] : memref<16384xf32, #tpu.memory_space<vmem>>[vector<16xi32>], vector<16xf32>,
      %swap3A_193 = arith.constant 14 : i32
      %swap3A_194 = arith.index_cast %swap3A_193 : i32 to index
      %swap3A_195 = arith.index_cast %mul3A_146 : i32 to index
      %swap3A_196 = tpu.vector_load %arg9[%swap3A_194, %swap3A_195] {strides = array<i32>} : memref<24x1920xf32, #tpu.memory_space<vmem>>, vector<16xf32>,
      tpu.vector_store %arg9[%swap3A_194, %swap3A_195], %gather3A_192 {strides = array<i32>} : memref<24x1920xf32, #tpu.memory_space<vmem>>, vector<16xf32>,
      %broadcast_in_dim3A_197 = arith.constant 3 : i32
      %broadcast_in_dim3A_198 = vector.broadcast %broadcast_in_dim3A_197 : i32 to vector<16xi32>
      %add3A_199 = arith.addi %mul3A_150, %broadcast_in_dim3A_198 : vector<16xi32>
      %gather3A_200 = tpu.vector_load_idx %arg6[%add3A_199] : memref<16384xf32, #tpu.memory_space<vmem>>[vector<16xi32>], vector<16xf32>,
      %swap3A_201 = arith.constant 3 : i32
      %swap3A_202 = arith.index_cast %swap3A_201 : i32 to index
      %swap3A_203 = arith.index_cast %mul3A_146 : i32 to index
      %swap3A_204 = tpu.vector_load %arg9[%swap3A_202, %swap3A_203] {strides = array<i32>} : memref<24x1920xf32, #tpu.memory_space<vmem>>, vector<16xf32>,
      tpu.vector_store %arg9[%swap3A_202, %swap3A_203], %gather3A_200 {strides = array<i32>} : memref<24x1920xf32, #tpu.memory_space<vmem>>, vector<16xf32>,
      %add3A_205 = arith.addi %add3A_157, %broadcast_in_dim3A_198 : vector<16xi32>
      %gather3A_206 = tpu.vector_load_idx %arg6[%add3A_205] : memref<16384xf32, #tpu.memory_space<vmem>>[vector<16xi32>], vector<16xf32>,
      %swap3A_207 = arith.constant 15 : i32
      %swap3A_208 = arith.index_cast %swap3A_207 : i32 to index
      %swap3A_209 = arith.index_cast %mul3A_146 : i32 to index
      %swap3A_210 = tpu.vector_load %arg9[%swap3A_208, %swap3A_209] {strides = array<i32>} : memref<24x1920xf32, #tpu.memory_space<vmem>>, vector<16xf32>,
      tpu.vector_store %arg9[%swap3A_208, %swap3A_209], %gather3A_206 {strides = array<i32>} : memref<24x1920xf32, #tpu.memory_space<vmem>>, vector<16xf32>,
      %broadcast_in_dim3A_211 = arith.constant 4 : i32
      %broadcast_in_dim3A_212 = vector.broadcast %broadcast_in_dim3A_211 : i32 to vector<16xi32>
      %add3A_213 = arith.addi %mul3A_150, %broadcast_in_dim3A_212 : vector<16xi32>
      %gather3A_214 = tpu.vector_load_idx %arg6[%add3A_213] : memref<16384xf32, #tpu.memory_space<vmem>>[vector<16xi32>], vector<16xf32>,
      %swap3A_215 = arith.constant 4 : i32
      %swap3A_216 = arith.index_cast %swap3A_215 : i32 to index
      %swap3A_217 = arith.index_cast %mul3A_146 : i32 to index
      %swap3A_218 = tpu.vector_load %arg9[%swap3A_216, %swap3A_217] {strides = array<i32>} : memref<24x1920xf32, #tpu.memory_space<vmem>>, vector<16xf32>,
      tpu.vector_store %arg9[%swap3A_216, %swap3A_217], %gather3A_214 {strides = array<i32>} : memref<24x1920xf32, #tpu.memory_space<vmem>>, vector<16xf32>,
      %add3A_219 = arith.addi %add3A_157, %broadcast_in_dim3A_212 : vector<16xi32>
      %gather3A_220 = tpu.vector_load_idx %arg6[%add3A_219] : memref<16384xf32, #tpu.memory_space<vmem>>[vector<16xi32>], vector<16xf32>,
      %swap3A_221 = arith.constant 16 : i32
      %swap3A_222 = arith.index_cast %swap3A_221 : i32 to index
      %swap3A_223 = arith.index_cast %mul3A_146 : i32 to index
      %swap3A_224 = tpu.vector_load %arg9[%swap3A_222, %swap3A_223] {strides = array<i32>} : memref<24x1920xf32, #tpu.memory_space<vmem>>, vector<16xf32>,
      tpu.vector_store %arg9[%swap3A_222, %swap3A_223], %gather3A_220 {strides = array<i32>} : memref<24x1920xf32, #tpu.memory_space<vmem>>, vector<16xf32>,
      %broadcast_in_dim3A_225 = arith.constant 5 : i32
      %broadcast_in_dim3A_226 = vector.broadcast %broadcast_in_dim3A_225 : i32 to vector<16xi32>
      %add3A_227 = arith.addi %mul3A_150, %broadcast_in_dim3A_226 : vector<16xi32>
      %gather3A_228 = tpu.vector_load_idx %arg6[%add3A_227] : memref<16384xf32, #tpu.memory_space<vmem>>[vector<16xi32>], vector<16xf32>,
      %swap3A_229 = arith.constant 5 : i32
      %swap3A_230 = arith.index_cast %swap3A_229 : i32 to index
      %swap3A_231 = arith.index_cast %mul3A_146 : i32 to index
      %swap3A_232 = tpu.vector_load %arg9[%swap3A_230, %swap3A_231] {strides = array<i32>} : memref<24x1920xf32, #tpu.memory_space<vmem>>, vector<16xf32>,
      tpu.vector_store %arg9[%swap3A_230, %swap3A_231], %gather3A_228 {strides = array<i32>} : memref<24x1920xf32, #tpu.memory_space<vmem>>, vector<16xf32>,
      %add3A_233 = arith.addi %add3A_157, %broadcast_in_dim3A_226 : vector<16xi32>
      %gather3A_234 = tpu.vector_load_idx %arg6[%add3A_233] : memref<16384xf32, #tpu.memory_space<vmem>>[vector<16xi32>], vector<16xf32>,
      %swap3A_235 = arith.constant 17 : i32
      %swap3A_236 = arith.index_cast %swap3A_235 : i32 to index
      %swap3A_237 = arith.index_cast %mul3A_146 : i32 to index
      %swap3A_238 = tpu.vector_load %arg9[%swap3A_236, %swap3A_237] {strides = array<i32>} : memref<24x1920xf32, #tpu.memory_space<vmem>>, vector<16xf32>,
      tpu.vector_store %arg9[%swap3A_236, %swap3A_237], %gather3A_234 {strides = array<i32>} : memref<24x1920xf32, #tpu.memory_space<vmem>>, vector<16xf32>,
      %broadcast_in_dim3A_239 = arith.constant 6 : i32
      %broadcast_in_dim3A_240 = vector.broadcast %broadcast_in_dim3A_239 : i32 to vector<16xi32>
      %add3A_241 = arith.addi %mul3A_150, %broadcast_in_dim3A_240 : vector<16xi32>
      %gather3A_242 = tpu.vector_load_idx %arg6[%add3A_241] : memref<16384xf32, #tpu.memory_space<vmem>>[vector<16xi32>], vector<16xf32>,
      %swap3A_243 = arith.constant 6 : i32
      %swap3A_244 = arith.index_cast %swap3A_243 : i32 to index
      %swap3A_245 = arith.index_cast %mul3A_146 : i32 to index
      %swap3A_246 = tpu.vector_load %arg9[%swap3A_244, %swap3A_245] {strides = array<i32>} : memref<24x1920xf32, #tpu.memory_space<vmem>>, vector<16xf32>,
      tpu.vector_store %arg9[%swap3A_244, %swap3A_245], %gather3A_242 {strides = array<i32>} : memref<24x1920xf32, #tpu.memory_space<vmem>>, vector<16xf32>,
      %add3A_247 = arith.addi %add3A_157, %broadcast_in_dim3A_240 : vector<16xi32>
      %gather3A_248 = tpu.vector_load_idx %arg6[%add3A_247] : memref<16384xf32, #tpu.memory_space<vmem>>[vector<16xi32>], vector<16xf32>,
      %swap3A_249 = arith.constant 18 : i32
      %swap3A_250 = arith.index_cast %swap3A_249 : i32 to index
      %swap3A_251 = arith.index_cast %mul3A_146 : i32 to index
      %swap3A_252 = tpu.vector_load %arg9[%swap3A_250, %swap3A_251] {strides = array<i32>} : memref<24x1920xf32, #tpu.memory_space<vmem>>, vector<16xf32>,
      tpu.vector_store %arg9[%swap3A_250, %swap3A_251], %gather3A_248 {strides = array<i32>} : memref<24x1920xf32, #tpu.memory_space<vmem>>, vector<16xf32>,
      %broadcast_in_dim3A_253 = arith.constant 7 : i32
      %broadcast_in_dim3A_254 = vector.broadcast %broadcast_in_dim3A_253 : i32 to vector<16xi32>
      %add3A_255 = arith.addi %mul3A_150, %broadcast_in_dim3A_254 : vector<16xi32>
      %gather3A_256 = tpu.vector_load_idx %arg6[%add3A_255] : memref<16384xf32, #tpu.memory_space<vmem>>[vector<16xi32>], vector<16xf32>,
      %swap3A_257 = arith.constant 7 : i32
      %swap3A_258 = arith.index_cast %swap3A_257 : i32 to index
      %swap3A_259 = arith.index_cast %mul3A_146 : i32 to index
      %swap3A_260 = tpu.vector_load %arg9[%swap3A_258, %swap3A_259] {strides = array<i32>} : memref<24x1920xf32, #tpu.memory_space<vmem>>, vector<16xf32>,
      tpu.vector_store %arg9[%swap3A_258, %swap3A_259], %gather3A_256 {strides = array<i32>} : memref<24x1920xf32, #tpu.memory_space<vmem>>, vector<16xf32>,
      %add3A_261 = arith.addi %add3A_157, %broadcast_in_dim3A_254 : vector<16xi32>
      %gather3A_262 = tpu.vector_load_idx %arg6[%add3A_261] : memref<16384xf32, #tpu.memory_space<vmem>>[vector<16xi32>], vector<16xf32>,
      %swap3A_263 = arith.constant 19 : i32
      %swap3A_264 = arith.index_cast %swap3A_263 : i32 to index
      %swap3A_265 = arith.index_cast %mul3A_146 : i32 to index
      %swap3A_266 = tpu.vector_load %arg9[%swap3A_264, %swap3A_265] {strides = array<i32>} : memref<24x1920xf32, #tpu.memory_space<vmem>>, vector<16xf32>,
      tpu.vector_store %arg9[%swap3A_264, %swap3A_265], %gather3A_262 {strides = array<i32>} : memref<24x1920xf32, #tpu.memory_space<vmem>>, vector<16xf32>,
      %broadcast_in_dim3A_267 = arith.constant 8 : i32
      %broadcast_in_dim3A_268 = vector.broadcast %broadcast_in_dim3A_267 : i32 to vector<16xi32>
      %add3A_269 = arith.addi %mul3A_150, %broadcast_in_dim3A_268 : vector<16xi32>
      %gather3A_270 = tpu.vector_load_idx %arg6[%add3A_269] : memref<16384xf32, #tpu.memory_space<vmem>>[vector<16xi32>], vector<16xf32>,
      %swap3A_271 = arith.constant 8 : i32
      %swap3A_272 = arith.index_cast %swap3A_271 : i32 to index
      %swap3A_273 = arith.index_cast %mul3A_146 : i32 to index
      %swap3A_274 = tpu.vector_load %arg9[%swap3A_272, %swap3A_273] {strides = array<i32>} : memref<24x1920xf32, #tpu.memory_space<vmem>>, vector<16xf32>,
      tpu.vector_store %arg9[%swap3A_272, %swap3A_273], %gather3A_270 {strides = array<i32>} : memref<24x1920xf32, #tpu.memory_space<vmem>>, vector<16xf32>,
      %add3A_275 = arith.addi %add3A_157, %broadcast_in_dim3A_268 : vector<16xi32>
      %gather3A_276 = tpu.vector_load_idx %arg6[%add3A_275] : memref<16384xf32, #tpu.memory_space<vmem>>[vector<16xi32>], vector<16xf32>,
      %swap3A_277 = arith.constant 20 : i32
      %swap3A_278 = arith.index_cast %swap3A_277 : i32 to index
      %swap3A_279 = arith.index_cast %mul3A_146 : i32 to index
      %swap3A_280 = tpu.vector_load %arg9[%swap3A_278, %swap3A_279] {strides = array<i32>} : memref<24x1920xf32, #tpu.memory_space<vmem>>, vector<16xf32>,
      tpu.vector_store %arg9[%swap3A_278, %swap3A_279], %gather3A_276 {strides = array<i32>} : memref<24x1920xf32, #tpu.memory_space<vmem>>, vector<16xf32>,
      %broadcast_in_dim3A_281 = arith.constant 9 : i32
      %broadcast_in_dim3A_282 = vector.broadcast %broadcast_in_dim3A_281 : i32 to vector<16xi32>
      %add3A_283 = arith.addi %mul3A_150, %broadcast_in_dim3A_282 : vector<16xi32>
      %gather3A_284 = tpu.vector_load_idx %arg6[%add3A_283] : memref<16384xf32, #tpu.memory_space<vmem>>[vector<16xi32>], vector<16xf32>,
      %swap3A_285 = arith.constant 9 : i32
      %swap3A_286 = arith.index_cast %swap3A_285 : i32 to index
      %swap3A_287 = arith.index_cast %mul3A_146 : i32 to index
      %swap3A_288 = tpu.vector_load %arg9[%swap3A_286, %swap3A_287] {strides = array<i32>} : memref<24x1920xf32, #tpu.memory_space<vmem>>, vector<16xf32>,
      tpu.vector_store %arg9[%swap3A_286, %swap3A_287], %gather3A_284 {strides = array<i32>} : memref<24x1920xf32, #tpu.memory_space<vmem>>, vector<16xf32>,
      %add3A_289 = arith.addi %add3A_157, %broadcast_in_dim3A_282 : vector<16xi32>
      %gather3A_290 = tpu.vector_load_idx %arg6[%add3A_289] : memref<16384xf32, #tpu.memory_space<vmem>>[vector<16xi32>], vector<16xf32>,
      %swap3A_291 = arith.constant 21 : i32
      %swap3A_292 = arith.index_cast %swap3A_291 : i32 to index
      %swap3A_293 = arith.index_cast %mul3A_146 : i32 to index
      %swap3A_294 = tpu.vector_load %arg9[%swap3A_292, %swap3A_293] {strides = array<i32>} : memref<24x1920xf32, #tpu.memory_space<vmem>>, vector<16xf32>,
      tpu.vector_store %arg9[%swap3A_292, %swap3A_293], %gather3A_290 {strides = array<i32>} : memref<24x1920xf32, #tpu.memory_space<vmem>>, vector<16xf32>,
      %broadcast_in_dim3A_295 = arith.constant 10 : i32
      %broadcast_in_dim3A_296 = vector.broadcast %broadcast_in_dim3A_295 : i32 to vector<16xi32>
      %add3A_297 = arith.addi %mul3A_150, %broadcast_in_dim3A_296 : vector<16xi32>
      %gather3A_298 = tpu.vector_load_idx %arg6[%add3A_297] : memref<16384xf32, #tpu.memory_space<vmem>>[vector<16xi32>], vector<16xf32>,
      %swap3A_299 = arith.constant 10 : i32
      %swap3A_300 = arith.index_cast %swap3A_299 : i32 to index
      %swap3A_301 = arith.index_cast %mul3A_146 : i32 to index
      %swap3A_302 = tpu.vector_load %arg9[%swap3A_300, %swap3A_301] {strides = array<i32>} : memref<24x1920xf32, #tpu.memory_space<vmem>>, vector<16xf32>,
      tpu.vector_store %arg9[%swap3A_300, %swap3A_301], %gather3A_298 {strides = array<i32>} : memref<24x1920xf32, #tpu.memory_space<vmem>>, vector<16xf32>,
      %add3A_303 = arith.addi %add3A_157, %broadcast_in_dim3A_296 : vector<16xi32>
      %gather3A_304 = tpu.vector_load_idx %arg6[%add3A_303] : memref<16384xf32, #tpu.memory_space<vmem>>[vector<16xi32>], vector<16xf32>,
      %swap3A_305 = arith.constant 22 : i32
      %swap3A_306 = arith.index_cast %swap3A_305 : i32 to index
      %swap3A_307 = arith.index_cast %mul3A_146 : i32 to index
      %swap3A_308 = tpu.vector_load %arg9[%swap3A_306, %swap3A_307] {strides = array<i32>} : memref<24x1920xf32, #tpu.memory_space<vmem>>, vector<16xf32>,
      tpu.vector_store %arg9[%swap3A_306, %swap3A_307], %gather3A_304 {strides = array<i32>} : memref<24x1920xf32, #tpu.memory_space<vmem>>, vector<16xf32>,
      %broadcast_in_dim3A_309 = arith.constant 11 : i32
      %broadcast_in_dim3A_310 = vector.broadcast %broadcast_in_dim3A_309 : i32 to vector<16xi32>
      %add3A_311 = arith.addi %mul3A_150, %broadcast_in_dim3A_310 : vector<16xi32>
      %gather3A_312 = tpu.vector_load_idx %arg6[%add3A_311] : memref<16384xf32, #tpu.memory_space<vmem>>[vector<16xi32>], vector<16xf32>,
      %swap3A_313 = arith.constant 11 : i32
      %swap3A_314 = arith.index_cast %swap3A_313 : i32 to index
      %swap3A_315 = arith.index_cast %mul3A_146 : i32 to index
      %swap3A_316 = tpu.vector_load %arg9[%swap3A_314, %swap3A_315] {strides = array<i32>} : memref<24x1920xf32, #tpu.memory_space<vmem>>, vector<16xf32>,
      tpu.vector_store %arg9[%swap3A_314, %swap3A_315], %gather3A_312 {strides = array<i32>} : memref<24x1920xf32, #tpu.memory_space<vmem>>, vector<16xf32>,
      %add3A_317 = arith.addi %add3A_157, %broadcast_in_dim3A_310 : vector<16xi32>
      %gather3A_318 = tpu.vector_load_idx %arg6[%add3A_317] : memref<16384xf32, #tpu.memory_space<vmem>>[vector<16xi32>], vector<16xf32>,
      %swap3A_319 = arith.constant 23 : i32
      %swap3A_320 = arith.index_cast %swap3A_319 : i32 to index
      %swap3A_321 = arith.index_cast %mul3A_146 : i32 to index
      %swap3A_322 = tpu.vector_load %arg9[%swap3A_320, %swap3A_321] {strides = array<i32>} : memref<24x1920xf32, #tpu.memory_space<vmem>>, vector<16xf32>,
      tpu.vector_store %arg9[%swap3A_320, %swap3A_321], %gather3A_318 {strides = array<i32>} : memref<24x1920xf32, #tpu.memory_space<vmem>>, vector<16xf32>,
    }
    %scan3A_51 = arith.constant 120 : i32
    %mul3A_52 = arith.constant 7680 : i32
    %mul3A_53 = arith.muli %select_n3A_30, %mul3A_52 : i32
    %add3A_54 = arith.constant 0 : i32
    %add3A_55 = arith.addi %mul3A_53, %add3A_54 : i32
    %multiple_of3A_56 = tpu.assume_multiple %add3A_55, 1920 : i32
    %mul3A_57 = arith.constant 24 : i32
    %mul3A_58 = arith.muli %select_n3A, %mul3A_57 : i32
    %multiple_of3A_59 = tpu.assume_multiple %mul3A_58, 24 : i32
    "tpu.region"() ({
      %run_scoped3A = tpu.sem_alloc : memref<!tpu.dma_semaphore, #tpu.memory_space<semaphore_mem>>
      %dma_start3A = tpu.memref_slice %arg5[%multiple_of3A_59, %multiple_of3A_56] : memref<192x30720xf32, #tpu.memory_space<hbm>> -> memref<24x1920xf32, #tpu.memory_space<hbm>>
      %dma_start3A_144 = tpu.memref_slice %arg5[%multiple_of3A_59, %multiple_of3A_56] : memref<192x30720xf32, #tpu.memory_space<hbm>> -> memref<24x1920xf32, #tpu.memory_space<hbm>>
      tpu.enqueue_dma source(%arg9 : memref<24x1920xf32, #tpu.memory_space<vmem>>) target(%dma_start3A_144 : memref<24x1920xf32, #tpu.memory_space<hbm>>) target_semaphore(%run_scoped3A : memref<!tpu.dma_semaphore, #tpu.memory_space<semaphore_mem>>)
      %dma_wait3A = tpu.memref_slice %arg5[%multiple_of3A_59, %multiple_of3A_56] : memref<192x30720xf32, #tpu.memory_space<hbm>> -> memref<24x1920xf32, #tpu.memory_space<hbm>>
      %dma_wait3A_145 = tpu.memref_slice %arg5[%multiple_of3A_59, %multiple_of3A_56] : memref<192x30720xf32, #tpu.memory_space<hbm>> -> memref<24x1920xf32, #tpu.memory_space<hbm>>
      tpu.wait_dma2 semaphore(%run_scoped3A : memref<!tpu.dma_semaphore, #tpu.memory_space<semaphore_mem>>) src(%arg9 : memref<24x1920xf32, #tpu.memory_space<vmem>>) dst(%dma_wait3A_145 : memref<24x1920xf32, #tpu.memory_space<hbm>>)
      tpu.yield
    }) : () -> ()
    %mul3A_60 = arith.constant 30720 : i32
    %mul3A_61 = arith.muli %select_n3A, %mul3A_60 : i32
    %mul3A_62 = arith.constant 7680 : i32
    %mul3A_63 = arith.muli %select_n3A_30, %mul3A_62 : i32
    %add3A_64 = arith.addi %mul3A_61, %mul3A_63 : i32
    %add3A_65 = arith.constant 1920 : i32
    %add3A_66 = arith.addi %add3A_64, %add3A_65 : i32
    %multiple_of3A_67 = tpu.assume_multiple %add3A_66, 1920 : i32
    "tpu.region"() ({
      %run_scoped3A = tpu.sem_alloc : memref<!tpu.dma_semaphore, #tpu.memory_space<semaphore_mem>>
      %dma_start3A = tpu.memref_slice %arg3[%multiple_of3A_67] : memref<245760xi32, #tpu.memory_space<hbm>> -> memref<1920xi32, #tpu.memory_space<hbm>>
      %dma_start3A_144 = tpu.memref_slice %arg3[%multiple_of3A_67] : memref<245760xi32, #tpu.memory_space<hbm>> -> memref<1920xi32, #tpu.memory_space<hbm>>
      tpu.enqueue_dma source(%dma_start3A_144 : memref<1920xi32, #tpu.memory_space<hbm>>) target(%arg7 : memref<1920xi32, #tpu.memory_space<vmem>>) target_semaphore(%run_scoped3A : memref<!tpu.dma_semaphore, #tpu.memory_space<semaphore_mem>>)
      %dma_wait3A = tpu.memref_slice %arg3[%multiple_of3A_67] : memref<245760xi32, #tpu.memory_space<hbm>> -> memref<1920xi32, #tpu.memory_space<hbm>>
      %dma_wait3A_145 = tpu.memref_slice %arg3[%multiple_of3A_67] : memref<245760xi32, #tpu.memory_space<hbm>> -> memref<1920xi32, #tpu.memory_space<hbm>>
      tpu.wait_dma2 semaphore(%run_scoped3A : memref<!tpu.dma_semaphore, #tpu.memory_space<semaphore_mem>>) src(%dma_wait3A_145 : memref<1920xi32, #tpu.memory_space<hbm>>) dst(%arg7 : memref<1920xi32, #tpu.memory_space<vmem>>)
      tpu.yield
    }) : () -> ()
    %mul3A_68 = arith.constant 256 : i32
    %mul3A_69 = arith.muli %select_n3A_30, %mul3A_68 : i32
    %add3A_70 = arith.constant 64 : i32
    %add3A_71 = arith.addi %mul3A_69, %add3A_70 : i32
    %mul3A_72 = arith.constant 16 : i32
    %mul3A_73 = arith.muli %add3A_71, %mul3A_72 : i32
    %scan3A_74 = arith.constant 0 : i32
    %scan3A_75 = arith.constant 0 : i32
    %scan3A_76 = arith.constant 120 : i32
    %scan3A_77 = arith.addi %scan3A_75, %scan3A_76 : i32
    %scan3A_78 = arith.constant 1 : i32
    scf.for %scan3A_144 = %scan3A_75 to %scan3A_77 step %scan3A_78  : i32 {
      %mul3A_145 = arith.constant 16 : i32
      %mul3A_146 = arith.muli %scan3A_144, %mul3A_145 : i32
      %get3A = arith.index_cast %mul3A_146 : i32 to index
      %get3A_147 = tpu.vector_load %arg7[%get3A] {strides = array<i32>} : memref<1920xi32, #tpu.memory_space<vmem>>, vector<16xi32>,
      %mul3A_148 = arith.constant 16 : i32
      %mul3A_149 = vector.broadcast %mul3A_148 : i32 to vector<16xi32>
      %mul3A_150 = arith.muli %get3A_147, %mul3A_149 : vector<16xi32>
      %get3A_151 = arith.index_cast %mul3A_146 : i32 to index
      %get3A_152 = tpu.vector_load %arg8[%get3A_151] {strides = array<i32>} : memref<1920xi32, #tpu.memory_space<vmem>>, vector<16xi32>,
      %mul3A_153 = arith.constant 16 : i32
      %mul3A_154 = vector.broadcast %mul3A_153 : i32 to vector<16xi32>
      %mul3A_155 = arith.muli %get3A_152, %mul3A_154 : vector<16xi32>
      %add3A_156 = vector.broadcast %mul3A_73 : i32 to vector<16xi32>
      %add3A_157 = arith.addi %mul3A_155, %add3A_156 : vector<16xi32>
      %broadcast_in_dim3A = arith.constant 0 : i32
      %broadcast_in_dim3A_158 = vector.broadcast %broadcast_in_dim3A : i32 to vector<16xi32>
      %add3A_159 = arith.addi %mul3A_150, %broadcast_in_dim3A_158 : vector<16xi32>
      %gather3A = tpu.vector_load_idx %arg6[%add3A_159] : memref<16384xf32, #tpu.memory_space<vmem>>[vector<16xi32>], vector<16xf32>,
      %swap3A = arith.constant 0 : i32
      %swap3A_160 = arith.index_cast %swap3A : i32 to index
      %swap3A_161 = arith.index_cast %mul3A_146 : i32 to index
      %swap3A_162 = tpu.vector_load %arg9[%swap3A_160, %swap3A_161] {strides = array<i32>} : memref<24x1920xf32, #tpu.memory_space<vmem>>, vector<16xf32>,
      tpu.vector_store %arg9[%swap3A_160, %swap3A_161], %gather3A {strides = array<i32>} : memref<24x1920xf32, #tpu.memory_space<vmem>>, vector<16xf32>,
      %add3A_163 = arith.addi %add3A_157, %broadcast_in_dim3A_158 : vector<16xi32>
      %gather3A_164 = tpu.vector_load_idx %arg6[%add3A_163] : memref<16384xf32, #tpu.memory_space<vmem>>[vector<16xi32>], vector<16xf32>,
      %swap3A_165 = arith.constant 12 : i32
      %swap3A_166 = arith.index_cast %swap3A_165 : i32 to index
      %swap3A_167 = arith.index_cast %mul3A_146 : i32 to index
      %swap3A_168 = tpu.vector_load %arg9[%swap3A_166, %swap3A_167] {strides = array<i32>} : memref<24x1920xf32, #tpu.memory_space<vmem>>, vector<16xf32>,
      tpu.vector_store %arg9[%swap3A_166, %swap3A_167], %gather3A_164 {strides = array<i32>} : memref<24x1920xf32, #tpu.memory_space<vmem>>, vector<16xf32>,
      %broadcast_in_dim3A_169 = arith.constant 1 : i32
      %broadcast_in_dim3A_170 = vector.broadcast %broadcast_in_dim3A_169 : i32 to vector<16xi32>
      %add3A_171 = arith.addi %mul3A_150, %broadcast_in_dim3A_170 : vector<16xi32>
      %gather3A_172 = tpu.vector_load_idx %arg6[%add3A_171] : memref<16384xf32, #tpu.memory_space<vmem>>[vector<16xi32>], vector<16xf32>,
      %swap3A_173 = arith.constant 1 : i32
      %swap3A_174 = arith.index_cast %swap3A_173 : i32 to index
      %swap3A_175 = arith.index_cast %mul3A_146 : i32 to index
      %swap3A_176 = tpu.vector_load %arg9[%swap3A_174, %swap3A_175] {strides = array<i32>} : memref<24x1920xf32, #tpu.memory_space<vmem>>, vector<16xf32>,
      tpu.vector_store %arg9[%swap3A_174, %swap3A_175], %gather3A_172 {strides = array<i32>} : memref<24x1920xf32, #tpu.memory_space<vmem>>, vector<16xf32>,
      %add3A_177 = arith.addi %add3A_157, %broadcast_in_dim3A_170 : vector<16xi32>
      %gather3A_178 = tpu.vector_load_idx %arg6[%add3A_177] : memref<16384xf32, #tpu.memory_space<vmem>>[vector<16xi32>], vector<16xf32>,
      %swap3A_179 = arith.constant 13 : i32
      %swap3A_180 = arith.index_cast %swap3A_179 : i32 to index
      %swap3A_181 = arith.index_cast %mul3A_146 : i32 to index
      %swap3A_182 = tpu.vector_load %arg9[%swap3A_180, %swap3A_181] {strides = array<i32>} : memref<24x1920xf32, #tpu.memory_space<vmem>>, vector<16xf32>,
      tpu.vector_store %arg9[%swap3A_180, %swap3A_181], %gather3A_178 {strides = array<i32>} : memref<24x1920xf32, #tpu.memory_space<vmem>>, vector<16xf32>,
      %broadcast_in_dim3A_183 = arith.constant 2 : i32
      %broadcast_in_dim3A_184 = vector.broadcast %broadcast_in_dim3A_183 : i32 to vector<16xi32>
      %add3A_185 = arith.addi %mul3A_150, %broadcast_in_dim3A_184 : vector<16xi32>
      %gather3A_186 = tpu.vector_load_idx %arg6[%add3A_185] : memref<16384xf32, #tpu.memory_space<vmem>>[vector<16xi32>], vector<16xf32>,
      %swap3A_187 = arith.constant 2 : i32
      %swap3A_188 = arith.index_cast %swap3A_187 : i32 to index
      %swap3A_189 = arith.index_cast %mul3A_146 : i32 to index
      %swap3A_190 = tpu.vector_load %arg9[%swap3A_188, %swap3A_189] {strides = array<i32>} : memref<24x1920xf32, #tpu.memory_space<vmem>>, vector<16xf32>,
      tpu.vector_store %arg9[%swap3A_188, %swap3A_189], %gather3A_186 {strides = array<i32>} : memref<24x1920xf32, #tpu.memory_space<vmem>>, vector<16xf32>,
      %add3A_191 = arith.addi %add3A_157, %broadcast_in_dim3A_184 : vector<16xi32>
      %gather3A_192 = tpu.vector_load_idx %arg6[%add3A_191] : memref<16384xf32, #tpu.memory_space<vmem>>[vector<16xi32>], vector<16xf32>,
      %swap3A_193 = arith.constant 14 : i32
      %swap3A_194 = arith.index_cast %swap3A_193 : i32 to index
      %swap3A_195 = arith.index_cast %mul3A_146 : i32 to index
      %swap3A_196 = tpu.vector_load %arg9[%swap3A_194, %swap3A_195] {strides = array<i32>} : memref<24x1920xf32, #tpu.memory_space<vmem>>, vector<16xf32>,
      tpu.vector_store %arg9[%swap3A_194, %swap3A_195], %gather3A_192 {strides = array<i32>} : memref<24x1920xf32, #tpu.memory_space<vmem>>, vector<16xf32>,
      %broadcast_in_dim3A_197 = arith.constant 3 : i32
      %broadcast_in_dim3A_198 = vector.broadcast %broadcast_in_dim3A_197 : i32 to vector<16xi32>
      %add3A_199 = arith.addi %mul3A_150, %broadcast_in_dim3A_198 : vector<16xi32>
      %gather3A_200 = tpu.vector_load_idx %arg6[%add3A_199] : memref<16384xf32, #tpu.memory_space<vmem>>[vector<16xi32>], vector<16xf32>,
      %swap3A_201 = arith.constant 3 : i32
      %swap3A_202 = arith.index_cast %swap3A_201 : i32 to index
      %swap3A_203 = arith.index_cast %mul3A_146 : i32 to index
      %swap3A_204 = tpu.vector_load %arg9[%swap3A_202, %swap3A_203] {strides = array<i32>} : memref<24x1920xf32, #tpu.memory_space<vmem>>, vector<16xf32>,
      tpu.vector_store %arg9[%swap3A_202, %swap3A_203], %gather3A_200 {strides = array<i32>} : memref<24x1920xf32, #tpu.memory_space<vmem>>, vector<16xf32>,
      %add3A_205 = arith.addi %add3A_157, %broadcast_in_dim3A_198 : vector<16xi32>
      %gather3A_206 = tpu.vector_load_idx %arg6[%add3A_205] : memref<16384xf32, #tpu.memory_space<vmem>>[vector<16xi32>], vector<16xf32>,
      %swap3A_207 = arith.constant 15 : i32
      %swap3A_208 = arith.index_cast %swap3A_207 : i32 to index
      %swap3A_209 = arith.index_cast %mul3A_146 : i32 to index
      %swap3A_210 = tpu.vector_load %arg9[%swap3A_208, %swap3A_209] {strides = array<i32>} : memref<24x1920xf32, #tpu.memory_space<vmem>>, vector<16xf32>,
      tpu.vector_store %arg9[%swap3A_208, %swap3A_209], %gather3A_206 {strides = array<i32>} : memref<24x1920xf32, #tpu.memory_space<vmem>>, vector<16xf32>,
      %broadcast_in_dim3A_211 = arith.constant 4 : i32
      %broadcast_in_dim3A_212 = vector.broadcast %broadcast_in_dim3A_211 : i32 to vector<16xi32>
      %add3A_213 = arith.addi %mul3A_150, %broadcast_in_dim3A_212 : vector<16xi32>
      %gather3A_214 = tpu.vector_load_idx %arg6[%add3A_213] : memref<16384xf32, #tpu.memory_space<vmem>>[vector<16xi32>], vector<16xf32>,
      %swap3A_215 = arith.constant 4 : i32
      %swap3A_216 = arith.index_cast %swap3A_215 : i32 to index
      %swap3A_217 = arith.index_cast %mul3A_146 : i32 to index
      %swap3A_218 = tpu.vector_load %arg9[%swap3A_216, %swap3A_217] {strides = array<i32>} : memref<24x1920xf32, #tpu.memory_space<vmem>>, vector<16xf32>,
      tpu.vector_store %arg9[%swap3A_216, %swap3A_217], %gather3A_214 {strides = array<i32>} : memref<24x1920xf32, #tpu.memory_space<vmem>>, vector<16xf32>,
      %add3A_219 = arith.addi %add3A_157, %broadcast_in_dim3A_212 : vector<16xi32>
      %gather3A_220 = tpu.vector_load_idx %arg6[%add3A_219] : memref<16384xf32, #tpu.memory_space<vmem>>[vector<16xi32>], vector<16xf32>,
      %swap3A_221 = arith.constant 16 : i32
      %swap3A_222 = arith.index_cast %swap3A_221 : i32 to index
      %swap3A_223 = arith.index_cast %mul3A_146 : i32 to index
      %swap3A_224 = tpu.vector_load %arg9[%swap3A_222, %swap3A_223] {strides = array<i32>} : memref<24x1920xf32, #tpu.memory_space<vmem>>, vector<16xf32>,
      tpu.vector_store %arg9[%swap3A_222, %swap3A_223], %gather3A_220 {strides = array<i32>} : memref<24x1920xf32, #tpu.memory_space<vmem>>, vector<16xf32>,
      %broadcast_in_dim3A_225 = arith.constant 5 : i32
      %broadcast_in_dim3A_226 = vector.broadcast %broadcast_in_dim3A_225 : i32 to vector<16xi32>
      %add3A_227 = arith.addi %mul3A_150, %broadcast_in_dim3A_226 : vector<16xi32>
      %gather3A_228 = tpu.vector_load_idx %arg6[%add3A_227] : memref<16384xf32, #tpu.memory_space<vmem>>[vector<16xi32>], vector<16xf32>,
      %swap3A_229 = arith.constant 5 : i32
      %swap3A_230 = arith.index_cast %swap3A_229 : i32 to index
      %swap3A_231 = arith.index_cast %mul3A_146 : i32 to index
      %swap3A_232 = tpu.vector_load %arg9[%swap3A_230, %swap3A_231] {strides = array<i32>} : memref<24x1920xf32, #tpu.memory_space<vmem>>, vector<16xf32>,
      tpu.vector_store %arg9[%swap3A_230, %swap3A_231], %gather3A_228 {strides = array<i32>} : memref<24x1920xf32, #tpu.memory_space<vmem>>, vector<16xf32>,
      %add3A_233 = arith.addi %add3A_157, %broadcast_in_dim3A_226 : vector<16xi32>
      %gather3A_234 = tpu.vector_load_idx %arg6[%add3A_233] : memref<16384xf32, #tpu.memory_space<vmem>>[vector<16xi32>], vector<16xf32>,
      %swap3A_235 = arith.constant 17 : i32
      %swap3A_236 = arith.index_cast %swap3A_235 : i32 to index
      %swap3A_237 = arith.index_cast %mul3A_146 : i32 to index
      %swap3A_238 = tpu.vector_load %arg9[%swap3A_236, %swap3A_237] {strides = array<i32>} : memref<24x1920xf32, #tpu.memory_space<vmem>>, vector<16xf32>,
      tpu.vector_store %arg9[%swap3A_236, %swap3A_237], %gather3A_234 {strides = array<i32>} : memref<24x1920xf32, #tpu.memory_space<vmem>>, vector<16xf32>,
      %broadcast_in_dim3A_239 = arith.constant 6 : i32
      %broadcast_in_dim3A_240 = vector.broadcast %broadcast_in_dim3A_239 : i32 to vector<16xi32>
      %add3A_241 = arith.addi %mul3A_150, %broadcast_in_dim3A_240 : vector<16xi32>
      %gather3A_242 = tpu.vector_load_idx %arg6[%add3A_241] : memref<16384xf32, #tpu.memory_space<vmem>>[vector<16xi32>], vector<16xf32>,
      %swap3A_243 = arith.constant 6 : i32
      %swap3A_244 = arith.index_cast %swap3A_243 : i32 to index
      %swap3A_245 = arith.index_cast %mul3A_146 : i32 to index
      %swap3A_246 = tpu.vector_load %arg9[%swap3A_244, %swap3A_245] {strides = array<i32>} : memref<24x1920xf32, #tpu.memory_space<vmem>>, vector<16xf32>,
      tpu.vector_store %arg9[%swap3A_244, %swap3A_245], %gather3A_242 {strides = array<i32>} : memref<24x1920xf32, #tpu.memory_space<vmem>>, vector<16xf32>,
      %add3A_247 = arith.addi %add3A_157, %broadcast_in_dim3A_240 : vector<16xi32>
      %gather3A_248 = tpu.vector_load_idx %arg6[%add3A_247] : memref<16384xf32, #tpu.memory_space<vmem>>[vector<16xi32>], vector<16xf32>,
      %swap3A_249 = arith.constant 18 : i32
      %swap3A_250 = arith.index_cast %swap3A_249 : i32 to index
      %swap3A_251 = arith.index_cast %mul3A_146 : i32 to index
      %swap3A_252 = tpu.vector_load %arg9[%swap3A_250, %swap3A_251] {strides = array<i32>} : memref<24x1920xf32, #tpu.memory_space<vmem>>, vector<16xf32>,
      tpu.vector_store %arg9[%swap3A_250, %swap3A_251], %gather3A_248 {strides = array<i32>} : memref<24x1920xf32, #tpu.memory_space<vmem>>, vector<16xf32>,
      %broadcast_in_dim3A_253 = arith.constant 7 : i32
      %broadcast_in_dim3A_254 = vector.broadcast %broadcast_in_dim3A_253 : i32 to vector<16xi32>
      %add3A_255 = arith.addi %mul3A_150, %broadcast_in_dim3A_254 : vector<16xi32>
      %gather3A_256 = tpu.vector_load_idx %arg6[%add3A_255] : memref<16384xf32, #tpu.memory_space<vmem>>[vector<16xi32>], vector<16xf32>,
      %swap3A_257 = arith.constant 7 : i32
      %swap3A_258 = arith.index_cast %swap3A_257 : i32 to index
      %swap3A_259 = arith.index_cast %mul3A_146 : i32 to index
      %swap3A_260 = tpu.vector_load %arg9[%swap3A_258, %swap3A_259] {strides = array<i32>} : memref<24x1920xf32, #tpu.memory_space<vmem>>, vector<16xf32>,
      tpu.vector_store %arg9[%swap3A_258, %swap3A_259], %gather3A_256 {strides = array<i32>} : memref<24x1920xf32, #tpu.memory_space<vmem>>, vector<16xf32>,
      %add3A_261 = arith.addi %add3A_157, %broadcast_in_dim3A_254 : vector<16xi32>
      %gather3A_262 = tpu.vector_load_idx %arg6[%add3A_261] : memref<16384xf32, #tpu.memory_space<vmem>>[vector<16xi32>], vector<16xf32>,
      %swap3A_263 = arith.constant 19 : i32
      %swap3A_264 = arith.index_cast %swap3A_263 : i32 to index
      %swap3A_265 = arith.index_cast %mul3A_146 : i32 to index
      %swap3A_266 = tpu.vector_load %arg9[%swap3A_264, %swap3A_265] {strides = array<i32>} : memref<24x1920xf32, #tpu.memory_space<vmem>>, vector<16xf32>,
      tpu.vector_store %arg9[%swap3A_264, %swap3A_265], %gather3A_262 {strides = array<i32>} : memref<24x1920xf32, #tpu.memory_space<vmem>>, vector<16xf32>,
      %broadcast_in_dim3A_267 = arith.constant 8 : i32
      %broadcast_in_dim3A_268 = vector.broadcast %broadcast_in_dim3A_267 : i32 to vector<16xi32>
      %add3A_269 = arith.addi %mul3A_150, %broadcast_in_dim3A_268 : vector<16xi32>
      %gather3A_270 = tpu.vector_load_idx %arg6[%add3A_269] : memref<16384xf32, #tpu.memory_space<vmem>>[vector<16xi32>], vector<16xf32>,
      %swap3A_271 = arith.constant 8 : i32
      %swap3A_272 = arith.index_cast %swap3A_271 : i32 to index
      %swap3A_273 = arith.index_cast %mul3A_146 : i32 to index
      %swap3A_274 = tpu.vector_load %arg9[%swap3A_272, %swap3A_273] {strides = array<i32>} : memref<24x1920xf32, #tpu.memory_space<vmem>>, vector<16xf32>,
      tpu.vector_store %arg9[%swap3A_272, %swap3A_273], %gather3A_270 {strides = array<i32>} : memref<24x1920xf32, #tpu.memory_space<vmem>>, vector<16xf32>,
      %add3A_275 = arith.addi %add3A_157, %broadcast_in_dim3A_268 : vector<16xi32>
      %gather3A_276 = tpu.vector_load_idx %arg6[%add3A_275] : memref<16384xf32, #tpu.memory_space<vmem>>[vector<16xi32>], vector<16xf32>,
      %swap3A_277 = arith.constant 20 : i32
      %swap3A_278 = arith.index_cast %swap3A_277 : i32 to index
      %swap3A_279 = arith.index_cast %mul3A_146 : i32 to index
      %swap3A_280 = tpu.vector_load %arg9[%swap3A_278, %swap3A_279] {strides = array<i32>} : memref<24x1920xf32, #tpu.memory_space<vmem>>, vector<16xf32>,
      tpu.vector_store %arg9[%swap3A_278, %swap3A_279], %gather3A_276 {strides = array<i32>} : memref<24x1920xf32, #tpu.memory_space<vmem>>, vector<16xf32>,
      %broadcast_in_dim3A_281 = arith.constant 9 : i32
      %broadcast_in_dim3A_282 = vector.broadcast %broadcast_in_dim3A_281 : i32 to vector<16xi32>
      %add3A_283 = arith.addi %mul3A_150, %broadcast_in_dim3A_282 : vector<16xi32>
      %gather3A_284 = tpu.vector_load_idx %arg6[%add3A_283] : memref<16384xf32, #tpu.memory_space<vmem>>[vector<16xi32>], vector<16xf32>,
      %swap3A_285 = arith.constant 9 : i32
      %swap3A_286 = arith.index_cast %swap3A_285 : i32 to index
      %swap3A_287 = arith.index_cast %mul3A_146 : i32 to index
      %swap3A_288 = tpu.vector_load %arg9[%swap3A_286, %swap3A_287] {strides = array<i32>} : memref<24x1920xf32, #tpu.memory_space<vmem>>, vector<16xf32>,
      tpu.vector_store %arg9[%swap3A_286, %swap3A_287], %gather3A_284 {strides = array<i32>} : memref<24x1920xf32, #tpu.memory_space<vmem>>, vector<16xf32>,
      %add3A_289 = arith.addi %add3A_157, %broadcast_in_dim3A_282 : vector<16xi32>
      %gather3A_290 = tpu.vector_load_idx %arg6[%add3A_289] : memref<16384xf32, #tpu.memory_space<vmem>>[vector<16xi32>], vector<16xf32>,
      %swap3A_291 = arith.constant 21 : i32
      %swap3A_292 = arith.index_cast %swap3A_291 : i32 to index
      %swap3A_293 = arith.index_cast %mul3A_146 : i32 to index
      %swap3A_294 = tpu.vector_load %arg9[%swap3A_292, %swap3A_293] {strides = array<i32>} : memref<24x1920xf32, #tpu.memory_space<vmem>>, vector<16xf32>,
      tpu.vector_store %arg9[%swap3A_292, %swap3A_293], %gather3A_290 {strides = array<i32>} : memref<24x1920xf32, #tpu.memory_space<vmem>>, vector<16xf32>,
      %broadcast_in_dim3A_295 = arith.constant 10 : i32
      %broadcast_in_dim3A_296 = vector.broadcast %broadcast_in_dim3A_295 : i32 to vector<16xi32>
      %add3A_297 = arith.addi %mul3A_150, %broadcast_in_dim3A_296 : vector<16xi32>
      %gather3A_298 = tpu.vector_load_idx %arg6[%add3A_297] : memref<16384xf32, #tpu.memory_space<vmem>>[vector<16xi32>], vector<16xf32>,
      %swap3A_299 = arith.constant 10 : i32
      %swap3A_300 = arith.index_cast %swap3A_299 : i32 to index
      %swap3A_301 = arith.index_cast %mul3A_146 : i32 to index
      %swap3A_302 = tpu.vector_load %arg9[%swap3A_300, %swap3A_301] {strides = array<i32>} : memref<24x1920xf32, #tpu.memory_space<vmem>>, vector<16xf32>,
      tpu.vector_store %arg9[%swap3A_300, %swap3A_301], %gather3A_298 {strides = array<i32>} : memref<24x1920xf32, #tpu.memory_space<vmem>>, vector<16xf32>,
      %add3A_303 = arith.addi %add3A_157, %broadcast_in_dim3A_296 : vector<16xi32>
      %gather3A_304 = tpu.vector_load_idx %arg6[%add3A_303] : memref<16384xf32, #tpu.memory_space<vmem>>[vector<16xi32>], vector<16xf32>,
      %swap3A_305 = arith.constant 22 : i32
      %swap3A_306 = arith.index_cast %swap3A_305 : i32 to index
      %swap3A_307 = arith.index_cast %mul3A_146 : i32 to index
      %swap3A_308 = tpu.vector_load %arg9[%swap3A_306, %swap3A_307] {strides = array<i32>} : memref<24x1920xf32, #tpu.memory_space<vmem>>, vector<16xf32>,
      tpu.vector_store %arg9[%swap3A_306, %swap3A_307], %gather3A_304 {strides = array<i32>} : memref<24x1920xf32, #tpu.memory_space<vmem>>, vector<16xf32>,
      %broadcast_in_dim3A_309 = arith.constant 11 : i32
      %broadcast_in_dim3A_310 = vector.broadcast %broadcast_in_dim3A_309 : i32 to vector<16xi32>
      %add3A_311 = arith.addi %mul3A_150, %broadcast_in_dim3A_310 : vector<16xi32>
      %gather3A_312 = tpu.vector_load_idx %arg6[%add3A_311] : memref<16384xf32, #tpu.memory_space<vmem>>[vector<16xi32>], vector<16xf32>,
      %swap3A_313 = arith.constant 11 : i32
      %swap3A_314 = arith.index_cast %swap3A_313 : i32 to index
      %swap3A_315 = arith.index_cast %mul3A_146 : i32 to index
      %swap3A_316 = tpu.vector_load %arg9[%swap3A_314, %swap3A_315] {strides = array<i32>} : memref<24x1920xf32, #tpu.memory_space<vmem>>, vector<16xf32>,
      tpu.vector_store %arg9[%swap3A_314, %swap3A_315], %gather3A_312 {strides = array<i32>} : memref<24x1920xf32, #tpu.memory_space<vmem>>, vector<16xf32>,
      %add3A_317 = arith.addi %add3A_157, %broadcast_in_dim3A_310 : vector<16xi32>
      %gather3A_318 = tpu.vector_load_idx %arg6[%add3A_317] : memref<16384xf32, #tpu.memory_space<vmem>>[vector<16xi32>], vector<16xf32>,
      %swap3A_319 = arith.constant 23 : i32
      %swap3A_320 = arith.index_cast %swap3A_319 : i32 to index
      %swap3A_321 = arith.index_cast %mul3A_146 : i32 to index
      %swap3A_322 = tpu.vector_load %arg9[%swap3A_320, %swap3A_321] {strides = array<i32>} : memref<24x1920xf32, #tpu.memory_space<vmem>>, vector<16xf32>,
      tpu.vector_store %arg9[%swap3A_320, %swap3A_321], %gather3A_318 {strides = array<i32>} : memref<24x1920xf32, #tpu.memory_space<vmem>>, vector<16xf32>,
    }
    %scan3A_79 = arith.constant 120 : i32
    %mul3A_80 = arith.constant 7680 : i32
    %mul3A_81 = arith.muli %select_n3A_30, %mul3A_80 : i32
    %add3A_82 = arith.constant 1920 : i32
    %add3A_83 = arith.addi %mul3A_81, %add3A_82 : i32
    %multiple_of3A_84 = tpu.assume_multiple %add3A_83, 1920 : i32
    %mul3A_85 = arith.constant 24 : i32
    %mul3A_86 = arith.muli %select_n3A, %mul3A_85 : i32
    %multiple_of3A_87 = tpu.assume_multiple %mul3A_86, 24 : i32
    "tpu.region"() ({
      %run_scoped3A = tpu.sem_alloc : memref<!tpu.dma_semaphore, #tpu.memory_space<semaphore_mem>>
      %dma_start3A = tpu.memref_slice %arg5[%multiple_of3A_87, %multiple_of3A_84] : memref<192x30720xf32, #tpu.memory_space<hbm>> -> memref<24x1920xf32, #tpu.memory_space<hbm>>
      %dma_start3A_144 = tpu.memref_slice %arg5[%multiple_of3A_87, %multiple_of3A_84] : memref<192x30720xf32, #tpu.memory_space<hbm>> -> memref<24x1920xf32, #tpu.memory_space<hbm>>
      tpu.enqueue_dma source(%arg9 : memref<24x1920xf32, #tpu.memory_space<vmem>>) target(%dma_start3A_144 : memref<24x1920xf32, #tpu.memory_space<hbm>>) target_semaphore(%run_scoped3A : memref<!tpu.dma_semaphore, #tpu.memory_space<semaphore_mem>>)
      %dma_wait3A = tpu.memref_slice %arg5[%multiple_of3A_87, %multiple_of3A_84] : memref<192x30720xf32, #tpu.memory_space<hbm>> -> memref<24x1920xf32, #tpu.memory_space<hbm>>
      %dma_wait3A_145 = tpu.memref_slice %arg5[%multiple_of3A_87, %multiple_of3A_84] : memref<192x30720xf32, #tpu.memory_space<hbm>> -> memref<24x1920xf32, #tpu.memory_space<hbm>>
      tpu.wait_dma2 semaphore(%run_scoped3A : memref<!tpu.dma_semaphore, #tpu.memory_space<semaphore_mem>>) src(%arg9 : memref<24x1920xf32, #tpu.memory_space<vmem>>) dst(%dma_wait3A_145 : memref<24x1920xf32, #tpu.memory_space<hbm>>)
      tpu.yield
    }) : () -> ()
    %mul3A_88 = arith.constant 30720 : i32
    %mul3A_89 = arith.muli %select_n3A, %mul3A_88 : i32
    %mul3A_90 = arith.constant 7680 : i32
    %mul3A_91 = arith.muli %select_n3A_30, %mul3A_90 : i32
    %add3A_92 = arith.addi %mul3A_89, %mul3A_91 : i32
    %add3A_93 = arith.constant 3840 : i32
    %add3A_94 = arith.addi %add3A_92, %add3A_93 : i32
    %multiple_of3A_95 = tpu.assume_multiple %add3A_94, 1920 : i32
    "tpu.region"() ({
      %run_scoped3A = tpu.sem_alloc : memref<!tpu.dma_semaphore, #tpu.memory_space<semaphore_mem>>
      %dma_start3A = tpu.memref_slice %arg3[%multiple_of3A_95] : memref<245760xi32, #tpu.memory_space<hbm>> -> memref<1920xi32, #tpu.memory_space<hbm>>
      %dma_start3A_144 = tpu.memref_slice %arg3[%multiple_of3A_95] : memref<245760xi32, #tpu.memory_space<hbm>> -> memref<1920xi32, #tpu.memory_space<hbm>>
      tpu.enqueue_dma source(%dma_start3A_144 : memref<1920xi32, #tpu.memory_space<hbm>>) target(%arg7 : memref<1920xi32, #tpu.memory_space<vmem>>) target_semaphore(%run_scoped3A : memref<!tpu.dma_semaphore, #tpu.memory_space<semaphore_mem>>)
      %dma_wait3A = tpu.memref_slice %arg3[%multiple_of3A_95] : memref<245760xi32, #tpu.memory_space<hbm>> -> memref<1920xi32, #tpu.memory_space<hbm>>
      %dma_wait3A_145 = tpu.memref_slice %arg3[%multiple_of3A_95] : memref<245760xi32, #tpu.memory_space<hbm>> -> memref<1920xi32, #tpu.memory_space<hbm>>
      tpu.wait_dma2 semaphore(%run_scoped3A : memref<!tpu.dma_semaphore, #tpu.memory_space<semaphore_mem>>) src(%dma_wait3A_145 : memref<1920xi32, #tpu.memory_space<hbm>>) dst(%arg7 : memref<1920xi32, #tpu.memory_space<vmem>>)
      tpu.yield
    }) : () -> ()
    %mul3A_96 = arith.constant 256 : i32
    %mul3A_97 = arith.muli %select_n3A_30, %mul3A_96 : i32
    %add3A_98 = arith.constant 128 : i32
    %add3A_99 = arith.addi %mul3A_97, %add3A_98 : i32
    %mul3A_100 = arith.constant 16 : i32
    %mul3A_101 = arith.muli %add3A_99, %mul3A_100 : i32
    %scan3A_102 = arith.constant 0 : i32
    %scan3A_103 = arith.constant 0 : i32
    %scan3A_104 = arith.constant 120 : i32
    %scan3A_105 = arith.addi %scan3A_103, %scan3A_104 : i32
    %scan3A_106 = arith.constant 1 : i32
    scf.for %scan3A_144 = %scan3A_103 to %scan3A_105 step %scan3A_106  : i32 {
      %mul3A_145 = arith.constant 16 : i32
      %mul3A_146 = arith.muli %scan3A_144, %mul3A_145 : i32
      %get3A = arith.index_cast %mul3A_146 : i32 to index
      %get3A_147 = tpu.vector_load %arg7[%get3A] {strides = array<i32>} : memref<1920xi32, #tpu.memory_space<vmem>>, vector<16xi32>,
      %mul3A_148 = arith.constant 16 : i32
      %mul3A_149 = vector.broadcast %mul3A_148 : i32 to vector<16xi32>
      %mul3A_150 = arith.muli %get3A_147, %mul3A_149 : vector<16xi32>
      %get3A_151 = arith.index_cast %mul3A_146 : i32 to index
      %get3A_152 = tpu.vector_load %arg8[%get3A_151] {strides = array<i32>} : memref<1920xi32, #tpu.memory_space<vmem>>, vector<16xi32>,
      %mul3A_153 = arith.constant 16 : i32
      %mul3A_154 = vector.broadcast %mul3A_153 : i32 to vector<16xi32>
      %mul3A_155 = arith.muli %get3A_152, %mul3A_154 : vector<16xi32>
      %add3A_156 = vector.broadcast %mul3A_101 : i32 to vector<16xi32>
      %add3A_157 = arith.addi %mul3A_155, %add3A_156 : vector<16xi32>
      %broadcast_in_dim3A = arith.constant 0 : i32
      %broadcast_in_dim3A_158 = vector.broadcast %broadcast_in_dim3A : i32 to vector<16xi32>
      %add3A_159 = arith.addi %mul3A_150, %broadcast_in_dim3A_158 : vector<16xi32>
      %gather3A = tpu.vector_load_idx %arg6[%add3A_159] : memref<16384xf32, #tpu.memory_space<vmem>>[vector<16xi32>], vector<16xf32>,
      %swap3A = arith.constant 0 : i32
      %swap3A_160 = arith.index_cast %swap3A : i32 to index
      %swap3A_161 = arith.index_cast %mul3A_146 : i32 to index
      %swap3A_162 = tpu.vector_load %arg9[%swap3A_160, %swap3A_161] {strides = array<i32>} : memref<24x1920xf32, #tpu.memory_space<vmem>>, vector<16xf32>,
      tpu.vector_store %arg9[%swap3A_160, %swap3A_161], %gather3A {strides = array<i32>} : memref<24x1920xf32, #tpu.memory_space<vmem>>, vector<16xf32>,
      %add3A_163 = arith.addi %add3A_157, %broadcast_in_dim3A_158 : vector<16xi32>
      %gather3A_164 = tpu.vector_load_idx %arg6[%add3A_163] : memref<16384xf32, #tpu.memory_space<vmem>>[vector<16xi32>], vector<16xf32>,
      %swap3A_165 = arith.constant 12 : i32
      %swap3A_166 = arith.index_cast %swap3A_165 : i32 to index
      %swap3A_167 = arith.index_cast %mul3A_146 : i32 to index
      %swap3A_168 = tpu.vector_load %arg9[%swap3A_166, %swap3A_167] {strides = array<i32>} : memref<24x1920xf32, #tpu.memory_space<vmem>>, vector<16xf32>,
      tpu.vector_store %arg9[%swap3A_166, %swap3A_167], %gather3A_164 {strides = array<i32>} : memref<24x1920xf32, #tpu.memory_space<vmem>>, vector<16xf32>,
      %broadcast_in_dim3A_169 = arith.constant 1 : i32
      %broadcast_in_dim3A_170 = vector.broadcast %broadcast_in_dim3A_169 : i32 to vector<16xi32>
      %add3A_171 = arith.addi %mul3A_150, %broadcast_in_dim3A_170 : vector<16xi32>
      %gather3A_172 = tpu.vector_load_idx %arg6[%add3A_171] : memref<16384xf32, #tpu.memory_space<vmem>>[vector<16xi32>], vector<16xf32>,
      %swap3A_173 = arith.constant 1 : i32
      %swap3A_174 = arith.index_cast %swap3A_173 : i32 to index
      %swap3A_175 = arith.index_cast %mul3A_146 : i32 to index
      %swap3A_176 = tpu.vector_load %arg9[%swap3A_174, %swap3A_175] {strides = array<i32>} : memref<24x1920xf32, #tpu.memory_space<vmem>>, vector<16xf32>,
      tpu.vector_store %arg9[%swap3A_174, %swap3A_175], %gather3A_172 {strides = array<i32>} : memref<24x1920xf32, #tpu.memory_space<vmem>>, vector<16xf32>,
      %add3A_177 = arith.addi %add3A_157, %broadcast_in_dim3A_170 : vector<16xi32>
      %gather3A_178 = tpu.vector_load_idx %arg6[%add3A_177] : memref<16384xf32, #tpu.memory_space<vmem>>[vector<16xi32>], vector<16xf32>,
      %swap3A_179 = arith.constant 13 : i32
      %swap3A_180 = arith.index_cast %swap3A_179 : i32 to index
      %swap3A_181 = arith.index_cast %mul3A_146 : i32 to index
      %swap3A_182 = tpu.vector_load %arg9[%swap3A_180, %swap3A_181] {strides = array<i32>} : memref<24x1920xf32, #tpu.memory_space<vmem>>, vector<16xf32>,
      tpu.vector_store %arg9[%swap3A_180, %swap3A_181], %gather3A_178 {strides = array<i32>} : memref<24x1920xf32, #tpu.memory_space<vmem>>, vector<16xf32>,
      %broadcast_in_dim3A_183 = arith.constant 2 : i32
      %broadcast_in_dim3A_184 = vector.broadcast %broadcast_in_dim3A_183 : i32 to vector<16xi32>
      %add3A_185 = arith.addi %mul3A_150, %broadcast_in_dim3A_184 : vector<16xi32>
      %gather3A_186 = tpu.vector_load_idx %arg6[%add3A_185] : memref<16384xf32, #tpu.memory_space<vmem>>[vector<16xi32>], vector<16xf32>,
      %swap3A_187 = arith.constant 2 : i32
      %swap3A_188 = arith.index_cast %swap3A_187 : i32 to index
      %swap3A_189 = arith.index_cast %mul3A_146 : i32 to index
      %swap3A_190 = tpu.vector_load %arg9[%swap3A_188, %swap3A_189] {strides = array<i32>} : memref<24x1920xf32, #tpu.memory_space<vmem>>, vector<16xf32>,
      tpu.vector_store %arg9[%swap3A_188, %swap3A_189], %gather3A_186 {strides = array<i32>} : memref<24x1920xf32, #tpu.memory_space<vmem>>, vector<16xf32>,
      %add3A_191 = arith.addi %add3A_157, %broadcast_in_dim3A_184 : vector<16xi32>
      %gather3A_192 = tpu.vector_load_idx %arg6[%add3A_191] : memref<16384xf32, #tpu.memory_space<vmem>>[vector<16xi32>], vector<16xf32>,
      %swap3A_193 = arith.constant 14 : i32
      %swap3A_194 = arith.index_cast %swap3A_193 : i32 to index
      %swap3A_195 = arith.index_cast %mul3A_146 : i32 to index
      %swap3A_196 = tpu.vector_load %arg9[%swap3A_194, %swap3A_195] {strides = array<i32>} : memref<24x1920xf32, #tpu.memory_space<vmem>>, vector<16xf32>,
      tpu.vector_store %arg9[%swap3A_194, %swap3A_195], %gather3A_192 {strides = array<i32>} : memref<24x1920xf32, #tpu.memory_space<vmem>>, vector<16xf32>,
      %broadcast_in_dim3A_197 = arith.constant 3 : i32
      %broadcast_in_dim3A_198 = vector.broadcast %broadcast_in_dim3A_197 : i32 to vector<16xi32>
      %add3A_199 = arith.addi %mul3A_150, %broadcast_in_dim3A_198 : vector<16xi32>
      %gather3A_200 = tpu.vector_load_idx %arg6[%add3A_199] : memref<16384xf32, #tpu.memory_space<vmem>>[vector<16xi32>], vector<16xf32>,
      %swap3A_201 = arith.constant 3 : i32
      %swap3A_202 = arith.index_cast %swap3A_201 : i32 to index
      %swap3A_203 = arith.index_cast %mul3A_146 : i32 to index
      %swap3A_204 = tpu.vector_load %arg9[%swap3A_202, %swap3A_203] {strides = array<i32>} : memref<24x1920xf32, #tpu.memory_space<vmem>>, vector<16xf32>,
      tpu.vector_store %arg9[%swap3A_202, %swap3A_203], %gather3A_200 {strides = array<i32>} : memref<24x1920xf32, #tpu.memory_space<vmem>>, vector<16xf32>,
      %add3A_205 = arith.addi %add3A_157, %broadcast_in_dim3A_198 : vector<16xi32>
      %gather3A_206 = tpu.vector_load_idx %arg6[%add3A_205] : memref<16384xf32, #tpu.memory_space<vmem>>[vector<16xi32>], vector<16xf32>,
      %swap3A_207 = arith.constant 15 : i32
      %swap3A_208 = arith.index_cast %swap3A_207 : i32 to index
      %swap3A_209 = arith.index_cast %mul3A_146 : i32 to index
      %swap3A_210 = tpu.vector_load %arg9[%swap3A_208, %swap3A_209] {strides = array<i32>} : memref<24x1920xf32, #tpu.memory_space<vmem>>, vector<16xf32>,
      tpu.vector_store %arg9[%swap3A_208, %swap3A_209], %gather3A_206 {strides = array<i32>} : memref<24x1920xf32, #tpu.memory_space<vmem>>, vector<16xf32>,
      %broadcast_in_dim3A_211 = arith.constant 4 : i32
      %broadcast_in_dim3A_212 = vector.broadcast %broadcast_in_dim3A_211 : i32 to vector<16xi32>
      %add3A_213 = arith.addi %mul3A_150, %broadcast_in_dim3A_212 : vector<16xi32>
      %gather3A_214 = tpu.vector_load_idx %arg6[%add3A_213] : memref<16384xf32, #tpu.memory_space<vmem>>[vector<16xi32>], vector<16xf32>,
      %swap3A_215 = arith.constant 4 : i32
      %swap3A_216 = arith.index_cast %swap3A_215 : i32 to index
      %swap3A_217 = arith.index_cast %mul3A_146 : i32 to index
      %swap3A_218 = tpu.vector_load %arg9[%swap3A_216, %swap3A_217] {strides = array<i32>} : memref<24x1920xf32, #tpu.memory_space<vmem>>, vector<16xf32>,
      tpu.vector_store %arg9[%swap3A_216, %swap3A_217], %gather3A_214 {strides = array<i32>} : memref<24x1920xf32, #tpu.memory_space<vmem>>, vector<16xf32>,
      %add3A_219 = arith.addi %add3A_157, %broadcast_in_dim3A_212 : vector<16xi32>
      %gather3A_220 = tpu.vector_load_idx %arg6[%add3A_219] : memref<16384xf32, #tpu.memory_space<vmem>>[vector<16xi32>], vector<16xf32>,
      %swap3A_221 = arith.constant 16 : i32
      %swap3A_222 = arith.index_cast %swap3A_221 : i32 to index
      %swap3A_223 = arith.index_cast %mul3A_146 : i32 to index
      %swap3A_224 = tpu.vector_load %arg9[%swap3A_222, %swap3A_223] {strides = array<i32>} : memref<24x1920xf32, #tpu.memory_space<vmem>>, vector<16xf32>,
      tpu.vector_store %arg9[%swap3A_222, %swap3A_223], %gather3A_220 {strides = array<i32>} : memref<24x1920xf32, #tpu.memory_space<vmem>>, vector<16xf32>,
      %broadcast_in_dim3A_225 = arith.constant 5 : i32
      %broadcast_in_dim3A_226 = vector.broadcast %broadcast_in_dim3A_225 : i32 to vector<16xi32>
      %add3A_227 = arith.addi %mul3A_150, %broadcast_in_dim3A_226 : vector<16xi32>
      %gather3A_228 = tpu.vector_load_idx %arg6[%add3A_227] : memref<16384xf32, #tpu.memory_space<vmem>>[vector<16xi32>], vector<16xf32>,
      %swap3A_229 = arith.constant 5 : i32
      %swap3A_230 = arith.index_cast %swap3A_229 : i32 to index
      %swap3A_231 = arith.index_cast %mul3A_146 : i32 to index
      %swap3A_232 = tpu.vector_load %arg9[%swap3A_230, %swap3A_231] {strides = array<i32>} : memref<24x1920xf32, #tpu.memory_space<vmem>>, vector<16xf32>,
      tpu.vector_store %arg9[%swap3A_230, %swap3A_231], %gather3A_228 {strides = array<i32>} : memref<24x1920xf32, #tpu.memory_space<vmem>>, vector<16xf32>,
      %add3A_233 = arith.addi %add3A_157, %broadcast_in_dim3A_226 : vector<16xi32>
      %gather3A_234 = tpu.vector_load_idx %arg6[%add3A_233] : memref<16384xf32, #tpu.memory_space<vmem>>[vector<16xi32>], vector<16xf32>,
      %swap3A_235 = arith.constant 17 : i32
      %swap3A_236 = arith.index_cast %swap3A_235 : i32 to index
      %swap3A_237 = arith.index_cast %mul3A_146 : i32 to index
      %swap3A_238 = tpu.vector_load %arg9[%swap3A_236, %swap3A_237] {strides = array<i32>} : memref<24x1920xf32, #tpu.memory_space<vmem>>, vector<16xf32>,
      tpu.vector_store %arg9[%swap3A_236, %swap3A_237], %gather3A_234 {strides = array<i32>} : memref<24x1920xf32, #tpu.memory_space<vmem>>, vector<16xf32>,
      %broadcast_in_dim3A_239 = arith.constant 6 : i32
      %broadcast_in_dim3A_240 = vector.broadcast %broadcast_in_dim3A_239 : i32 to vector<16xi32>
      %add3A_241 = arith.addi %mul3A_150, %broadcast_in_dim3A_240 : vector<16xi32>
      %gather3A_242 = tpu.vector_load_idx %arg6[%add3A_241] : memref<16384xf32, #tpu.memory_space<vmem>>[vector<16xi32>], vector<16xf32>,
      %swap3A_243 = arith.constant 6 : i32
      %swap3A_244 = arith.index_cast %swap3A_243 : i32 to index
      %swap3A_245 = arith.index_cast %mul3A_146 : i32 to index
      %swap3A_246 = tpu.vector_load %arg9[%swap3A_244, %swap3A_245] {strides = array<i32>} : memref<24x1920xf32, #tpu.memory_space<vmem>>, vector<16xf32>,
      tpu.vector_store %arg9[%swap3A_244, %swap3A_245], %gather3A_242 {strides = array<i32>} : memref<24x1920xf32, #tpu.memory_space<vmem>>, vector<16xf32>,
      %add3A_247 = arith.addi %add3A_157, %broadcast_in_dim3A_240 : vector<16xi32>
      %gather3A_248 = tpu.vector_load_idx %arg6[%add3A_247] : memref<16384xf32, #tpu.memory_space<vmem>>[vector<16xi32>], vector<16xf32>,
      %swap3A_249 = arith.constant 18 : i32
      %swap3A_250 = arith.index_cast %swap3A_249 : i32 to index
      %swap3A_251 = arith.index_cast %mul3A_146 : i32 to index
      %swap3A_252 = tpu.vector_load %arg9[%swap3A_250, %swap3A_251] {strides = array<i32>} : memref<24x1920xf32, #tpu.memory_space<vmem>>, vector<16xf32>,
      tpu.vector_store %arg9[%swap3A_250, %swap3A_251], %gather3A_248 {strides = array<i32>} : memref<24x1920xf32, #tpu.memory_space<vmem>>, vector<16xf32>,
      %broadcast_in_dim3A_253 = arith.constant 7 : i32
      %broadcast_in_dim3A_254 = vector.broadcast %broadcast_in_dim3A_253 : i32 to vector<16xi32>
      %add3A_255 = arith.addi %mul3A_150, %broadcast_in_dim3A_254 : vector<16xi32>
      %gather3A_256 = tpu.vector_load_idx %arg6[%add3A_255] : memref<16384xf32, #tpu.memory_space<vmem>>[vector<16xi32>], vector<16xf32>,
      %swap3A_257 = arith.constant 7 : i32
      %swap3A_258 = arith.index_cast %swap3A_257 : i32 to index
      %swap3A_259 = arith.index_cast %mul3A_146 : i32 to index
      %swap3A_260 = tpu.vector_load %arg9[%swap3A_258, %swap3A_259] {strides = array<i32>} : memref<24x1920xf32, #tpu.memory_space<vmem>>, vector<16xf32>,
      tpu.vector_store %arg9[%swap3A_258, %swap3A_259], %gather3A_256 {strides = array<i32>} : memref<24x1920xf32, #tpu.memory_space<vmem>>, vector<16xf32>,
      %add3A_261 = arith.addi %add3A_157, %broadcast_in_dim3A_254 : vector<16xi32>
      %gather3A_262 = tpu.vector_load_idx %arg6[%add3A_261] : memref<16384xf32, #tpu.memory_space<vmem>>[vector<16xi32>], vector<16xf32>,
      %swap3A_263 = arith.constant 19 : i32
      %swap3A_264 = arith.index_cast %swap3A_263 : i32 to index
      %swap3A_265 = arith.index_cast %mul3A_146 : i32 to index
      %swap3A_266 = tpu.vector_load %arg9[%swap3A_264, %swap3A_265] {strides = array<i32>} : memref<24x1920xf32, #tpu.memory_space<vmem>>, vector<16xf32>,
      tpu.vector_store %arg9[%swap3A_264, %swap3A_265], %gather3A_262 {strides = array<i32>} : memref<24x1920xf32, #tpu.memory_space<vmem>>, vector<16xf32>,
      %broadcast_in_dim3A_267 = arith.constant 8 : i32
      %broadcast_in_dim3A_268 = vector.broadcast %broadcast_in_dim3A_267 : i32 to vector<16xi32>
      %add3A_269 = arith.addi %mul3A_150, %broadcast_in_dim3A_268 : vector<16xi32>
      %gather3A_270 = tpu.vector_load_idx %arg6[%add3A_269] : memref<16384xf32, #tpu.memory_space<vmem>>[vector<16xi32>], vector<16xf32>,
      %swap3A_271 = arith.constant 8 : i32
      %swap3A_272 = arith.index_cast %swap3A_271 : i32 to index
      %swap3A_273 = arith.index_cast %mul3A_146 : i32 to index
      %swap3A_274 = tpu.vector_load %arg9[%swap3A_272, %swap3A_273] {strides = array<i32>} : memref<24x1920xf32, #tpu.memory_space<vmem>>, vector<16xf32>,
      tpu.vector_store %arg9[%swap3A_272, %swap3A_273], %gather3A_270 {strides = array<i32>} : memref<24x1920xf32, #tpu.memory_space<vmem>>, vector<16xf32>,
      %add3A_275 = arith.addi %add3A_157, %broadcast_in_dim3A_268 : vector<16xi32>
      %gather3A_276 = tpu.vector_load_idx %arg6[%add3A_275] : memref<16384xf32, #tpu.memory_space<vmem>>[vector<16xi32>], vector<16xf32>,
      %swap3A_277 = arith.constant 20 : i32
      %swap3A_278 = arith.index_cast %swap3A_277 : i32 to index
      %swap3A_279 = arith.index_cast %mul3A_146 : i32 to index
      %swap3A_280 = tpu.vector_load %arg9[%swap3A_278, %swap3A_279] {strides = array<i32>} : memref<24x1920xf32, #tpu.memory_space<vmem>>, vector<16xf32>,
      tpu.vector_store %arg9[%swap3A_278, %swap3A_279], %gather3A_276 {strides = array<i32>} : memref<24x1920xf32, #tpu.memory_space<vmem>>, vector<16xf32>,
      %broadcast_in_dim3A_281 = arith.constant 9 : i32
      %broadcast_in_dim3A_282 = vector.broadcast %broadcast_in_dim3A_281 : i32 to vector<16xi32>
      %add3A_283 = arith.addi %mul3A_150, %broadcast_in_dim3A_282 : vector<16xi32>
      %gather3A_284 = tpu.vector_load_idx %arg6[%add3A_283] : memref<16384xf32, #tpu.memory_space<vmem>>[vector<16xi32>], vector<16xf32>,
      %swap3A_285 = arith.constant 9 : i32
      %swap3A_286 = arith.index_cast %swap3A_285 : i32 to index
      %swap3A_287 = arith.index_cast %mul3A_146 : i32 to index
      %swap3A_288 = tpu.vector_load %arg9[%swap3A_286, %swap3A_287] {strides = array<i32>} : memref<24x1920xf32, #tpu.memory_space<vmem>>, vector<16xf32>,
      tpu.vector_store %arg9[%swap3A_286, %swap3A_287], %gather3A_284 {strides = array<i32>} : memref<24x1920xf32, #tpu.memory_space<vmem>>, vector<16xf32>,
      %add3A_289 = arith.addi %add3A_157, %broadcast_in_dim3A_282 : vector<16xi32>
      %gather3A_290 = tpu.vector_load_idx %arg6[%add3A_289] : memref<16384xf32, #tpu.memory_space<vmem>>[vector<16xi32>], vector<16xf32>,
      %swap3A_291 = arith.constant 21 : i32
      %swap3A_292 = arith.index_cast %swap3A_291 : i32 to index
      %swap3A_293 = arith.index_cast %mul3A_146 : i32 to index
      %swap3A_294 = tpu.vector_load %arg9[%swap3A_292, %swap3A_293] {strides = array<i32>} : memref<24x1920xf32, #tpu.memory_space<vmem>>, vector<16xf32>,
      tpu.vector_store %arg9[%swap3A_292, %swap3A_293], %gather3A_290 {strides = array<i32>} : memref<24x1920xf32, #tpu.memory_space<vmem>>, vector<16xf32>,
      %broadcast_in_dim3A_295 = arith.constant 10 : i32
      %broadcast_in_dim3A_296 = vector.broadcast %broadcast_in_dim3A_295 : i32 to vector<16xi32>
      %add3A_297 = arith.addi %mul3A_150, %broadcast_in_dim3A_296 : vector<16xi32>
      %gather3A_298 = tpu.vector_load_idx %arg6[%add3A_297] : memref<16384xf32, #tpu.memory_space<vmem>>[vector<16xi32>], vector<16xf32>,
      %swap3A_299 = arith.constant 10 : i32
      %swap3A_300 = arith.index_cast %swap3A_299 : i32 to index
      %swap3A_301 = arith.index_cast %mul3A_146 : i32 to index
      %swap3A_302 = tpu.vector_load %arg9[%swap3A_300, %swap3A_301] {strides = array<i32>} : memref<24x1920xf32, #tpu.memory_space<vmem>>, vector<16xf32>,
      tpu.vector_store %arg9[%swap3A_300, %swap3A_301], %gather3A_298 {strides = array<i32>} : memref<24x1920xf32, #tpu.memory_space<vmem>>, vector<16xf32>,
      %add3A_303 = arith.addi %add3A_157, %broadcast_in_dim3A_296 : vector<16xi32>
      %gather3A_304 = tpu.vector_load_idx %arg6[%add3A_303] : memref<16384xf32, #tpu.memory_space<vmem>>[vector<16xi32>], vector<16xf32>,
      %swap3A_305 = arith.constant 22 : i32
      %swap3A_306 = arith.index_cast %swap3A_305 : i32 to index
      %swap3A_307 = arith.index_cast %mul3A_146 : i32 to index
      %swap3A_308 = tpu.vector_load %arg9[%swap3A_306, %swap3A_307] {strides = array<i32>} : memref<24x1920xf32, #tpu.memory_space<vmem>>, vector<16xf32>,
      tpu.vector_store %arg9[%swap3A_306, %swap3A_307], %gather3A_304 {strides = array<i32>} : memref<24x1920xf32, #tpu.memory_space<vmem>>, vector<16xf32>,
      %broadcast_in_dim3A_309 = arith.constant 11 : i32
      %broadcast_in_dim3A_310 = vector.broadcast %broadcast_in_dim3A_309 : i32 to vector<16xi32>
      %add3A_311 = arith.addi %mul3A_150, %broadcast_in_dim3A_310 : vector<16xi32>
      %gather3A_312 = tpu.vector_load_idx %arg6[%add3A_311] : memref<16384xf32, #tpu.memory_space<vmem>>[vector<16xi32>], vector<16xf32>,
      %swap3A_313 = arith.constant 11 : i32
      %swap3A_314 = arith.index_cast %swap3A_313 : i32 to index
      %swap3A_315 = arith.index_cast %mul3A_146 : i32 to index
      %swap3A_316 = tpu.vector_load %arg9[%swap3A_314, %swap3A_315] {strides = array<i32>} : memref<24x1920xf32, #tpu.memory_space<vmem>>, vector<16xf32>,
      tpu.vector_store %arg9[%swap3A_314, %swap3A_315], %gather3A_312 {strides = array<i32>} : memref<24x1920xf32, #tpu.memory_space<vmem>>, vector<16xf32>,
      %add3A_317 = arith.addi %add3A_157, %broadcast_in_dim3A_310 : vector<16xi32>
      %gather3A_318 = tpu.vector_load_idx %arg6[%add3A_317] : memref<16384xf32, #tpu.memory_space<vmem>>[vector<16xi32>], vector<16xf32>,
      %swap3A_319 = arith.constant 23 : i32
      %swap3A_320 = arith.index_cast %swap3A_319 : i32 to index
      %swap3A_321 = arith.index_cast %mul3A_146 : i32 to index
      %swap3A_322 = tpu.vector_load %arg9[%swap3A_320, %swap3A_321] {strides = array<i32>} : memref<24x1920xf32, #tpu.memory_space<vmem>>, vector<16xf32>,
      tpu.vector_store %arg9[%swap3A_320, %swap3A_321], %gather3A_318 {strides = array<i32>} : memref<24x1920xf32, #tpu.memory_space<vmem>>, vector<16xf32>,
    }
    %scan3A_107 = arith.constant 120 : i32
    %mul3A_108 = arith.constant 7680 : i32
    %mul3A_109 = arith.muli %select_n3A_30, %mul3A_108 : i32
    %add3A_110 = arith.constant 3840 : i32
    %add3A_111 = arith.addi %mul3A_109, %add3A_110 : i32
    %multiple_of3A_112 = tpu.assume_multiple %add3A_111, 1920 : i32
    %mul3A_113 = arith.constant 24 : i32
    %mul3A_114 = arith.muli %select_n3A, %mul3A_113 : i32
    %multiple_of3A_115 = tpu.assume_multiple %mul3A_114, 24 : i32
    "tpu.region"() ({
      %run_scoped3A = tpu.sem_alloc : memref<!tpu.dma_semaphore, #tpu.memory_space<semaphore_mem>>
      %dma_start3A = tpu.memref_slice %arg5[%multiple_of3A_115, %multiple_of3A_112] : memref<192x30720xf32, #tpu.memory_space<hbm>> -> memref<24x1920xf32, #tpu.memory_space<hbm>>
      %dma_start3A_144 = tpu.memref_slice %arg5[%multiple_of3A_115, %multiple_of3A_112] : memref<192x30720xf32, #tpu.memory_space<hbm>> -> memref<24x1920xf32, #tpu.memory_space<hbm>>
      tpu.enqueue_dma source(%arg9 : memref<24x1920xf32, #tpu.memory_space<vmem>>) target(%dma_start3A_144 : memref<24x1920xf32, #tpu.memory_space<hbm>>) target_semaphore(%run_scoped3A : memref<!tpu.dma_semaphore, #tpu.memory_space<semaphore_mem>>)
      %dma_wait3A = tpu.memref_slice %arg5[%multiple_of3A_115, %multiple_of3A_112] : memref<192x30720xf32, #tpu.memory_space<hbm>> -> memref<24x1920xf32, #tpu.memory_space<hbm>>
      %dma_wait3A_145 = tpu.memref_slice %arg5[%multiple_of3A_115, %multiple_of3A_112] : memref<192x30720xf32, #tpu.memory_space<hbm>> -> memref<24x1920xf32, #tpu.memory_space<hbm>>
      tpu.wait_dma2 semaphore(%run_scoped3A : memref<!tpu.dma_semaphore, #tpu.memory_space<semaphore_mem>>) src(%arg9 : memref<24x1920xf32, #tpu.memory_space<vmem>>) dst(%dma_wait3A_145 : memref<24x1920xf32, #tpu.memory_space<hbm>>)
      tpu.yield
    }) : () -> ()
    %mul3A_116 = arith.constant 30720 : i32
    %mul3A_117 = arith.muli %select_n3A, %mul3A_116 : i32
    %mul3A_118 = arith.constant 7680 : i32
    %mul3A_119 = arith.muli %select_n3A_30, %mul3A_118 : i32
    %add3A_120 = arith.addi %mul3A_117, %mul3A_119 : i32
    %add3A_121 = arith.constant 5760 : i32
    %add3A_122 = arith.addi %add3A_120, %add3A_121 : i32
    %multiple_of3A_123 = tpu.assume_multiple %add3A_122, 1920 : i32
    "tpu.region"() ({
      %run_scoped3A = tpu.sem_alloc : memref<!tpu.dma_semaphore, #tpu.memory_space<semaphore_mem>>
      %dma_start3A = tpu.memref_slice %arg3[%multiple_of3A_123] : memref<245760xi32, #tpu.memory_space<hbm>> -> memref<1920xi32, #tpu.memory_space<hbm>>
      %dma_start3A_144 = tpu.memref_slice %arg3[%multiple_of3A_123] : memref<245760xi32, #tpu.memory_space<hbm>> -> memref<1920xi32, #tpu.memory_space<hbm>>
      tpu.enqueue_dma source(%dma_start3A_144 : memref<1920xi32, #tpu.memory_space<hbm>>) target(%arg7 : memref<1920xi32, #tpu.memory_space<vmem>>) target_semaphore(%run_scoped3A : memref<!tpu.dma_semaphore, #tpu.memory_space<semaphore_mem>>)
      %dma_wait3A = tpu.memref_slice %arg3[%multiple_of3A_123] : memref<245760xi32, #tpu.memory_space<hbm>> -> memref<1920xi32, #tpu.memory_space<hbm>>
      %dma_wait3A_145 = tpu.memref_slice %arg3[%multiple_of3A_123] : memref<245760xi32, #tpu.memory_space<hbm>> -> memref<1920xi32, #tpu.memory_space<hbm>>
      tpu.wait_dma2 semaphore(%run_scoped3A : memref<!tpu.dma_semaphore, #tpu.memory_space<semaphore_mem>>) src(%dma_wait3A_145 : memref<1920xi32, #tpu.memory_space<hbm>>) dst(%arg7 : memref<1920xi32, #tpu.memory_space<vmem>>)
      tpu.yield
    }) : () -> ()
    %mul3A_124 = arith.constant 256 : i32
    %mul3A_125 = arith.muli %select_n3A_30, %mul3A_124 : i32
    %add3A_126 = arith.constant 192 : i32
    %add3A_127 = arith.addi %mul3A_125, %add3A_126 : i32
    %mul3A_128 = arith.constant 16 : i32
    %mul3A_129 = arith.muli %add3A_127, %mul3A_128 : i32
    %scan3A_130 = arith.constant 0 : i32
    %scan3A_131 = arith.constant 0 : i32
    %scan3A_132 = arith.constant 120 : i32
    %scan3A_133 = arith.addi %scan3A_131, %scan3A_132 : i32
    %scan3A_134 = arith.constant 1 : i32
    scf.for %scan3A_144 = %scan3A_131 to %scan3A_133 step %scan3A_134  : i32 {
      %mul3A_145 = arith.constant 16 : i32
      %mul3A_146 = arith.muli %scan3A_144, %mul3A_145 : i32
      %get3A = arith.index_cast %mul3A_146 : i32 to index
      %get3A_147 = tpu.vector_load %arg7[%get3A] {strides = array<i32>} : memref<1920xi32, #tpu.memory_space<vmem>>, vector<16xi32>,
      %mul3A_148 = arith.constant 16 : i32
      %mul3A_149 = vector.broadcast %mul3A_148 : i32 to vector<16xi32>
      %mul3A_150 = arith.muli %get3A_147, %mul3A_149 : vector<16xi32>
      %get3A_151 = arith.index_cast %mul3A_146 : i32 to index
      %get3A_152 = tpu.vector_load %arg8[%get3A_151] {strides = array<i32>} : memref<1920xi32, #tpu.memory_space<vmem>>, vector<16xi32>,
      %mul3A_153 = arith.constant 16 : i32
      %mul3A_154 = vector.broadcast %mul3A_153 : i32 to vector<16xi32>
      %mul3A_155 = arith.muli %get3A_152, %mul3A_154 : vector<16xi32>
      %add3A_156 = vector.broadcast %mul3A_129 : i32 to vector<16xi32>
      %add3A_157 = arith.addi %mul3A_155, %add3A_156 : vector<16xi32>
      %broadcast_in_dim3A = arith.constant 0 : i32
      %broadcast_in_dim3A_158 = vector.broadcast %broadcast_in_dim3A : i32 to vector<16xi32>
      %add3A_159 = arith.addi %mul3A_150, %broadcast_in_dim3A_158 : vector<16xi32>
      %gather3A = tpu.vector_load_idx %arg6[%add3A_159] : memref<16384xf32, #tpu.memory_space<vmem>>[vector<16xi32>], vector<16xf32>,
      %swap3A = arith.constant 0 : i32
      %swap3A_160 = arith.index_cast %swap3A : i32 to index
      %swap3A_161 = arith.index_cast %mul3A_146 : i32 to index
      %swap3A_162 = tpu.vector_load %arg9[%swap3A_160, %swap3A_161] {strides = array<i32>} : memref<24x1920xf32, #tpu.memory_space<vmem>>, vector<16xf32>,
      tpu.vector_store %arg9[%swap3A_160, %swap3A_161], %gather3A {strides = array<i32>} : memref<24x1920xf32, #tpu.memory_space<vmem>>, vector<16xf32>,
      %add3A_163 = arith.addi %add3A_157, %broadcast_in_dim3A_158 : vector<16xi32>
      %gather3A_164 = tpu.vector_load_idx %arg6[%add3A_163] : memref<16384xf32, #tpu.memory_space<vmem>>[vector<16xi32>], vector<16xf32>,
      %swap3A_165 = arith.constant 12 : i32
      %swap3A_166 = arith.index_cast %swap3A_165 : i32 to index
      %swap3A_167 = arith.index_cast %mul3A_146 : i32 to index
      %swap3A_168 = tpu.vector_load %arg9[%swap3A_166, %swap3A_167] {strides = array<i32>} : memref<24x1920xf32, #tpu.memory_space<vmem>>, vector<16xf32>,
      tpu.vector_store %arg9[%swap3A_166, %swap3A_167], %gather3A_164 {strides = array<i32>} : memref<24x1920xf32, #tpu.memory_space<vmem>>, vector<16xf32>,
      %broadcast_in_dim3A_169 = arith.constant 1 : i32
      %broadcast_in_dim3A_170 = vector.broadcast %broadcast_in_dim3A_169 : i32 to vector<16xi32>
      %add3A_171 = arith.addi %mul3A_150, %broadcast_in_dim3A_170 : vector<16xi32>
      %gather3A_172 = tpu.vector_load_idx %arg6[%add3A_171] : memref<16384xf32, #tpu.memory_space<vmem>>[vector<16xi32>], vector<16xf32>,
      %swap3A_173 = arith.constant 1 : i32
      %swap3A_174 = arith.index_cast %swap3A_173 : i32 to index
      %swap3A_175 = arith.index_cast %mul3A_146 : i32 to index
      %swap3A_176 = tpu.vector_load %arg9[%swap3A_174, %swap3A_175] {strides = array<i32>} : memref<24x1920xf32, #tpu.memory_space<vmem>>, vector<16xf32>,
      tpu.vector_store %arg9[%swap3A_174, %swap3A_175], %gather3A_172 {strides = array<i32>} : memref<24x1920xf32, #tpu.memory_space<vmem>>, vector<16xf32>,
      %add3A_177 = arith.addi %add3A_157, %broadcast_in_dim3A_170 : vector<16xi32>
      %gather3A_178 = tpu.vector_load_idx %arg6[%add3A_177] : memref<16384xf32, #tpu.memory_space<vmem>>[vector<16xi32>], vector<16xf32>,
      %swap3A_179 = arith.constant 13 : i32
      %swap3A_180 = arith.index_cast %swap3A_179 : i32 to index
      %swap3A_181 = arith.index_cast %mul3A_146 : i32 to index
      %swap3A_182 = tpu.vector_load %arg9[%swap3A_180, %swap3A_181] {strides = array<i32>} : memref<24x1920xf32, #tpu.memory_space<vmem>>, vector<16xf32>,
      tpu.vector_store %arg9[%swap3A_180, %swap3A_181], %gather3A_178 {strides = array<i32>} : memref<24x1920xf32, #tpu.memory_space<vmem>>, vector<16xf32>,
      %broadcast_in_dim3A_183 = arith.constant 2 : i32
      %broadcast_in_dim3A_184 = vector.broadcast %broadcast_in_dim3A_183 : i32 to vector<16xi32>
      %add3A_185 = arith.addi %mul3A_150, %broadcast_in_dim3A_184 : vector<16xi32>
      %gather3A_186 = tpu.vector_load_idx %arg6[%add3A_185] : memref<16384xf32, #tpu.memory_space<vmem>>[vector<16xi32>], vector<16xf32>,
      %swap3A_187 = arith.constant 2 : i32
      %swap3A_188 = arith.index_cast %swap3A_187 : i32 to index
      %swap3A_189 = arith.index_cast %mul3A_146 : i32 to index
      %swap3A_190 = tpu.vector_load %arg9[%swap3A_188, %swap3A_189] {strides = array<i32>} : memref<24x1920xf32, #tpu.memory_space<vmem>>, vector<16xf32>,
      tpu.vector_store %arg9[%swap3A_188, %swap3A_189], %gather3A_186 {strides = array<i32>} : memref<24x1920xf32, #tpu.memory_space<vmem>>, vector<16xf32>,
      %add3A_191 = arith.addi %add3A_157, %broadcast_in_dim3A_184 : vector<16xi32>
      %gather3A_192 = tpu.vector_load_idx %arg6[%add3A_191] : memref<16384xf32, #tpu.memory_space<vmem>>[vector<16xi32>], vector<16xf32>,
      %swap3A_193 = arith.constant 14 : i32
      %swap3A_194 = arith.index_cast %swap3A_193 : i32 to index
      %swap3A_195 = arith.index_cast %mul3A_146 : i32 to index
      %swap3A_196 = tpu.vector_load %arg9[%swap3A_194, %swap3A_195] {strides = array<i32>} : memref<24x1920xf32, #tpu.memory_space<vmem>>, vector<16xf32>,
      tpu.vector_store %arg9[%swap3A_194, %swap3A_195], %gather3A_192 {strides = array<i32>} : memref<24x1920xf32, #tpu.memory_space<vmem>>, vector<16xf32>,
      %broadcast_in_dim3A_197 = arith.constant 3 : i32
      %broadcast_in_dim3A_198 = vector.broadcast %broadcast_in_dim3A_197 : i32 to vector<16xi32>
      %add3A_199 = arith.addi %mul3A_150, %broadcast_in_dim3A_198 : vector<16xi32>
      %gather3A_200 = tpu.vector_load_idx %arg6[%add3A_199] : memref<16384xf32, #tpu.memory_space<vmem>>[vector<16xi32>], vector<16xf32>,
      %swap3A_201 = arith.constant 3 : i32
      %swap3A_202 = arith.index_cast %swap3A_201 : i32 to index
      %swap3A_203 = arith.index_cast %mul3A_146 : i32 to index
      %swap3A_204 = tpu.vector_load %arg9[%swap3A_202, %swap3A_203] {strides = array<i32>} : memref<24x1920xf32, #tpu.memory_space<vmem>>, vector<16xf32>,
      tpu.vector_store %arg9[%swap3A_202, %swap3A_203], %gather3A_200 {strides = array<i32>} : memref<24x1920xf32, #tpu.memory_space<vmem>>, vector<16xf32>,
      %add3A_205 = arith.addi %add3A_157, %broadcast_in_dim3A_198 : vector<16xi32>
      %gather3A_206 = tpu.vector_load_idx %arg6[%add3A_205] : memref<16384xf32, #tpu.memory_space<vmem>>[vector<16xi32>], vector<16xf32>,
      %swap3A_207 = arith.constant 15 : i32
      %swap3A_208 = arith.index_cast %swap3A_207 : i32 to index
      %swap3A_209 = arith.index_cast %mul3A_146 : i32 to index
      %swap3A_210 = tpu.vector_load %arg9[%swap3A_208, %swap3A_209] {strides = array<i32>} : memref<24x1920xf32, #tpu.memory_space<vmem>>, vector<16xf32>,
      tpu.vector_store %arg9[%swap3A_208, %swap3A_209], %gather3A_206 {strides = array<i32>} : memref<24x1920xf32, #tpu.memory_space<vmem>>, vector<16xf32>,
      %broadcast_in_dim3A_211 = arith.constant 4 : i32
      %broadcast_in_dim3A_212 = vector.broadcast %broadcast_in_dim3A_211 : i32 to vector<16xi32>
      %add3A_213 = arith.addi %mul3A_150, %broadcast_in_dim3A_212 : vector<16xi32>
      %gather3A_214 = tpu.vector_load_idx %arg6[%add3A_213] : memref<16384xf32, #tpu.memory_space<vmem>>[vector<16xi32>], vector<16xf32>,
      %swap3A_215 = arith.constant 4 : i32
      %swap3A_216 = arith.index_cast %swap3A_215 : i32 to index
      %swap3A_217 = arith.index_cast %mul3A_146 : i32 to index
      %swap3A_218 = tpu.vector_load %arg9[%swap3A_216, %swap3A_217] {strides = array<i32>} : memref<24x1920xf32, #tpu.memory_space<vmem>>, vector<16xf32>,
      tpu.vector_store %arg9[%swap3A_216, %swap3A_217], %gather3A_214 {strides = array<i32>} : memref<24x1920xf32, #tpu.memory_space<vmem>>, vector<16xf32>,
      %add3A_219 = arith.addi %add3A_157, %broadcast_in_dim3A_212 : vector<16xi32>
      %gather3A_220 = tpu.vector_load_idx %arg6[%add3A_219] : memref<16384xf32, #tpu.memory_space<vmem>>[vector<16xi32>], vector<16xf32>,
      %swap3A_221 = arith.constant 16 : i32
      %swap3A_222 = arith.index_cast %swap3A_221 : i32 to index
      %swap3A_223 = arith.index_cast %mul3A_146 : i32 to index
      %swap3A_224 = tpu.vector_load %arg9[%swap3A_222, %swap3A_223] {strides = array<i32>} : memref<24x1920xf32, #tpu.memory_space<vmem>>, vector<16xf32>,
      tpu.vector_store %arg9[%swap3A_222, %swap3A_223], %gather3A_220 {strides = array<i32>} : memref<24x1920xf32, #tpu.memory_space<vmem>>, vector<16xf32>,
      %broadcast_in_dim3A_225 = arith.constant 5 : i32
      %broadcast_in_dim3A_226 = vector.broadcast %broadcast_in_dim3A_225 : i32 to vector<16xi32>
      %add3A_227 = arith.addi %mul3A_150, %broadcast_in_dim3A_226 : vector<16xi32>
      %gather3A_228 = tpu.vector_load_idx %arg6[%add3A_227] : memref<16384xf32, #tpu.memory_space<vmem>>[vector<16xi32>], vector<16xf32>,
      %swap3A_229 = arith.constant 5 : i32
      %swap3A_230 = arith.index_cast %swap3A_229 : i32 to index
      %swap3A_231 = arith.index_cast %mul3A_146 : i32 to index
      %swap3A_232 = tpu.vector_load %arg9[%swap3A_230, %swap3A_231] {strides = array<i32>} : memref<24x1920xf32, #tpu.memory_space<vmem>>, vector<16xf32>,
      tpu.vector_store %arg9[%swap3A_230, %swap3A_231], %gather3A_228 {strides = array<i32>} : memref<24x1920xf32, #tpu.memory_space<vmem>>, vector<16xf32>,
      %add3A_233 = arith.addi %add3A_157, %broadcast_in_dim3A_226 : vector<16xi32>
      %gather3A_234 = tpu.vector_load_idx %arg6[%add3A_233] : memref<16384xf32, #tpu.memory_space<vmem>>[vector<16xi32>], vector<16xf32>,
      %swap3A_235 = arith.constant 17 : i32
      %swap3A_236 = arith.index_cast %swap3A_235 : i32 to index
      %swap3A_237 = arith.index_cast %mul3A_146 : i32 to index
      %swap3A_238 = tpu.vector_load %arg9[%swap3A_236, %swap3A_237] {strides = array<i32>} : memref<24x1920xf32, #tpu.memory_space<vmem>>, vector<16xf32>,
      tpu.vector_store %arg9[%swap3A_236, %swap3A_237], %gather3A_234 {strides = array<i32>} : memref<24x1920xf32, #tpu.memory_space<vmem>>, vector<16xf32>,
      %broadcast_in_dim3A_239 = arith.constant 6 : i32
      %broadcast_in_dim3A_240 = vector.broadcast %broadcast_in_dim3A_239 : i32 to vector<16xi32>
      %add3A_241 = arith.addi %mul3A_150, %broadcast_in_dim3A_240 : vector<16xi32>
      %gather3A_242 = tpu.vector_load_idx %arg6[%add3A_241] : memref<16384xf32, #tpu.memory_space<vmem>>[vector<16xi32>], vector<16xf32>,
      %swap3A_243 = arith.constant 6 : i32
      %swap3A_244 = arith.index_cast %swap3A_243 : i32 to index
      %swap3A_245 = arith.index_cast %mul3A_146 : i32 to index
      %swap3A_246 = tpu.vector_load %arg9[%swap3A_244, %swap3A_245] {strides = array<i32>} : memref<24x1920xf32, #tpu.memory_space<vmem>>, vector<16xf32>,
      tpu.vector_store %arg9[%swap3A_244, %swap3A_245], %gather3A_242 {strides = array<i32>} : memref<24x1920xf32, #tpu.memory_space<vmem>>, vector<16xf32>,
      %add3A_247 = arith.addi %add3A_157, %broadcast_in_dim3A_240 : vector<16xi32>
      %gather3A_248 = tpu.vector_load_idx %arg6[%add3A_247] : memref<16384xf32, #tpu.memory_space<vmem>>[vector<16xi32>], vector<16xf32>,
      %swap3A_249 = arith.constant 18 : i32
      %swap3A_250 = arith.index_cast %swap3A_249 : i32 to index
      %swap3A_251 = arith.index_cast %mul3A_146 : i32 to index
      %swap3A_252 = tpu.vector_load %arg9[%swap3A_250, %swap3A_251] {strides = array<i32>} : memref<24x1920xf32, #tpu.memory_space<vmem>>, vector<16xf32>,
      tpu.vector_store %arg9[%swap3A_250, %swap3A_251], %gather3A_248 {strides = array<i32>} : memref<24x1920xf32, #tpu.memory_space<vmem>>, vector<16xf32>,
      %broadcast_in_dim3A_253 = arith.constant 7 : i32
      %broadcast_in_dim3A_254 = vector.broadcast %broadcast_in_dim3A_253 : i32 to vector<16xi32>
      %add3A_255 = arith.addi %mul3A_150, %broadcast_in_dim3A_254 : vector<16xi32>
      %gather3A_256 = tpu.vector_load_idx %arg6[%add3A_255] : memref<16384xf32, #tpu.memory_space<vmem>>[vector<16xi32>], vector<16xf32>,
      %swap3A_257 = arith.constant 7 : i32
      %swap3A_258 = arith.index_cast %swap3A_257 : i32 to index
      %swap3A_259 = arith.index_cast %mul3A_146 : i32 to index
      %swap3A_260 = tpu.vector_load %arg9[%swap3A_258, %swap3A_259] {strides = array<i32>} : memref<24x1920xf32, #tpu.memory_space<vmem>>, vector<16xf32>,
      tpu.vector_store %arg9[%swap3A_258, %swap3A_259], %gather3A_256 {strides = array<i32>} : memref<24x1920xf32, #tpu.memory_space<vmem>>, vector<16xf32>,
      %add3A_261 = arith.addi %add3A_157, %broadcast_in_dim3A_254 : vector<16xi32>
      %gather3A_262 = tpu.vector_load_idx %arg6[%add3A_261] : memref<16384xf32, #tpu.memory_space<vmem>>[vector<16xi32>], vector<16xf32>,
      %swap3A_263 = arith.constant 19 : i32
      %swap3A_264 = arith.index_cast %swap3A_263 : i32 to index
      %swap3A_265 = arith.index_cast %mul3A_146 : i32 to index
      %swap3A_266 = tpu.vector_load %arg9[%swap3A_264, %swap3A_265] {strides = array<i32>} : memref<24x1920xf32, #tpu.memory_space<vmem>>, vector<16xf32>,
      tpu.vector_store %arg9[%swap3A_264, %swap3A_265], %gather3A_262 {strides = array<i32>} : memref<24x1920xf32, #tpu.memory_space<vmem>>, vector<16xf32>,
      %broadcast_in_dim3A_267 = arith.constant 8 : i32
      %broadcast_in_dim3A_268 = vector.broadcast %broadcast_in_dim3A_267 : i32 to vector<16xi32>
      %add3A_269 = arith.addi %mul3A_150, %broadcast_in_dim3A_268 : vector<16xi32>
      %gather3A_270 = tpu.vector_load_idx %arg6[%add3A_269] : memref<16384xf32, #tpu.memory_space<vmem>>[vector<16xi32>], vector<16xf32>,
      %swap3A_271 = arith.constant 8 : i32
      %swap3A_272 = arith.index_cast %swap3A_271 : i32 to index
      %swap3A_273 = arith.index_cast %mul3A_146 : i32 to index
      %swap3A_274 = tpu.vector_load %arg9[%swap3A_272, %swap3A_273] {strides = array<i32>} : memref<24x1920xf32, #tpu.memory_space<vmem>>, vector<16xf32>,
      tpu.vector_store %arg9[%swap3A_272, %swap3A_273], %gather3A_270 {strides = array<i32>} : memref<24x1920xf32, #tpu.memory_space<vmem>>, vector<16xf32>,
      %add3A_275 = arith.addi %add3A_157, %broadcast_in_dim3A_268 : vector<16xi32>
      %gather3A_276 = tpu.vector_load_idx %arg6[%add3A_275] : memref<16384xf32, #tpu.memory_space<vmem>>[vector<16xi32>], vector<16xf32>,
      %swap3A_277 = arith.constant 20 : i32
      %swap3A_278 = arith.index_cast %swap3A_277 : i32 to index
      %swap3A_279 = arith.index_cast %mul3A_146 : i32 to index
      %swap3A_280 = tpu.vector_load %arg9[%swap3A_278, %swap3A_279] {strides = array<i32>} : memref<24x1920xf32, #tpu.memory_space<vmem>>, vector<16xf32>,
      tpu.vector_store %arg9[%swap3A_278, %swap3A_279], %gather3A_276 {strides = array<i32>} : memref<24x1920xf32, #tpu.memory_space<vmem>>, vector<16xf32>,
      %broadcast_in_dim3A_281 = arith.constant 9 : i32
      %broadcast_in_dim3A_282 = vector.broadcast %broadcast_in_dim3A_281 : i32 to vector<16xi32>
      %add3A_283 = arith.addi %mul3A_150, %broadcast_in_dim3A_282 : vector<16xi32>
      %gather3A_284 = tpu.vector_load_idx %arg6[%add3A_283] : memref<16384xf32, #tpu.memory_space<vmem>>[vector<16xi32>], vector<16xf32>,
      %swap3A_285 = arith.constant 9 : i32
      %swap3A_286 = arith.index_cast %swap3A_285 : i32 to index
      %swap3A_287 = arith.index_cast %mul3A_146 : i32 to index
      %swap3A_288 = tpu.vector_load %arg9[%swap3A_286, %swap3A_287] {strides = array<i32>} : memref<24x1920xf32, #tpu.memory_space<vmem>>, vector<16xf32>,
      tpu.vector_store %arg9[%swap3A_286, %swap3A_287], %gather3A_284 {strides = array<i32>} : memref<24x1920xf32, #tpu.memory_space<vmem>>, vector<16xf32>,
      %add3A_289 = arith.addi %add3A_157, %broadcast_in_dim3A_282 : vector<16xi32>
      %gather3A_290 = tpu.vector_load_idx %arg6[%add3A_289] : memref<16384xf32, #tpu.memory_space<vmem>>[vector<16xi32>], vector<16xf32>,
      %swap3A_291 = arith.constant 21 : i32
      %swap3A_292 = arith.index_cast %swap3A_291 : i32 to index
      %swap3A_293 = arith.index_cast %mul3A_146 : i32 to index
      %swap3A_294 = tpu.vector_load %arg9[%swap3A_292, %swap3A_293] {strides = array<i32>} : memref<24x1920xf32, #tpu.memory_space<vmem>>, vector<16xf32>,
      tpu.vector_store %arg9[%swap3A_292, %swap3A_293], %gather3A_290 {strides = array<i32>} : memref<24x1920xf32, #tpu.memory_space<vmem>>, vector<16xf32>,
      %broadcast_in_dim3A_295 = arith.constant 10 : i32
      %broadcast_in_dim3A_296 = vector.broadcast %broadcast_in_dim3A_295 : i32 to vector<16xi32>
      %add3A_297 = arith.addi %mul3A_150, %broadcast_in_dim3A_296 : vector<16xi32>
      %gather3A_298 = tpu.vector_load_idx %arg6[%add3A_297] : memref<16384xf32, #tpu.memory_space<vmem>>[vector<16xi32>], vector<16xf32>,
      %swap3A_299 = arith.constant 10 : i32
      %swap3A_300 = arith.index_cast %swap3A_299 : i32 to index
      %swap3A_301 = arith.index_cast %mul3A_146 : i32 to index
      %swap3A_302 = tpu.vector_load %arg9[%swap3A_300, %swap3A_301] {strides = array<i32>} : memref<24x1920xf32, #tpu.memory_space<vmem>>, vector<16xf32>,
      tpu.vector_store %arg9[%swap3A_300, %swap3A_301], %gather3A_298 {strides = array<i32>} : memref<24x1920xf32, #tpu.memory_space<vmem>>, vector<16xf32>,
      %add3A_303 = arith.addi %add3A_157, %broadcast_in_dim3A_296 : vector<16xi32>
      %gather3A_304 = tpu.vector_load_idx %arg6[%add3A_303] : memref<16384xf32, #tpu.memory_space<vmem>>[vector<16xi32>], vector<16xf32>,
      %swap3A_305 = arith.constant 22 : i32
      %swap3A_306 = arith.index_cast %swap3A_305 : i32 to index
      %swap3A_307 = arith.index_cast %mul3A_146 : i32 to index
      %swap3A_308 = tpu.vector_load %arg9[%swap3A_306, %swap3A_307] {strides = array<i32>} : memref<24x1920xf32, #tpu.memory_space<vmem>>, vector<16xf32>,
      tpu.vector_store %arg9[%swap3A_306, %swap3A_307], %gather3A_304 {strides = array<i32>} : memref<24x1920xf32, #tpu.memory_space<vmem>>, vector<16xf32>,
      %broadcast_in_dim3A_309 = arith.constant 11 : i32
      %broadcast_in_dim3A_310 = vector.broadcast %broadcast_in_dim3A_309 : i32 to vector<16xi32>
      %add3A_311 = arith.addi %mul3A_150, %broadcast_in_dim3A_310 : vector<16xi32>
      %gather3A_312 = tpu.vector_load_idx %arg6[%add3A_311] : memref<16384xf32, #tpu.memory_space<vmem>>[vector<16xi32>], vector<16xf32>,
      %swap3A_313 = arith.constant 11 : i32
      %swap3A_314 = arith.index_cast %swap3A_313 : i32 to index
      %swap3A_315 = arith.index_cast %mul3A_146 : i32 to index
      %swap3A_316 = tpu.vector_load %arg9[%swap3A_314, %swap3A_315] {strides = array<i32>} : memref<24x1920xf32, #tpu.memory_space<vmem>>, vector<16xf32>,
      tpu.vector_store %arg9[%swap3A_314, %swap3A_315], %gather3A_312 {strides = array<i32>} : memref<24x1920xf32, #tpu.memory_space<vmem>>, vector<16xf32>,
      %add3A_317 = arith.addi %add3A_157, %broadcast_in_dim3A_310 : vector<16xi32>
      %gather3A_318 = tpu.vector_load_idx %arg6[%add3A_317] : memref<16384xf32, #tpu.memory_space<vmem>>[vector<16xi32>], vector<16xf32>,
      %swap3A_319 = arith.constant 23 : i32
      %swap3A_320 = arith.index_cast %swap3A_319 : i32 to index
      %swap3A_321 = arith.index_cast %mul3A_146 : i32 to index
      %swap3A_322 = tpu.vector_load %arg9[%swap3A_320, %swap3A_321] {strides = array<i32>} : memref<24x1920xf32, #tpu.memory_space<vmem>>, vector<16xf32>,
      tpu.vector_store %arg9[%swap3A_320, %swap3A_321], %gather3A_318 {strides = array<i32>} : memref<24x1920xf32, #tpu.memory_space<vmem>>, vector<16xf32>,
    }
    %scan3A_135 = arith.constant 120 : i32
    %mul3A_136 = arith.constant 7680 : i32
    %mul3A_137 = arith.muli %select_n3A_30, %mul3A_136 : i32
    %add3A_138 = arith.constant 5760 : i32
    %add3A_139 = arith.addi %mul3A_137, %add3A_138 : i32
    %multiple_of3A_140 = tpu.assume_multiple %add3A_139, 1920 : i32
    %mul3A_141 = arith.constant 24 : i32
    %mul3A_142 = arith.muli %select_n3A, %mul3A_141 : i32
    %multiple_of3A_143 = tpu.assume_multiple %mul3A_142, 24 : i32
    "tpu.region"() ({
      %run_scoped3A = tpu.sem_alloc : memref<!tpu.dma_semaphore, #tpu.memory_space<semaphore_mem>>
      %dma_start3A = tpu.memref_slice %arg5[%multiple_of3A_143, %multiple_of3A_140] : memref<192x30720xf32, #tpu.memory_space<hbm>> -> memref<24x1920xf32, #tpu.memory_space<hbm>>
      %dma_start3A_144 = tpu.memref_slice %arg5[%multiple_of3A_143, %multiple_of3A_140] : memref<192x30720xf32, #tpu.memory_space<hbm>> -> memref<24x1920xf32, #tpu.memory_space<hbm>>
      tpu.enqueue_dma source(%arg9 : memref<24x1920xf32, #tpu.memory_space<vmem>>) target(%dma_start3A_144 : memref<24x1920xf32, #tpu.memory_space<hbm>>) target_semaphore(%run_scoped3A : memref<!tpu.dma_semaphore, #tpu.memory_space<semaphore_mem>>)
      %dma_wait3A = tpu.memref_slice %arg5[%multiple_of3A_143, %multiple_of3A_140] : memref<192x30720xf32, #tpu.memory_space<hbm>> -> memref<24x1920xf32, #tpu.memory_space<hbm>>
      %dma_wait3A_145 = tpu.memref_slice %arg5[%multiple_of3A_143, %multiple_of3A_140] : memref<192x30720xf32, #tpu.memory_space<hbm>> -> memref<24x1920xf32, #tpu.memory_space<hbm>>
      tpu.wait_dma2 semaphore(%run_scoped3A : memref<!tpu.dma_semaphore, #tpu.memory_space<semaphore_mem>>) src(%arg9 : memref<24x1920xf32, #tpu.memory_space<vmem>>) dst(%dma_wait3A_145 : memref<24x1920xf32, #tpu.memory_space<hbm>>)
      tpu.yield
    }) : () -> ()
    return
  }
}

module attributes {stable_mosaic.version = 14 : i64} {
  func.func @_knn_body(%arg0: i32, %arg1: i32, %arg2: memref<1x128x3xf32, #tpu.memory_space<vmem>>, %arg3: memref<1x3x1024xf32, #tpu.memory_space<vmem>>, %arg4: memref<1x128x3xf32, #tpu.memory_space<vmem>>, %arg5: memref<1x128x3xf32, #tpu.memory_space<vmem>>, %arg6: memref<1x128x16xf32, #tpu.memory_space<vmem>>, %arg7: memref<1x128x30xf32, #tpu.memory_space<vmem>>, %arg8: memref<1x128x30xi32, #tpu.memory_space<vmem>>) attributes {dimension_semantics = [#tpu.dimension_semantics<arbitrary>, #tpu.dimension_semantics<arbitrary>], iteration_bounds = array<i64: 8, 8>, scalar_prefetch = 0 : i64, scratch_operands = 0 : i64, tpu.core_type = #tpu.core_type<tc>, window_params = [{transform_indices = @transform_0, window_bounds = array<i64: 1, 128, 3>}, {transform_indices = @transform_1, window_bounds = array<i64: 1, 3, 1024>}, {transform_indices = @transform_2, window_bounds = array<i64: 1, 128, 3>}, {transform_indices = @transform_3, window_bounds = array<i64: 1, 128, 3>}, {transform_indices = @transform_4, window_bounds = array<i64: 1, 128, 16>}, {transform_indices = @transform_5, window_bounds = array<i64: 1, 128, 30>}, {transform_indices = @transform_6, window_bounds = array<i64: 1, 128, 30>}]} {
    %get3A = arith.constant 0 : index
    %get3A_0 = arith.constant 0 : index
    %get3A_1 = arith.constant 0 : index
    %get3A_2 = vector.load %arg2[%get3A, %get3A_0, %get3A_1] : memref<1x128x3xf32, #tpu.memory_space<vmem>>, vector<1x128x3xf32>
    %get3A_3 = vector.shape_cast %get3A_2 : vector<1x128x3xf32> to vector<128x3xf32>
    %slice3A = vector.extract_strided_slice %get3A_3 {offsets = [0, 0], sizes = [128, 1], strides = [1, 1]} : vector<128x3xf32> to vector<128x1xf32>
    %slice3A_4 = vector.extract_strided_slice %get3A_3 {offsets = [0, 1], sizes = [128, 1], strides = [1, 1]} : vector<128x3xf32> to vector<128x1xf32>
    %slice3A_5 = vector.extract_strided_slice %get3A_3 {offsets = [0, 2], sizes = [128, 1], strides = [1, 1]} : vector<128x3xf32> to vector<128x1xf32>
    %get3A_6 = arith.constant 0 : index
    %get3A_7 = arith.constant 0 : index
    %get3A_8 = arith.constant 0 : index
    %get3A_9 = vector.load %arg3[%get3A_6, %get3A_7, %get3A_8] : memref<1x3x1024xf32, #tpu.memory_space<vmem>>, vector<1x1x1024xf32>
    %get3A_10 = vector.shape_cast %get3A_9 : vector<1x1x1024xf32> to vector<1x1024xf32>
    %get3A_11 = arith.constant 0 : index
    %get3A_12 = arith.constant 1 : index
    %get3A_13 = arith.constant 0 : index
    %get3A_14 = vector.load %arg3[%get3A_11, %get3A_12, %get3A_13] : memref<1x3x1024xf32, #tpu.memory_space<vmem>>, vector<1x1x1024xf32>
    %get3A_15 = vector.shape_cast %get3A_14 : vector<1x1x1024xf32> to vector<1x1024xf32>
    %get3A_16 = arith.constant 0 : index
    %get3A_17 = arith.constant 2 : index
    %get3A_18 = arith.constant 0 : index
    %get3A_19 = vector.load %arg3[%get3A_16, %get3A_17, %get3A_18] : memref<1x3x1024xf32, #tpu.memory_space<vmem>>, vector<1x1x1024xf32>
    %get3A_20 = vector.shape_cast %get3A_19 : vector<1x1x1024xf32> to vector<1x1024xf32>
    %sub3A = vector.broadcast %slice3A : vector<128x1xf32> to vector<128x1024xf32>
    %sub3A_21 = vector.broadcast %get3A_10 : vector<1x1024xf32> to vector<128x1024xf32>
    %sub3A_22 = arith.subf %sub3A, %sub3A_21 : vector<128x1024xf32>
    %integer_pow3A = arith.mulf %sub3A_22, %sub3A_22 : vector<128x1024xf32>
    %sub3A_23 = vector.broadcast %slice3A_4 : vector<128x1xf32> to vector<128x1024xf32>
    %sub3A_24 = vector.broadcast %get3A_15 : vector<1x1024xf32> to vector<128x1024xf32>
    %sub3A_25 = arith.subf %sub3A_23, %sub3A_24 : vector<128x1024xf32>
    %integer_pow3A_26 = arith.mulf %sub3A_25, %sub3A_25 : vector<128x1024xf32>
    %add3A = arith.addf %integer_pow3A, %integer_pow3A_26 : vector<128x1024xf32>
    %sub3A_27 = vector.broadcast %slice3A_5 : vector<128x1xf32> to vector<128x1024xf32>
    %sub3A_28 = vector.broadcast %get3A_20 : vector<1x1024xf32> to vector<128x1024xf32>
    %sub3A_29 = arith.subf %sub3A_27, %sub3A_28 : vector<128x1024xf32>
    %integer_pow3A_30 = arith.mulf %sub3A_29, %sub3A_29 : vector<128x1024xf32>
    %add3A_31 = arith.addf %add3A, %integer_pow3A_30 : vector<128x1024xf32>
    %add3A_32 = arith.constant 9.99999997E-7 : f32
    %add3A_33 = vector.broadcast %add3A_32 : f32 to vector<128x1024xf32>
    %add3A_34 = arith.addf %add3A_31, %add3A_33 : vector<128x1024xf32>
    %sqrt3A = math.sqrt %add3A_34 : vector<128x1024xf32>
    %neg3A = arith.constant 0.000000e+00 : f32
    %neg3A_35 = vector.broadcast %neg3A : f32 to vector<128x1024xf32>
    %neg3A_36 = arith.subf %neg3A_35, %sqrt3A : vector<128x1024xf32>
    %iota3A = tpu.iota {dimensions = array<i32: 1>} : vector<128x1024xi32>
    %reduce_max3A = arith.constant dense<0xFF800000> : vector<128xf32>
    %reduce_max3A_37 = vector.multi_reduction <maximumf>, %neg3A_36, %reduce_max3A [1] : vector<128x1024xf32> to vector<128xf32>
    %broadcast_in_dim3A = vector.shape_cast %reduce_max3A_37 : vector<128xf32> to vector<128x1xf32>
    %eq3A = vector.broadcast %broadcast_in_dim3A : vector<128x1xf32> to vector<128x1024xf32>
    %eq3A_38 = arith.cmpf oeq, %neg3A_36, %eq3A : vector<128x1024xf32>
    %jit3A = arith.constant 1073741824 : i32
    %broadcast_in_dim3A_39 = vector.broadcast %jit3A : i32 to vector<128x1024xi32>
    %select_n3A = arith.select %eq3A_38, %iota3A, %broadcast_in_dim3A_39 : vector<128x1024xi1>, vector<128x1024xi32>
    %reduce_min3A = arith.constant dense<2147483647> : vector<128xi32>
    %reduce_min3A_40 = vector.multi_reduction <minsi>, %select_n3A, %reduce_min3A [1] : vector<128x1024xi32> to vector<128xi32>
    %broadcast_in_dim3A_41 = vector.shape_cast %reduce_min3A_40 : vector<128xi32> to vector<128x1xi32>
    %eq3A_42 = vector.broadcast %broadcast_in_dim3A_41 : vector<128x1xi32> to vector<128x1024xi32>
    %eq3A_43 = arith.cmpi eq, %iota3A, %eq3A_42 : vector<128x1024xi32>
    %jit3A_44 = arith.constant 0xFF800000 : f32
    %broadcast_in_dim3A_45 = vector.broadcast %jit3A_44 : f32 to vector<128x1024xf32>
    %select_n3A_46 = arith.select %eq3A_43, %broadcast_in_dim3A_45, %neg3A_36 : vector<128x1024xi1>, vector<128x1024xf32>
    %neg3A_47 = arith.constant 0.000000e+00 : f32
    %neg3A_48 = vector.broadcast %neg3A_47 : f32 to vector<128x1xf32>
    %neg3A_49 = arith.subf %neg3A_48, %broadcast_in_dim3A : vector<128x1xf32>
    %reduce_max3A_50 = arith.constant dense<0xFF800000> : vector<128xf32>
    %reduce_max3A_51 = vector.multi_reduction <maximumf>, %select_n3A_46, %reduce_max3A_50 [1] : vector<128x1024xf32> to vector<128xf32>
    %broadcast_in_dim3A_52 = vector.shape_cast %reduce_max3A_51 : vector<128xf32> to vector<128x1xf32>
    %eq3A_53 = vector.broadcast %broadcast_in_dim3A_52 : vector<128x1xf32> to vector<128x1024xf32>
    %eq3A_54 = arith.cmpf oeq, %select_n3A_46, %eq3A_53 : vector<128x1024xf32>
    %jit3A_55 = arith.constant 1073741824 : i32
    %broadcast_in_dim3A_56 = vector.broadcast %jit3A_55 : i32 to vector<128x1024xi32>
    %select_n3A_57 = arith.select %eq3A_54, %iota3A, %broadcast_in_dim3A_56 : vector<128x1024xi1>, vector<128x1024xi32>
    %reduce_min3A_58 = arith.constant dense<2147483647> : vector<128xi32>
    %reduce_min3A_59 = vector.multi_reduction <minsi>, %select_n3A_57, %reduce_min3A_58 [1] : vector<128x1024xi32> to vector<128xi32>
    %broadcast_in_dim3A_60 = vector.shape_cast %reduce_min3A_59 : vector<128xi32> to vector<128x1xi32>
    %eq3A_61 = vector.broadcast %broadcast_in_dim3A_60 : vector<128x1xi32> to vector<128x1024xi32>
    %eq3A_62 = arith.cmpi eq, %iota3A, %eq3A_61 : vector<128x1024xi32>
    %jit3A_63 = arith.constant 0xFF800000 : f32
    %broadcast_in_dim3A_64 = vector.broadcast %jit3A_63 : f32 to vector<128x1024xf32>
    %select_n3A_65 = arith.select %eq3A_62, %broadcast_in_dim3A_64, %select_n3A_46 : vector<128x1024xi1>, vector<128x1024xf32>
    %neg3A_66 = arith.constant 0.000000e+00 : f32
    %neg3A_67 = vector.broadcast %neg3A_66 : f32 to vector<128x1xf32>
    %neg3A_68 = arith.subf %neg3A_67, %broadcast_in_dim3A_52 : vector<128x1xf32>
    %reduce_max3A_69 = arith.constant dense<0xFF800000> : vector<128xf32>
    %reduce_max3A_70 = vector.multi_reduction <maximumf>, %select_n3A_65, %reduce_max3A_69 [1] : vector<128x1024xf32> to vector<128xf32>
    %broadcast_in_dim3A_71 = vector.shape_cast %reduce_max3A_70 : vector<128xf32> to vector<128x1xf32>
    %eq3A_72 = vector.broadcast %broadcast_in_dim3A_71 : vector<128x1xf32> to vector<128x1024xf32>
    %eq3A_73 = arith.cmpf oeq, %select_n3A_65, %eq3A_72 : vector<128x1024xf32>
    %jit3A_74 = arith.constant 1073741824 : i32
    %broadcast_in_dim3A_75 = vector.broadcast %jit3A_74 : i32 to vector<128x1024xi32>
    %select_n3A_76 = arith.select %eq3A_73, %iota3A, %broadcast_in_dim3A_75 : vector<128x1024xi1>, vector<128x1024xi32>
    %reduce_min3A_77 = arith.constant dense<2147483647> : vector<128xi32>
    %reduce_min3A_78 = vector.multi_reduction <minsi>, %select_n3A_76, %reduce_min3A_77 [1] : vector<128x1024xi32> to vector<128xi32>
    %broadcast_in_dim3A_79 = vector.shape_cast %reduce_min3A_78 : vector<128xi32> to vector<128x1xi32>
    %eq3A_80 = vector.broadcast %broadcast_in_dim3A_79 : vector<128x1xi32> to vector<128x1024xi32>
    %eq3A_81 = arith.cmpi eq, %iota3A, %eq3A_80 : vector<128x1024xi32>
    %jit3A_82 = arith.constant 0xFF800000 : f32
    %broadcast_in_dim3A_83 = vector.broadcast %jit3A_82 : f32 to vector<128x1024xf32>
    %select_n3A_84 = arith.select %eq3A_81, %broadcast_in_dim3A_83, %select_n3A_65 : vector<128x1024xi1>, vector<128x1024xf32>
    %neg3A_85 = arith.constant 0.000000e+00 : f32
    %neg3A_86 = vector.broadcast %neg3A_85 : f32 to vector<128x1xf32>
    %neg3A_87 = arith.subf %neg3A_86, %broadcast_in_dim3A_71 : vector<128x1xf32>
    %reduce_max3A_88 = arith.constant dense<0xFF800000> : vector<128xf32>
    %reduce_max3A_89 = vector.multi_reduction <maximumf>, %select_n3A_84, %reduce_max3A_88 [1] : vector<128x1024xf32> to vector<128xf32>
    %broadcast_in_dim3A_90 = vector.shape_cast %reduce_max3A_89 : vector<128xf32> to vector<128x1xf32>
    %eq3A_91 = vector.broadcast %broadcast_in_dim3A_90 : vector<128x1xf32> to vector<128x1024xf32>
    %eq3A_92 = arith.cmpf oeq, %select_n3A_84, %eq3A_91 : vector<128x1024xf32>
    %jit3A_93 = arith.constant 1073741824 : i32
    %broadcast_in_dim3A_94 = vector.broadcast %jit3A_93 : i32 to vector<128x1024xi32>
    %select_n3A_95 = arith.select %eq3A_92, %iota3A, %broadcast_in_dim3A_94 : vector<128x1024xi1>, vector<128x1024xi32>
    %reduce_min3A_96 = arith.constant dense<2147483647> : vector<128xi32>
    %reduce_min3A_97 = vector.multi_reduction <minsi>, %select_n3A_95, %reduce_min3A_96 [1] : vector<128x1024xi32> to vector<128xi32>
    %broadcast_in_dim3A_98 = vector.shape_cast %reduce_min3A_97 : vector<128xi32> to vector<128x1xi32>
    %eq3A_99 = vector.broadcast %broadcast_in_dim3A_98 : vector<128x1xi32> to vector<128x1024xi32>
    %eq3A_100 = arith.cmpi eq, %iota3A, %eq3A_99 : vector<128x1024xi32>
    %jit3A_101 = arith.constant 0xFF800000 : f32
    %broadcast_in_dim3A_102 = vector.broadcast %jit3A_101 : f32 to vector<128x1024xf32>
    %select_n3A_103 = arith.select %eq3A_100, %broadcast_in_dim3A_102, %select_n3A_84 : vector<128x1024xi1>, vector<128x1024xf32>
    %neg3A_104 = arith.constant 0.000000e+00 : f32
    %neg3A_105 = vector.broadcast %neg3A_104 : f32 to vector<128x1xf32>
    %neg3A_106 = arith.subf %neg3A_105, %broadcast_in_dim3A_90 : vector<128x1xf32>
    %reduce_max3A_107 = arith.constant dense<0xFF800000> : vector<128xf32>
    %reduce_max3A_108 = vector.multi_reduction <maximumf>, %select_n3A_103, %reduce_max3A_107 [1] : vector<128x1024xf32> to vector<128xf32>
    %broadcast_in_dim3A_109 = vector.shape_cast %reduce_max3A_108 : vector<128xf32> to vector<128x1xf32>
    %eq3A_110 = vector.broadcast %broadcast_in_dim3A_109 : vector<128x1xf32> to vector<128x1024xf32>
    %eq3A_111 = arith.cmpf oeq, %select_n3A_103, %eq3A_110 : vector<128x1024xf32>
    %jit3A_112 = arith.constant 1073741824 : i32
    %broadcast_in_dim3A_113 = vector.broadcast %jit3A_112 : i32 to vector<128x1024xi32>
    %select_n3A_114 = arith.select %eq3A_111, %iota3A, %broadcast_in_dim3A_113 : vector<128x1024xi1>, vector<128x1024xi32>
    %reduce_min3A_115 = arith.constant dense<2147483647> : vector<128xi32>
    %reduce_min3A_116 = vector.multi_reduction <minsi>, %select_n3A_114, %reduce_min3A_115 [1] : vector<128x1024xi32> to vector<128xi32>
    %broadcast_in_dim3A_117 = vector.shape_cast %reduce_min3A_116 : vector<128xi32> to vector<128x1xi32>
    %eq3A_118 = vector.broadcast %broadcast_in_dim3A_117 : vector<128x1xi32> to vector<128x1024xi32>
    %eq3A_119 = arith.cmpi eq, %iota3A, %eq3A_118 : vector<128x1024xi32>
    %jit3A_120 = arith.constant 0xFF800000 : f32
    %broadcast_in_dim3A_121 = vector.broadcast %jit3A_120 : f32 to vector<128x1024xf32>
    %select_n3A_122 = arith.select %eq3A_119, %broadcast_in_dim3A_121, %select_n3A_103 : vector<128x1024xi1>, vector<128x1024xf32>
    %neg3A_123 = arith.constant 0.000000e+00 : f32
    %neg3A_124 = vector.broadcast %neg3A_123 : f32 to vector<128x1xf32>
    %neg3A_125 = arith.subf %neg3A_124, %broadcast_in_dim3A_109 : vector<128x1xf32>
    %reduce_max3A_126 = arith.constant dense<0xFF800000> : vector<128xf32>
    %reduce_max3A_127 = vector.multi_reduction <maximumf>, %select_n3A_122, %reduce_max3A_126 [1] : vector<128x1024xf32> to vector<128xf32>
    %broadcast_in_dim3A_128 = vector.shape_cast %reduce_max3A_127 : vector<128xf32> to vector<128x1xf32>
    %eq3A_129 = vector.broadcast %broadcast_in_dim3A_128 : vector<128x1xf32> to vector<128x1024xf32>
    %eq3A_130 = arith.cmpf oeq, %select_n3A_122, %eq3A_129 : vector<128x1024xf32>
    %jit3A_131 = arith.constant 1073741824 : i32
    %broadcast_in_dim3A_132 = vector.broadcast %jit3A_131 : i32 to vector<128x1024xi32>
    %select_n3A_133 = arith.select %eq3A_130, %iota3A, %broadcast_in_dim3A_132 : vector<128x1024xi1>, vector<128x1024xi32>
    %reduce_min3A_134 = arith.constant dense<2147483647> : vector<128xi32>
    %reduce_min3A_135 = vector.multi_reduction <minsi>, %select_n3A_133, %reduce_min3A_134 [1] : vector<128x1024xi32> to vector<128xi32>
    %broadcast_in_dim3A_136 = vector.shape_cast %reduce_min3A_135 : vector<128xi32> to vector<128x1xi32>
    %eq3A_137 = vector.broadcast %broadcast_in_dim3A_136 : vector<128x1xi32> to vector<128x1024xi32>
    %eq3A_138 = arith.cmpi eq, %iota3A, %eq3A_137 : vector<128x1024xi32>
    %jit3A_139 = arith.constant 0xFF800000 : f32
    %broadcast_in_dim3A_140 = vector.broadcast %jit3A_139 : f32 to vector<128x1024xf32>
    %select_n3A_141 = arith.select %eq3A_138, %broadcast_in_dim3A_140, %select_n3A_122 : vector<128x1024xi1>, vector<128x1024xf32>
    %neg3A_142 = arith.constant 0.000000e+00 : f32
    %neg3A_143 = vector.broadcast %neg3A_142 : f32 to vector<128x1xf32>
    %neg3A_144 = arith.subf %neg3A_143, %broadcast_in_dim3A_128 : vector<128x1xf32>
    %reduce_max3A_145 = arith.constant dense<0xFF800000> : vector<128xf32>
    %reduce_max3A_146 = vector.multi_reduction <maximumf>, %select_n3A_141, %reduce_max3A_145 [1] : vector<128x1024xf32> to vector<128xf32>
    %broadcast_in_dim3A_147 = vector.shape_cast %reduce_max3A_146 : vector<128xf32> to vector<128x1xf32>
    %eq3A_148 = vector.broadcast %broadcast_in_dim3A_147 : vector<128x1xf32> to vector<128x1024xf32>
    %eq3A_149 = arith.cmpf oeq, %select_n3A_141, %eq3A_148 : vector<128x1024xf32>
    %jit3A_150 = arith.constant 1073741824 : i32
    %broadcast_in_dim3A_151 = vector.broadcast %jit3A_150 : i32 to vector<128x1024xi32>
    %select_n3A_152 = arith.select %eq3A_149, %iota3A, %broadcast_in_dim3A_151 : vector<128x1024xi1>, vector<128x1024xi32>
    %reduce_min3A_153 = arith.constant dense<2147483647> : vector<128xi32>
    %reduce_min3A_154 = vector.multi_reduction <minsi>, %select_n3A_152, %reduce_min3A_153 [1] : vector<128x1024xi32> to vector<128xi32>
    %broadcast_in_dim3A_155 = vector.shape_cast %reduce_min3A_154 : vector<128xi32> to vector<128x1xi32>
    %eq3A_156 = vector.broadcast %broadcast_in_dim3A_155 : vector<128x1xi32> to vector<128x1024xi32>
    %eq3A_157 = arith.cmpi eq, %iota3A, %eq3A_156 : vector<128x1024xi32>
    %jit3A_158 = arith.constant 0xFF800000 : f32
    %broadcast_in_dim3A_159 = vector.broadcast %jit3A_158 : f32 to vector<128x1024xf32>
    %select_n3A_160 = arith.select %eq3A_157, %broadcast_in_dim3A_159, %select_n3A_141 : vector<128x1024xi1>, vector<128x1024xf32>
    %neg3A_161 = arith.constant 0.000000e+00 : f32
    %neg3A_162 = vector.broadcast %neg3A_161 : f32 to vector<128x1xf32>
    %neg3A_163 = arith.subf %neg3A_162, %broadcast_in_dim3A_147 : vector<128x1xf32>
    %reduce_max3A_164 = arith.constant dense<0xFF800000> : vector<128xf32>
    %reduce_max3A_165 = vector.multi_reduction <maximumf>, %select_n3A_160, %reduce_max3A_164 [1] : vector<128x1024xf32> to vector<128xf32>
    %broadcast_in_dim3A_166 = vector.shape_cast %reduce_max3A_165 : vector<128xf32> to vector<128x1xf32>
    %eq3A_167 = vector.broadcast %broadcast_in_dim3A_166 : vector<128x1xf32> to vector<128x1024xf32>
    %eq3A_168 = arith.cmpf oeq, %select_n3A_160, %eq3A_167 : vector<128x1024xf32>
    %jit3A_169 = arith.constant 1073741824 : i32
    %broadcast_in_dim3A_170 = vector.broadcast %jit3A_169 : i32 to vector<128x1024xi32>
    %select_n3A_171 = arith.select %eq3A_168, %iota3A, %broadcast_in_dim3A_170 : vector<128x1024xi1>, vector<128x1024xi32>
    %reduce_min3A_172 = arith.constant dense<2147483647> : vector<128xi32>
    %reduce_min3A_173 = vector.multi_reduction <minsi>, %select_n3A_171, %reduce_min3A_172 [1] : vector<128x1024xi32> to vector<128xi32>
    %broadcast_in_dim3A_174 = vector.shape_cast %reduce_min3A_173 : vector<128xi32> to vector<128x1xi32>
    %eq3A_175 = vector.broadcast %broadcast_in_dim3A_174 : vector<128x1xi32> to vector<128x1024xi32>
    %eq3A_176 = arith.cmpi eq, %iota3A, %eq3A_175 : vector<128x1024xi32>
    %jit3A_177 = arith.constant 0xFF800000 : f32
    %broadcast_in_dim3A_178 = vector.broadcast %jit3A_177 : f32 to vector<128x1024xf32>
    %select_n3A_179 = arith.select %eq3A_176, %broadcast_in_dim3A_178, %select_n3A_160 : vector<128x1024xi1>, vector<128x1024xf32>
    %neg3A_180 = arith.constant 0.000000e+00 : f32
    %neg3A_181 = vector.broadcast %neg3A_180 : f32 to vector<128x1xf32>
    %neg3A_182 = arith.subf %neg3A_181, %broadcast_in_dim3A_166 : vector<128x1xf32>
    %reduce_max3A_183 = arith.constant dense<0xFF800000> : vector<128xf32>
    %reduce_max3A_184 = vector.multi_reduction <maximumf>, %select_n3A_179, %reduce_max3A_183 [1] : vector<128x1024xf32> to vector<128xf32>
    %broadcast_in_dim3A_185 = vector.shape_cast %reduce_max3A_184 : vector<128xf32> to vector<128x1xf32>
    %eq3A_186 = vector.broadcast %broadcast_in_dim3A_185 : vector<128x1xf32> to vector<128x1024xf32>
    %eq3A_187 = arith.cmpf oeq, %select_n3A_179, %eq3A_186 : vector<128x1024xf32>
    %jit3A_188 = arith.constant 1073741824 : i32
    %broadcast_in_dim3A_189 = vector.broadcast %jit3A_188 : i32 to vector<128x1024xi32>
    %select_n3A_190 = arith.select %eq3A_187, %iota3A, %broadcast_in_dim3A_189 : vector<128x1024xi1>, vector<128x1024xi32>
    %reduce_min3A_191 = arith.constant dense<2147483647> : vector<128xi32>
    %reduce_min3A_192 = vector.multi_reduction <minsi>, %select_n3A_190, %reduce_min3A_191 [1] : vector<128x1024xi32> to vector<128xi32>
    %broadcast_in_dim3A_193 = vector.shape_cast %reduce_min3A_192 : vector<128xi32> to vector<128x1xi32>
    %eq3A_194 = vector.broadcast %broadcast_in_dim3A_193 : vector<128x1xi32> to vector<128x1024xi32>
    %eq3A_195 = arith.cmpi eq, %iota3A, %eq3A_194 : vector<128x1024xi32>
    %jit3A_196 = arith.constant 0xFF800000 : f32
    %broadcast_in_dim3A_197 = vector.broadcast %jit3A_196 : f32 to vector<128x1024xf32>
    %select_n3A_198 = arith.select %eq3A_195, %broadcast_in_dim3A_197, %select_n3A_179 : vector<128x1024xi1>, vector<128x1024xf32>
    %neg3A_199 = arith.constant 0.000000e+00 : f32
    %neg3A_200 = vector.broadcast %neg3A_199 : f32 to vector<128x1xf32>
    %neg3A_201 = arith.subf %neg3A_200, %broadcast_in_dim3A_185 : vector<128x1xf32>
    %reduce_max3A_202 = arith.constant dense<0xFF800000> : vector<128xf32>
    %reduce_max3A_203 = vector.multi_reduction <maximumf>, %select_n3A_198, %reduce_max3A_202 [1] : vector<128x1024xf32> to vector<128xf32>
    %broadcast_in_dim3A_204 = vector.shape_cast %reduce_max3A_203 : vector<128xf32> to vector<128x1xf32>
    %eq3A_205 = vector.broadcast %broadcast_in_dim3A_204 : vector<128x1xf32> to vector<128x1024xf32>
    %eq3A_206 = arith.cmpf oeq, %select_n3A_198, %eq3A_205 : vector<128x1024xf32>
    %jit3A_207 = arith.constant 1073741824 : i32
    %broadcast_in_dim3A_208 = vector.broadcast %jit3A_207 : i32 to vector<128x1024xi32>
    %select_n3A_209 = arith.select %eq3A_206, %iota3A, %broadcast_in_dim3A_208 : vector<128x1024xi1>, vector<128x1024xi32>
    %reduce_min3A_210 = arith.constant dense<2147483647> : vector<128xi32>
    %reduce_min3A_211 = vector.multi_reduction <minsi>, %select_n3A_209, %reduce_min3A_210 [1] : vector<128x1024xi32> to vector<128xi32>
    %broadcast_in_dim3A_212 = vector.shape_cast %reduce_min3A_211 : vector<128xi32> to vector<128x1xi32>
    %eq3A_213 = vector.broadcast %broadcast_in_dim3A_212 : vector<128x1xi32> to vector<128x1024xi32>
    %eq3A_214 = arith.cmpi eq, %iota3A, %eq3A_213 : vector<128x1024xi32>
    %jit3A_215 = arith.constant 0xFF800000 : f32
    %broadcast_in_dim3A_216 = vector.broadcast %jit3A_215 : f32 to vector<128x1024xf32>
    %select_n3A_217 = arith.select %eq3A_214, %broadcast_in_dim3A_216, %select_n3A_198 : vector<128x1024xi1>, vector<128x1024xf32>
    %neg3A_218 = arith.constant 0.000000e+00 : f32
    %neg3A_219 = vector.broadcast %neg3A_218 : f32 to vector<128x1xf32>
    %neg3A_220 = arith.subf %neg3A_219, %broadcast_in_dim3A_204 : vector<128x1xf32>
    %reduce_max3A_221 = arith.constant dense<0xFF800000> : vector<128xf32>
    %reduce_max3A_222 = vector.multi_reduction <maximumf>, %select_n3A_217, %reduce_max3A_221 [1] : vector<128x1024xf32> to vector<128xf32>
    %broadcast_in_dim3A_223 = vector.shape_cast %reduce_max3A_222 : vector<128xf32> to vector<128x1xf32>
    %eq3A_224 = vector.broadcast %broadcast_in_dim3A_223 : vector<128x1xf32> to vector<128x1024xf32>
    %eq3A_225 = arith.cmpf oeq, %select_n3A_217, %eq3A_224 : vector<128x1024xf32>
    %jit3A_226 = arith.constant 1073741824 : i32
    %broadcast_in_dim3A_227 = vector.broadcast %jit3A_226 : i32 to vector<128x1024xi32>
    %select_n3A_228 = arith.select %eq3A_225, %iota3A, %broadcast_in_dim3A_227 : vector<128x1024xi1>, vector<128x1024xi32>
    %reduce_min3A_229 = arith.constant dense<2147483647> : vector<128xi32>
    %reduce_min3A_230 = vector.multi_reduction <minsi>, %select_n3A_228, %reduce_min3A_229 [1] : vector<128x1024xi32> to vector<128xi32>
    %broadcast_in_dim3A_231 = vector.shape_cast %reduce_min3A_230 : vector<128xi32> to vector<128x1xi32>
    %eq3A_232 = vector.broadcast %broadcast_in_dim3A_231 : vector<128x1xi32> to vector<128x1024xi32>
    %eq3A_233 = arith.cmpi eq, %iota3A, %eq3A_232 : vector<128x1024xi32>
    %jit3A_234 = arith.constant 0xFF800000 : f32
    %broadcast_in_dim3A_235 = vector.broadcast %jit3A_234 : f32 to vector<128x1024xf32>
    %select_n3A_236 = arith.select %eq3A_233, %broadcast_in_dim3A_235, %select_n3A_217 : vector<128x1024xi1>, vector<128x1024xf32>
    %neg3A_237 = arith.constant 0.000000e+00 : f32
    %neg3A_238 = vector.broadcast %neg3A_237 : f32 to vector<128x1xf32>
    %neg3A_239 = arith.subf %neg3A_238, %broadcast_in_dim3A_223 : vector<128x1xf32>
    %reduce_max3A_240 = arith.constant dense<0xFF800000> : vector<128xf32>
    %reduce_max3A_241 = vector.multi_reduction <maximumf>, %select_n3A_236, %reduce_max3A_240 [1] : vector<128x1024xf32> to vector<128xf32>
    %broadcast_in_dim3A_242 = vector.shape_cast %reduce_max3A_241 : vector<128xf32> to vector<128x1xf32>
    %eq3A_243 = vector.broadcast %broadcast_in_dim3A_242 : vector<128x1xf32> to vector<128x1024xf32>
    %eq3A_244 = arith.cmpf oeq, %select_n3A_236, %eq3A_243 : vector<128x1024xf32>
    %jit3A_245 = arith.constant 1073741824 : i32
    %broadcast_in_dim3A_246 = vector.broadcast %jit3A_245 : i32 to vector<128x1024xi32>
    %select_n3A_247 = arith.select %eq3A_244, %iota3A, %broadcast_in_dim3A_246 : vector<128x1024xi1>, vector<128x1024xi32>
    %reduce_min3A_248 = arith.constant dense<2147483647> : vector<128xi32>
    %reduce_min3A_249 = vector.multi_reduction <minsi>, %select_n3A_247, %reduce_min3A_248 [1] : vector<128x1024xi32> to vector<128xi32>
    %broadcast_in_dim3A_250 = vector.shape_cast %reduce_min3A_249 : vector<128xi32> to vector<128x1xi32>
    %eq3A_251 = vector.broadcast %broadcast_in_dim3A_250 : vector<128x1xi32> to vector<128x1024xi32>
    %eq3A_252 = arith.cmpi eq, %iota3A, %eq3A_251 : vector<128x1024xi32>
    %jit3A_253 = arith.constant 0xFF800000 : f32
    %broadcast_in_dim3A_254 = vector.broadcast %jit3A_253 : f32 to vector<128x1024xf32>
    %select_n3A_255 = arith.select %eq3A_252, %broadcast_in_dim3A_254, %select_n3A_236 : vector<128x1024xi1>, vector<128x1024xf32>
    %neg3A_256 = arith.constant 0.000000e+00 : f32
    %neg3A_257 = vector.broadcast %neg3A_256 : f32 to vector<128x1xf32>
    %neg3A_258 = arith.subf %neg3A_257, %broadcast_in_dim3A_242 : vector<128x1xf32>
    %reduce_max3A_259 = arith.constant dense<0xFF800000> : vector<128xf32>
    %reduce_max3A_260 = vector.multi_reduction <maximumf>, %select_n3A_255, %reduce_max3A_259 [1] : vector<128x1024xf32> to vector<128xf32>
    %broadcast_in_dim3A_261 = vector.shape_cast %reduce_max3A_260 : vector<128xf32> to vector<128x1xf32>
    %eq3A_262 = vector.broadcast %broadcast_in_dim3A_261 : vector<128x1xf32> to vector<128x1024xf32>
    %eq3A_263 = arith.cmpf oeq, %select_n3A_255, %eq3A_262 : vector<128x1024xf32>
    %jit3A_264 = arith.constant 1073741824 : i32
    %broadcast_in_dim3A_265 = vector.broadcast %jit3A_264 : i32 to vector<128x1024xi32>
    %select_n3A_266 = arith.select %eq3A_263, %iota3A, %broadcast_in_dim3A_265 : vector<128x1024xi1>, vector<128x1024xi32>
    %reduce_min3A_267 = arith.constant dense<2147483647> : vector<128xi32>
    %reduce_min3A_268 = vector.multi_reduction <minsi>, %select_n3A_266, %reduce_min3A_267 [1] : vector<128x1024xi32> to vector<128xi32>
    %broadcast_in_dim3A_269 = vector.shape_cast %reduce_min3A_268 : vector<128xi32> to vector<128x1xi32>
    %eq3A_270 = vector.broadcast %broadcast_in_dim3A_269 : vector<128x1xi32> to vector<128x1024xi32>
    %eq3A_271 = arith.cmpi eq, %iota3A, %eq3A_270 : vector<128x1024xi32>
    %jit3A_272 = arith.constant 0xFF800000 : f32
    %broadcast_in_dim3A_273 = vector.broadcast %jit3A_272 : f32 to vector<128x1024xf32>
    %select_n3A_274 = arith.select %eq3A_271, %broadcast_in_dim3A_273, %select_n3A_255 : vector<128x1024xi1>, vector<128x1024xf32>
    %neg3A_275 = arith.constant 0.000000e+00 : f32
    %neg3A_276 = vector.broadcast %neg3A_275 : f32 to vector<128x1xf32>
    %neg3A_277 = arith.subf %neg3A_276, %broadcast_in_dim3A_261 : vector<128x1xf32>
    %reduce_max3A_278 = arith.constant dense<0xFF800000> : vector<128xf32>
    %reduce_max3A_279 = vector.multi_reduction <maximumf>, %select_n3A_274, %reduce_max3A_278 [1] : vector<128x1024xf32> to vector<128xf32>
    %broadcast_in_dim3A_280 = vector.shape_cast %reduce_max3A_279 : vector<128xf32> to vector<128x1xf32>
    %eq3A_281 = vector.broadcast %broadcast_in_dim3A_280 : vector<128x1xf32> to vector<128x1024xf32>
    %eq3A_282 = arith.cmpf oeq, %select_n3A_274, %eq3A_281 : vector<128x1024xf32>
    %jit3A_283 = arith.constant 1073741824 : i32
    %broadcast_in_dim3A_284 = vector.broadcast %jit3A_283 : i32 to vector<128x1024xi32>
    %select_n3A_285 = arith.select %eq3A_282, %iota3A, %broadcast_in_dim3A_284 : vector<128x1024xi1>, vector<128x1024xi32>
    %reduce_min3A_286 = arith.constant dense<2147483647> : vector<128xi32>
    %reduce_min3A_287 = vector.multi_reduction <minsi>, %select_n3A_285, %reduce_min3A_286 [1] : vector<128x1024xi32> to vector<128xi32>
    %broadcast_in_dim3A_288 = vector.shape_cast %reduce_min3A_287 : vector<128xi32> to vector<128x1xi32>
    %eq3A_289 = vector.broadcast %broadcast_in_dim3A_288 : vector<128x1xi32> to vector<128x1024xi32>
    %eq3A_290 = arith.cmpi eq, %iota3A, %eq3A_289 : vector<128x1024xi32>
    %jit3A_291 = arith.constant 0xFF800000 : f32
    %broadcast_in_dim3A_292 = vector.broadcast %jit3A_291 : f32 to vector<128x1024xf32>
    %select_n3A_293 = arith.select %eq3A_290, %broadcast_in_dim3A_292, %select_n3A_274 : vector<128x1024xi1>, vector<128x1024xf32>
    %neg3A_294 = arith.constant 0.000000e+00 : f32
    %neg3A_295 = vector.broadcast %neg3A_294 : f32 to vector<128x1xf32>
    %neg3A_296 = arith.subf %neg3A_295, %broadcast_in_dim3A_280 : vector<128x1xf32>
    %reduce_max3A_297 = arith.constant dense<0xFF800000> : vector<128xf32>
    %reduce_max3A_298 = vector.multi_reduction <maximumf>, %select_n3A_293, %reduce_max3A_297 [1] : vector<128x1024xf32> to vector<128xf32>
    %broadcast_in_dim3A_299 = vector.shape_cast %reduce_max3A_298 : vector<128xf32> to vector<128x1xf32>
    %eq3A_300 = vector.broadcast %broadcast_in_dim3A_299 : vector<128x1xf32> to vector<128x1024xf32>
    %eq3A_301 = arith.cmpf oeq, %select_n3A_293, %eq3A_300 : vector<128x1024xf32>
    %jit3A_302 = arith.constant 1073741824 : i32
    %broadcast_in_dim3A_303 = vector.broadcast %jit3A_302 : i32 to vector<128x1024xi32>
    %select_n3A_304 = arith.select %eq3A_301, %iota3A, %broadcast_in_dim3A_303 : vector<128x1024xi1>, vector<128x1024xi32>
    %reduce_min3A_305 = arith.constant dense<2147483647> : vector<128xi32>
    %reduce_min3A_306 = vector.multi_reduction <minsi>, %select_n3A_304, %reduce_min3A_305 [1] : vector<128x1024xi32> to vector<128xi32>
    %broadcast_in_dim3A_307 = vector.shape_cast %reduce_min3A_306 : vector<128xi32> to vector<128x1xi32>
    %eq3A_308 = vector.broadcast %broadcast_in_dim3A_307 : vector<128x1xi32> to vector<128x1024xi32>
    %eq3A_309 = arith.cmpi eq, %iota3A, %eq3A_308 : vector<128x1024xi32>
    %jit3A_310 = arith.constant 0xFF800000 : f32
    %broadcast_in_dim3A_311 = vector.broadcast %jit3A_310 : f32 to vector<128x1024xf32>
    %select_n3A_312 = arith.select %eq3A_309, %broadcast_in_dim3A_311, %select_n3A_293 : vector<128x1024xi1>, vector<128x1024xf32>
    %neg3A_313 = arith.constant 0.000000e+00 : f32
    %neg3A_314 = vector.broadcast %neg3A_313 : f32 to vector<128x1xf32>
    %neg3A_315 = arith.subf %neg3A_314, %broadcast_in_dim3A_299 : vector<128x1xf32>
    %reduce_max3A_316 = arith.constant dense<0xFF800000> : vector<128xf32>
    %reduce_max3A_317 = vector.multi_reduction <maximumf>, %select_n3A_312, %reduce_max3A_316 [1] : vector<128x1024xf32> to vector<128xf32>
    %broadcast_in_dim3A_318 = vector.shape_cast %reduce_max3A_317 : vector<128xf32> to vector<128x1xf32>
    %eq3A_319 = vector.broadcast %broadcast_in_dim3A_318 : vector<128x1xf32> to vector<128x1024xf32>
    %eq3A_320 = arith.cmpf oeq, %select_n3A_312, %eq3A_319 : vector<128x1024xf32>
    %jit3A_321 = arith.constant 1073741824 : i32
    %broadcast_in_dim3A_322 = vector.broadcast %jit3A_321 : i32 to vector<128x1024xi32>
    %select_n3A_323 = arith.select %eq3A_320, %iota3A, %broadcast_in_dim3A_322 : vector<128x1024xi1>, vector<128x1024xi32>
    %reduce_min3A_324 = arith.constant dense<2147483647> : vector<128xi32>
    %reduce_min3A_325 = vector.multi_reduction <minsi>, %select_n3A_323, %reduce_min3A_324 [1] : vector<128x1024xi32> to vector<128xi32>
    %broadcast_in_dim3A_326 = vector.shape_cast %reduce_min3A_325 : vector<128xi32> to vector<128x1xi32>
    %eq3A_327 = vector.broadcast %broadcast_in_dim3A_326 : vector<128x1xi32> to vector<128x1024xi32>
    %eq3A_328 = arith.cmpi eq, %iota3A, %eq3A_327 : vector<128x1024xi32>
    %jit3A_329 = arith.constant 0xFF800000 : f32
    %broadcast_in_dim3A_330 = vector.broadcast %jit3A_329 : f32 to vector<128x1024xf32>
    %select_n3A_331 = arith.select %eq3A_328, %broadcast_in_dim3A_330, %select_n3A_312 : vector<128x1024xi1>, vector<128x1024xf32>
    %neg3A_332 = arith.constant 0.000000e+00 : f32
    %neg3A_333 = vector.broadcast %neg3A_332 : f32 to vector<128x1xf32>
    %neg3A_334 = arith.subf %neg3A_333, %broadcast_in_dim3A_318 : vector<128x1xf32>
    %reduce_max3A_335 = arith.constant dense<0xFF800000> : vector<128xf32>
    %reduce_max3A_336 = vector.multi_reduction <maximumf>, %select_n3A_331, %reduce_max3A_335 [1] : vector<128x1024xf32> to vector<128xf32>
    %broadcast_in_dim3A_337 = vector.shape_cast %reduce_max3A_336 : vector<128xf32> to vector<128x1xf32>
    %eq3A_338 = vector.broadcast %broadcast_in_dim3A_337 : vector<128x1xf32> to vector<128x1024xf32>
    %eq3A_339 = arith.cmpf oeq, %select_n3A_331, %eq3A_338 : vector<128x1024xf32>
    %jit3A_340 = arith.constant 1073741824 : i32
    %broadcast_in_dim3A_341 = vector.broadcast %jit3A_340 : i32 to vector<128x1024xi32>
    %select_n3A_342 = arith.select %eq3A_339, %iota3A, %broadcast_in_dim3A_341 : vector<128x1024xi1>, vector<128x1024xi32>
    %reduce_min3A_343 = arith.constant dense<2147483647> : vector<128xi32>
    %reduce_min3A_344 = vector.multi_reduction <minsi>, %select_n3A_342, %reduce_min3A_343 [1] : vector<128x1024xi32> to vector<128xi32>
    %broadcast_in_dim3A_345 = vector.shape_cast %reduce_min3A_344 : vector<128xi32> to vector<128x1xi32>
    %eq3A_346 = vector.broadcast %broadcast_in_dim3A_345 : vector<128x1xi32> to vector<128x1024xi32>
    %eq3A_347 = arith.cmpi eq, %iota3A, %eq3A_346 : vector<128x1024xi32>
    %jit3A_348 = arith.constant 0xFF800000 : f32
    %broadcast_in_dim3A_349 = vector.broadcast %jit3A_348 : f32 to vector<128x1024xf32>
    %select_n3A_350 = arith.select %eq3A_347, %broadcast_in_dim3A_349, %select_n3A_331 : vector<128x1024xi1>, vector<128x1024xf32>
    %neg3A_351 = arith.constant 0.000000e+00 : f32
    %neg3A_352 = vector.broadcast %neg3A_351 : f32 to vector<128x1xf32>
    %neg3A_353 = arith.subf %neg3A_352, %broadcast_in_dim3A_337 : vector<128x1xf32>
    %reduce_max3A_354 = arith.constant dense<0xFF800000> : vector<128xf32>
    %reduce_max3A_355 = vector.multi_reduction <maximumf>, %select_n3A_350, %reduce_max3A_354 [1] : vector<128x1024xf32> to vector<128xf32>
    %broadcast_in_dim3A_356 = vector.shape_cast %reduce_max3A_355 : vector<128xf32> to vector<128x1xf32>
    %eq3A_357 = vector.broadcast %broadcast_in_dim3A_356 : vector<128x1xf32> to vector<128x1024xf32>
    %eq3A_358 = arith.cmpf oeq, %select_n3A_350, %eq3A_357 : vector<128x1024xf32>
    %jit3A_359 = arith.constant 1073741824 : i32
    %broadcast_in_dim3A_360 = vector.broadcast %jit3A_359 : i32 to vector<128x1024xi32>
    %select_n3A_361 = arith.select %eq3A_358, %iota3A, %broadcast_in_dim3A_360 : vector<128x1024xi1>, vector<128x1024xi32>
    %reduce_min3A_362 = arith.constant dense<2147483647> : vector<128xi32>
    %reduce_min3A_363 = vector.multi_reduction <minsi>, %select_n3A_361, %reduce_min3A_362 [1] : vector<128x1024xi32> to vector<128xi32>
    %broadcast_in_dim3A_364 = vector.shape_cast %reduce_min3A_363 : vector<128xi32> to vector<128x1xi32>
    %eq3A_365 = vector.broadcast %broadcast_in_dim3A_364 : vector<128x1xi32> to vector<128x1024xi32>
    %eq3A_366 = arith.cmpi eq, %iota3A, %eq3A_365 : vector<128x1024xi32>
    %jit3A_367 = arith.constant 0xFF800000 : f32
    %broadcast_in_dim3A_368 = vector.broadcast %jit3A_367 : f32 to vector<128x1024xf32>
    %select_n3A_369 = arith.select %eq3A_366, %broadcast_in_dim3A_368, %select_n3A_350 : vector<128x1024xi1>, vector<128x1024xf32>
    %neg3A_370 = arith.constant 0.000000e+00 : f32
    %neg3A_371 = vector.broadcast %neg3A_370 : f32 to vector<128x1xf32>
    %neg3A_372 = arith.subf %neg3A_371, %broadcast_in_dim3A_356 : vector<128x1xf32>
    %reduce_max3A_373 = arith.constant dense<0xFF800000> : vector<128xf32>
    %reduce_max3A_374 = vector.multi_reduction <maximumf>, %select_n3A_369, %reduce_max3A_373 [1] : vector<128x1024xf32> to vector<128xf32>
    %broadcast_in_dim3A_375 = vector.shape_cast %reduce_max3A_374 : vector<128xf32> to vector<128x1xf32>
    %eq3A_376 = vector.broadcast %broadcast_in_dim3A_375 : vector<128x1xf32> to vector<128x1024xf32>
    %eq3A_377 = arith.cmpf oeq, %select_n3A_369, %eq3A_376 : vector<128x1024xf32>
    %jit3A_378 = arith.constant 1073741824 : i32
    %broadcast_in_dim3A_379 = vector.broadcast %jit3A_378 : i32 to vector<128x1024xi32>
    %select_n3A_380 = arith.select %eq3A_377, %iota3A, %broadcast_in_dim3A_379 : vector<128x1024xi1>, vector<128x1024xi32>
    %reduce_min3A_381 = arith.constant dense<2147483647> : vector<128xi32>
    %reduce_min3A_382 = vector.multi_reduction <minsi>, %select_n3A_380, %reduce_min3A_381 [1] : vector<128x1024xi32> to vector<128xi32>
    %broadcast_in_dim3A_383 = vector.shape_cast %reduce_min3A_382 : vector<128xi32> to vector<128x1xi32>
    %eq3A_384 = vector.broadcast %broadcast_in_dim3A_383 : vector<128x1xi32> to vector<128x1024xi32>
    %eq3A_385 = arith.cmpi eq, %iota3A, %eq3A_384 : vector<128x1024xi32>
    %jit3A_386 = arith.constant 0xFF800000 : f32
    %broadcast_in_dim3A_387 = vector.broadcast %jit3A_386 : f32 to vector<128x1024xf32>
    %select_n3A_388 = arith.select %eq3A_385, %broadcast_in_dim3A_387, %select_n3A_369 : vector<128x1024xi1>, vector<128x1024xf32>
    %neg3A_389 = arith.constant 0.000000e+00 : f32
    %neg3A_390 = vector.broadcast %neg3A_389 : f32 to vector<128x1xf32>
    %neg3A_391 = arith.subf %neg3A_390, %broadcast_in_dim3A_375 : vector<128x1xf32>
    %reduce_max3A_392 = arith.constant dense<0xFF800000> : vector<128xf32>
    %reduce_max3A_393 = vector.multi_reduction <maximumf>, %select_n3A_388, %reduce_max3A_392 [1] : vector<128x1024xf32> to vector<128xf32>
    %broadcast_in_dim3A_394 = vector.shape_cast %reduce_max3A_393 : vector<128xf32> to vector<128x1xf32>
    %eq3A_395 = vector.broadcast %broadcast_in_dim3A_394 : vector<128x1xf32> to vector<128x1024xf32>
    %eq3A_396 = arith.cmpf oeq, %select_n3A_388, %eq3A_395 : vector<128x1024xf32>
    %jit3A_397 = arith.constant 1073741824 : i32
    %broadcast_in_dim3A_398 = vector.broadcast %jit3A_397 : i32 to vector<128x1024xi32>
    %select_n3A_399 = arith.select %eq3A_396, %iota3A, %broadcast_in_dim3A_398 : vector<128x1024xi1>, vector<128x1024xi32>
    %reduce_min3A_400 = arith.constant dense<2147483647> : vector<128xi32>
    %reduce_min3A_401 = vector.multi_reduction <minsi>, %select_n3A_399, %reduce_min3A_400 [1] : vector<128x1024xi32> to vector<128xi32>
    %broadcast_in_dim3A_402 = vector.shape_cast %reduce_min3A_401 : vector<128xi32> to vector<128x1xi32>
    %eq3A_403 = vector.broadcast %broadcast_in_dim3A_402 : vector<128x1xi32> to vector<128x1024xi32>
    %eq3A_404 = arith.cmpi eq, %iota3A, %eq3A_403 : vector<128x1024xi32>
    %jit3A_405 = arith.constant 0xFF800000 : f32
    %broadcast_in_dim3A_406 = vector.broadcast %jit3A_405 : f32 to vector<128x1024xf32>
    %select_n3A_407 = arith.select %eq3A_404, %broadcast_in_dim3A_406, %select_n3A_388 : vector<128x1024xi1>, vector<128x1024xf32>
    %neg3A_408 = arith.constant 0.000000e+00 : f32
    %neg3A_409 = vector.broadcast %neg3A_408 : f32 to vector<128x1xf32>
    %neg3A_410 = arith.subf %neg3A_409, %broadcast_in_dim3A_394 : vector<128x1xf32>
    %reduce_max3A_411 = arith.constant dense<0xFF800000> : vector<128xf32>
    %reduce_max3A_412 = vector.multi_reduction <maximumf>, %select_n3A_407, %reduce_max3A_411 [1] : vector<128x1024xf32> to vector<128xf32>
    %broadcast_in_dim3A_413 = vector.shape_cast %reduce_max3A_412 : vector<128xf32> to vector<128x1xf32>
    %eq3A_414 = vector.broadcast %broadcast_in_dim3A_413 : vector<128x1xf32> to vector<128x1024xf32>
    %eq3A_415 = arith.cmpf oeq, %select_n3A_407, %eq3A_414 : vector<128x1024xf32>
    %jit3A_416 = arith.constant 1073741824 : i32
    %broadcast_in_dim3A_417 = vector.broadcast %jit3A_416 : i32 to vector<128x1024xi32>
    %select_n3A_418 = arith.select %eq3A_415, %iota3A, %broadcast_in_dim3A_417 : vector<128x1024xi1>, vector<128x1024xi32>
    %reduce_min3A_419 = arith.constant dense<2147483647> : vector<128xi32>
    %reduce_min3A_420 = vector.multi_reduction <minsi>, %select_n3A_418, %reduce_min3A_419 [1] : vector<128x1024xi32> to vector<128xi32>
    %broadcast_in_dim3A_421 = vector.shape_cast %reduce_min3A_420 : vector<128xi32> to vector<128x1xi32>
    %eq3A_422 = vector.broadcast %broadcast_in_dim3A_421 : vector<128x1xi32> to vector<128x1024xi32>
    %eq3A_423 = arith.cmpi eq, %iota3A, %eq3A_422 : vector<128x1024xi32>
    %jit3A_424 = arith.constant 0xFF800000 : f32
    %broadcast_in_dim3A_425 = vector.broadcast %jit3A_424 : f32 to vector<128x1024xf32>
    %select_n3A_426 = arith.select %eq3A_423, %broadcast_in_dim3A_425, %select_n3A_407 : vector<128x1024xi1>, vector<128x1024xf32>
    %neg3A_427 = arith.constant 0.000000e+00 : f32
    %neg3A_428 = vector.broadcast %neg3A_427 : f32 to vector<128x1xf32>
    %neg3A_429 = arith.subf %neg3A_428, %broadcast_in_dim3A_413 : vector<128x1xf32>
    %reduce_max3A_430 = arith.constant dense<0xFF800000> : vector<128xf32>
    %reduce_max3A_431 = vector.multi_reduction <maximumf>, %select_n3A_426, %reduce_max3A_430 [1] : vector<128x1024xf32> to vector<128xf32>
    %broadcast_in_dim3A_432 = vector.shape_cast %reduce_max3A_431 : vector<128xf32> to vector<128x1xf32>
    %eq3A_433 = vector.broadcast %broadcast_in_dim3A_432 : vector<128x1xf32> to vector<128x1024xf32>
    %eq3A_434 = arith.cmpf oeq, %select_n3A_426, %eq3A_433 : vector<128x1024xf32>
    %jit3A_435 = arith.constant 1073741824 : i32
    %broadcast_in_dim3A_436 = vector.broadcast %jit3A_435 : i32 to vector<128x1024xi32>
    %select_n3A_437 = arith.select %eq3A_434, %iota3A, %broadcast_in_dim3A_436 : vector<128x1024xi1>, vector<128x1024xi32>
    %reduce_min3A_438 = arith.constant dense<2147483647> : vector<128xi32>
    %reduce_min3A_439 = vector.multi_reduction <minsi>, %select_n3A_437, %reduce_min3A_438 [1] : vector<128x1024xi32> to vector<128xi32>
    %broadcast_in_dim3A_440 = vector.shape_cast %reduce_min3A_439 : vector<128xi32> to vector<128x1xi32>
    %eq3A_441 = vector.broadcast %broadcast_in_dim3A_440 : vector<128x1xi32> to vector<128x1024xi32>
    %eq3A_442 = arith.cmpi eq, %iota3A, %eq3A_441 : vector<128x1024xi32>
    %jit3A_443 = arith.constant 0xFF800000 : f32
    %broadcast_in_dim3A_444 = vector.broadcast %jit3A_443 : f32 to vector<128x1024xf32>
    %select_n3A_445 = arith.select %eq3A_442, %broadcast_in_dim3A_444, %select_n3A_426 : vector<128x1024xi1>, vector<128x1024xf32>
    %neg3A_446 = arith.constant 0.000000e+00 : f32
    %neg3A_447 = vector.broadcast %neg3A_446 : f32 to vector<128x1xf32>
    %neg3A_448 = arith.subf %neg3A_447, %broadcast_in_dim3A_432 : vector<128x1xf32>
    %reduce_max3A_449 = arith.constant dense<0xFF800000> : vector<128xf32>
    %reduce_max3A_450 = vector.multi_reduction <maximumf>, %select_n3A_445, %reduce_max3A_449 [1] : vector<128x1024xf32> to vector<128xf32>
    %broadcast_in_dim3A_451 = vector.shape_cast %reduce_max3A_450 : vector<128xf32> to vector<128x1xf32>
    %eq3A_452 = vector.broadcast %broadcast_in_dim3A_451 : vector<128x1xf32> to vector<128x1024xf32>
    %eq3A_453 = arith.cmpf oeq, %select_n3A_445, %eq3A_452 : vector<128x1024xf32>
    %jit3A_454 = arith.constant 1073741824 : i32
    %broadcast_in_dim3A_455 = vector.broadcast %jit3A_454 : i32 to vector<128x1024xi32>
    %select_n3A_456 = arith.select %eq3A_453, %iota3A, %broadcast_in_dim3A_455 : vector<128x1024xi1>, vector<128x1024xi32>
    %reduce_min3A_457 = arith.constant dense<2147483647> : vector<128xi32>
    %reduce_min3A_458 = vector.multi_reduction <minsi>, %select_n3A_456, %reduce_min3A_457 [1] : vector<128x1024xi32> to vector<128xi32>
    %broadcast_in_dim3A_459 = vector.shape_cast %reduce_min3A_458 : vector<128xi32> to vector<128x1xi32>
    %eq3A_460 = vector.broadcast %broadcast_in_dim3A_459 : vector<128x1xi32> to vector<128x1024xi32>
    %eq3A_461 = arith.cmpi eq, %iota3A, %eq3A_460 : vector<128x1024xi32>
    %jit3A_462 = arith.constant 0xFF800000 : f32
    %broadcast_in_dim3A_463 = vector.broadcast %jit3A_462 : f32 to vector<128x1024xf32>
    %select_n3A_464 = arith.select %eq3A_461, %broadcast_in_dim3A_463, %select_n3A_445 : vector<128x1024xi1>, vector<128x1024xf32>
    %neg3A_465 = arith.constant 0.000000e+00 : f32
    %neg3A_466 = vector.broadcast %neg3A_465 : f32 to vector<128x1xf32>
    %neg3A_467 = arith.subf %neg3A_466, %broadcast_in_dim3A_451 : vector<128x1xf32>
    %reduce_max3A_468 = arith.constant dense<0xFF800000> : vector<128xf32>
    %reduce_max3A_469 = vector.multi_reduction <maximumf>, %select_n3A_464, %reduce_max3A_468 [1] : vector<128x1024xf32> to vector<128xf32>
    %broadcast_in_dim3A_470 = vector.shape_cast %reduce_max3A_469 : vector<128xf32> to vector<128x1xf32>
    %eq3A_471 = vector.broadcast %broadcast_in_dim3A_470 : vector<128x1xf32> to vector<128x1024xf32>
    %eq3A_472 = arith.cmpf oeq, %select_n3A_464, %eq3A_471 : vector<128x1024xf32>
    %jit3A_473 = arith.constant 1073741824 : i32
    %broadcast_in_dim3A_474 = vector.broadcast %jit3A_473 : i32 to vector<128x1024xi32>
    %select_n3A_475 = arith.select %eq3A_472, %iota3A, %broadcast_in_dim3A_474 : vector<128x1024xi1>, vector<128x1024xi32>
    %reduce_min3A_476 = arith.constant dense<2147483647> : vector<128xi32>
    %reduce_min3A_477 = vector.multi_reduction <minsi>, %select_n3A_475, %reduce_min3A_476 [1] : vector<128x1024xi32> to vector<128xi32>
    %broadcast_in_dim3A_478 = vector.shape_cast %reduce_min3A_477 : vector<128xi32> to vector<128x1xi32>
    %eq3A_479 = vector.broadcast %broadcast_in_dim3A_478 : vector<128x1xi32> to vector<128x1024xi32>
    %eq3A_480 = arith.cmpi eq, %iota3A, %eq3A_479 : vector<128x1024xi32>
    %jit3A_481 = arith.constant 0xFF800000 : f32
    %broadcast_in_dim3A_482 = vector.broadcast %jit3A_481 : f32 to vector<128x1024xf32>
    %select_n3A_483 = arith.select %eq3A_480, %broadcast_in_dim3A_482, %select_n3A_464 : vector<128x1024xi1>, vector<128x1024xf32>
    %neg3A_484 = arith.constant 0.000000e+00 : f32
    %neg3A_485 = vector.broadcast %neg3A_484 : f32 to vector<128x1xf32>
    %neg3A_486 = arith.subf %neg3A_485, %broadcast_in_dim3A_470 : vector<128x1xf32>
    %reduce_max3A_487 = arith.constant dense<0xFF800000> : vector<128xf32>
    %reduce_max3A_488 = vector.multi_reduction <maximumf>, %select_n3A_483, %reduce_max3A_487 [1] : vector<128x1024xf32> to vector<128xf32>
    %broadcast_in_dim3A_489 = vector.shape_cast %reduce_max3A_488 : vector<128xf32> to vector<128x1xf32>
    %eq3A_490 = vector.broadcast %broadcast_in_dim3A_489 : vector<128x1xf32> to vector<128x1024xf32>
    %eq3A_491 = arith.cmpf oeq, %select_n3A_483, %eq3A_490 : vector<128x1024xf32>
    %jit3A_492 = arith.constant 1073741824 : i32
    %broadcast_in_dim3A_493 = vector.broadcast %jit3A_492 : i32 to vector<128x1024xi32>
    %select_n3A_494 = arith.select %eq3A_491, %iota3A, %broadcast_in_dim3A_493 : vector<128x1024xi1>, vector<128x1024xi32>
    %reduce_min3A_495 = arith.constant dense<2147483647> : vector<128xi32>
    %reduce_min3A_496 = vector.multi_reduction <minsi>, %select_n3A_494, %reduce_min3A_495 [1] : vector<128x1024xi32> to vector<128xi32>
    %broadcast_in_dim3A_497 = vector.shape_cast %reduce_min3A_496 : vector<128xi32> to vector<128x1xi32>
    %eq3A_498 = vector.broadcast %broadcast_in_dim3A_497 : vector<128x1xi32> to vector<128x1024xi32>
    %eq3A_499 = arith.cmpi eq, %iota3A, %eq3A_498 : vector<128x1024xi32>
    %jit3A_500 = arith.constant 0xFF800000 : f32
    %broadcast_in_dim3A_501 = vector.broadcast %jit3A_500 : f32 to vector<128x1024xf32>
    %select_n3A_502 = arith.select %eq3A_499, %broadcast_in_dim3A_501, %select_n3A_483 : vector<128x1024xi1>, vector<128x1024xf32>
    %neg3A_503 = arith.constant 0.000000e+00 : f32
    %neg3A_504 = vector.broadcast %neg3A_503 : f32 to vector<128x1xf32>
    %neg3A_505 = arith.subf %neg3A_504, %broadcast_in_dim3A_489 : vector<128x1xf32>
    %reduce_max3A_506 = arith.constant dense<0xFF800000> : vector<128xf32>
    %reduce_max3A_507 = vector.multi_reduction <maximumf>, %select_n3A_502, %reduce_max3A_506 [1] : vector<128x1024xf32> to vector<128xf32>
    %broadcast_in_dim3A_508 = vector.shape_cast %reduce_max3A_507 : vector<128xf32> to vector<128x1xf32>
    %eq3A_509 = vector.broadcast %broadcast_in_dim3A_508 : vector<128x1xf32> to vector<128x1024xf32>
    %eq3A_510 = arith.cmpf oeq, %select_n3A_502, %eq3A_509 : vector<128x1024xf32>
    %jit3A_511 = arith.constant 1073741824 : i32
    %broadcast_in_dim3A_512 = vector.broadcast %jit3A_511 : i32 to vector<128x1024xi32>
    %select_n3A_513 = arith.select %eq3A_510, %iota3A, %broadcast_in_dim3A_512 : vector<128x1024xi1>, vector<128x1024xi32>
    %reduce_min3A_514 = arith.constant dense<2147483647> : vector<128xi32>
    %reduce_min3A_515 = vector.multi_reduction <minsi>, %select_n3A_513, %reduce_min3A_514 [1] : vector<128x1024xi32> to vector<128xi32>
    %broadcast_in_dim3A_516 = vector.shape_cast %reduce_min3A_515 : vector<128xi32> to vector<128x1xi32>
    %eq3A_517 = vector.broadcast %broadcast_in_dim3A_516 : vector<128x1xi32> to vector<128x1024xi32>
    %eq3A_518 = arith.cmpi eq, %iota3A, %eq3A_517 : vector<128x1024xi32>
    %jit3A_519 = arith.constant 0xFF800000 : f32
    %broadcast_in_dim3A_520 = vector.broadcast %jit3A_519 : f32 to vector<128x1024xf32>
    %select_n3A_521 = arith.select %eq3A_518, %broadcast_in_dim3A_520, %select_n3A_502 : vector<128x1024xi1>, vector<128x1024xf32>
    %neg3A_522 = arith.constant 0.000000e+00 : f32
    %neg3A_523 = vector.broadcast %neg3A_522 : f32 to vector<128x1xf32>
    %neg3A_524 = arith.subf %neg3A_523, %broadcast_in_dim3A_508 : vector<128x1xf32>
    %reduce_max3A_525 = arith.constant dense<0xFF800000> : vector<128xf32>
    %reduce_max3A_526 = vector.multi_reduction <maximumf>, %select_n3A_521, %reduce_max3A_525 [1] : vector<128x1024xf32> to vector<128xf32>
    %broadcast_in_dim3A_527 = vector.shape_cast %reduce_max3A_526 : vector<128xf32> to vector<128x1xf32>
    %eq3A_528 = vector.broadcast %broadcast_in_dim3A_527 : vector<128x1xf32> to vector<128x1024xf32>
    %eq3A_529 = arith.cmpf oeq, %select_n3A_521, %eq3A_528 : vector<128x1024xf32>
    %jit3A_530 = arith.constant 1073741824 : i32
    %broadcast_in_dim3A_531 = vector.broadcast %jit3A_530 : i32 to vector<128x1024xi32>
    %select_n3A_532 = arith.select %eq3A_529, %iota3A, %broadcast_in_dim3A_531 : vector<128x1024xi1>, vector<128x1024xi32>
    %reduce_min3A_533 = arith.constant dense<2147483647> : vector<128xi32>
    %reduce_min3A_534 = vector.multi_reduction <minsi>, %select_n3A_532, %reduce_min3A_533 [1] : vector<128x1024xi32> to vector<128xi32>
    %broadcast_in_dim3A_535 = vector.shape_cast %reduce_min3A_534 : vector<128xi32> to vector<128x1xi32>
    %eq3A_536 = vector.broadcast %broadcast_in_dim3A_535 : vector<128x1xi32> to vector<128x1024xi32>
    %eq3A_537 = arith.cmpi eq, %iota3A, %eq3A_536 : vector<128x1024xi32>
    %jit3A_538 = arith.constant 0xFF800000 : f32
    %broadcast_in_dim3A_539 = vector.broadcast %jit3A_538 : f32 to vector<128x1024xf32>
    %select_n3A_540 = arith.select %eq3A_537, %broadcast_in_dim3A_539, %select_n3A_521 : vector<128x1024xi1>, vector<128x1024xf32>
    %neg3A_541 = arith.constant 0.000000e+00 : f32
    %neg3A_542 = vector.broadcast %neg3A_541 : f32 to vector<128x1xf32>
    %neg3A_543 = arith.subf %neg3A_542, %broadcast_in_dim3A_527 : vector<128x1xf32>
    %reduce_max3A_544 = arith.constant dense<0xFF800000> : vector<128xf32>
    %reduce_max3A_545 = vector.multi_reduction <maximumf>, %select_n3A_540, %reduce_max3A_544 [1] : vector<128x1024xf32> to vector<128xf32>
    %broadcast_in_dim3A_546 = vector.shape_cast %reduce_max3A_545 : vector<128xf32> to vector<128x1xf32>
    %eq3A_547 = vector.broadcast %broadcast_in_dim3A_546 : vector<128x1xf32> to vector<128x1024xf32>
    %eq3A_548 = arith.cmpf oeq, %select_n3A_540, %eq3A_547 : vector<128x1024xf32>
    %jit3A_549 = arith.constant 1073741824 : i32
    %broadcast_in_dim3A_550 = vector.broadcast %jit3A_549 : i32 to vector<128x1024xi32>
    %select_n3A_551 = arith.select %eq3A_548, %iota3A, %broadcast_in_dim3A_550 : vector<128x1024xi1>, vector<128x1024xi32>
    %reduce_min3A_552 = arith.constant dense<2147483647> : vector<128xi32>
    %reduce_min3A_553 = vector.multi_reduction <minsi>, %select_n3A_551, %reduce_min3A_552 [1] : vector<128x1024xi32> to vector<128xi32>
    %broadcast_in_dim3A_554 = vector.shape_cast %reduce_min3A_553 : vector<128xi32> to vector<128x1xi32>
    %eq3A_555 = vector.broadcast %broadcast_in_dim3A_554 : vector<128x1xi32> to vector<128x1024xi32>
    %eq3A_556 = arith.cmpi eq, %iota3A, %eq3A_555 : vector<128x1024xi32>
    %jit3A_557 = arith.constant 0xFF800000 : f32
    %broadcast_in_dim3A_558 = vector.broadcast %jit3A_557 : f32 to vector<128x1024xf32>
    %select_n3A_559 = arith.select %eq3A_556, %broadcast_in_dim3A_558, %select_n3A_540 : vector<128x1024xi1>, vector<128x1024xf32>
    %neg3A_560 = arith.constant 0.000000e+00 : f32
    %neg3A_561 = vector.broadcast %neg3A_560 : f32 to vector<128x1xf32>
    %neg3A_562 = arith.subf %neg3A_561, %broadcast_in_dim3A_546 : vector<128x1xf32>
    %reduce_max3A_563 = arith.constant dense<0xFF800000> : vector<128xf32>
    %reduce_max3A_564 = vector.multi_reduction <maximumf>, %select_n3A_559, %reduce_max3A_563 [1] : vector<128x1024xf32> to vector<128xf32>
    %broadcast_in_dim3A_565 = vector.shape_cast %reduce_max3A_564 : vector<128xf32> to vector<128x1xf32>
    %eq3A_566 = vector.broadcast %broadcast_in_dim3A_565 : vector<128x1xf32> to vector<128x1024xf32>
    %eq3A_567 = arith.cmpf oeq, %select_n3A_559, %eq3A_566 : vector<128x1024xf32>
    %jit3A_568 = arith.constant 1073741824 : i32
    %broadcast_in_dim3A_569 = vector.broadcast %jit3A_568 : i32 to vector<128x1024xi32>
    %select_n3A_570 = arith.select %eq3A_567, %iota3A, %broadcast_in_dim3A_569 : vector<128x1024xi1>, vector<128x1024xi32>
    %reduce_min3A_571 = arith.constant dense<2147483647> : vector<128xi32>
    %reduce_min3A_572 = vector.multi_reduction <minsi>, %select_n3A_570, %reduce_min3A_571 [1] : vector<128x1024xi32> to vector<128xi32>
    %broadcast_in_dim3A_573 = vector.shape_cast %reduce_min3A_572 : vector<128xi32> to vector<128x1xi32>
    %eq3A_574 = vector.broadcast %broadcast_in_dim3A_573 : vector<128x1xi32> to vector<128x1024xi32>
    %eq3A_575 = arith.cmpi eq, %iota3A, %eq3A_574 : vector<128x1024xi32>
    %jit3A_576 = arith.constant 0xFF800000 : f32
    %broadcast_in_dim3A_577 = vector.broadcast %jit3A_576 : f32 to vector<128x1024xf32>
    %select_n3A_578 = arith.select %eq3A_575, %broadcast_in_dim3A_577, %select_n3A_559 : vector<128x1024xi1>, vector<128x1024xf32>
    %neg3A_579 = arith.constant 0.000000e+00 : f32
    %neg3A_580 = vector.broadcast %neg3A_579 : f32 to vector<128x1xf32>
    %neg3A_581 = arith.subf %neg3A_580, %broadcast_in_dim3A_565 : vector<128x1xf32>
    %reduce_max3A_582 = arith.constant dense<0xFF800000> : vector<128xf32>
    %reduce_max3A_583 = vector.multi_reduction <maximumf>, %select_n3A_578, %reduce_max3A_582 [1] : vector<128x1024xf32> to vector<128xf32>
    %broadcast_in_dim3A_584 = vector.shape_cast %reduce_max3A_583 : vector<128xf32> to vector<128x1xf32>
    %eq3A_585 = vector.broadcast %broadcast_in_dim3A_584 : vector<128x1xf32> to vector<128x1024xf32>
    %eq3A_586 = arith.cmpf oeq, %select_n3A_578, %eq3A_585 : vector<128x1024xf32>
    %jit3A_587 = arith.constant 1073741824 : i32
    %broadcast_in_dim3A_588 = vector.broadcast %jit3A_587 : i32 to vector<128x1024xi32>
    %select_n3A_589 = arith.select %eq3A_586, %iota3A, %broadcast_in_dim3A_588 : vector<128x1024xi1>, vector<128x1024xi32>
    %reduce_min3A_590 = arith.constant dense<2147483647> : vector<128xi32>
    %reduce_min3A_591 = vector.multi_reduction <minsi>, %select_n3A_589, %reduce_min3A_590 [1] : vector<128x1024xi32> to vector<128xi32>
    %broadcast_in_dim3A_592 = vector.shape_cast %reduce_min3A_591 : vector<128xi32> to vector<128x1xi32>
    %neg3A_593 = arith.constant 0.000000e+00 : f32
    %neg3A_594 = vector.broadcast %neg3A_593 : f32 to vector<128x1xf32>
    %neg3A_595 = arith.subf %neg3A_594, %broadcast_in_dim3A_584 : vector<128x1xf32>
    %concatenate3A = tpu.concatenate %neg3A_49, %neg3A_68, %neg3A_87, %neg3A_106, %neg3A_125, %neg3A_144, %neg3A_163, %neg3A_182, %neg3A_201, %neg3A_220, %neg3A_239, %neg3A_258, %neg3A_277, %neg3A_296, %neg3A_315, %neg3A_334, %neg3A_353, %neg3A_372, %neg3A_391, %neg3A_410, %neg3A_429, %neg3A_448, %neg3A_467, %neg3A_486, %neg3A_505, %neg3A_524, %neg3A_543, %neg3A_562, %neg3A_581, %neg3A_595 in 1 : vector<128x1xf32>, vector<128x1xf32>, vector<128x1xf32>, vector<128x1xf32>, vector<128x1xf32>, vector<128x1xf32>, vector<128x1xf32>, vector<128x1xf32>, vector<128x1xf32>, vector<128x1xf32>, vector<128x1xf32>, vector<128x1xf32>, vector<128x1xf32>, vector<128x1xf32>, vector<128x1xf32>, vector<128x1xf32>, vector<128x1xf32>, vector<128x1xf32>, vector<128x1xf32>, vector<128x1xf32>, vector<128x1xf32>, vector<128x1xf32>, vector<128x1xf32>, vector<128x1xf32>, vector<128x1xf32>, vector<128x1xf32>, vector<128x1xf32>, vector<128x1xf32>, vector<128x1xf32>, vector<128x1xf32> -> vector<128x30xf32>
    %swap3A = arith.constant 0 : index
    %swap3A_596 = arith.constant 0 : index
    %swap3A_597 = arith.constant 0 : index
    %swap3A_598 = vector.load %arg7[%swap3A, %swap3A_596, %swap3A_597] : memref<1x128x30xf32, #tpu.memory_space<vmem>>, vector<1x128x30xf32>
    %swap3A_599 = vector.shape_cast %swap3A_598 : vector<1x128x30xf32> to vector<128x30xf32>
    %swap3A_600 = vector.shape_cast %concatenate3A : vector<128x30xf32> to vector<1x128x30xf32>
    tpu.vector_store %arg7[%swap3A, %swap3A_596, %swap3A_597], %swap3A_600 {strides = array<i32>} : memref<1x128x30xf32, #tpu.memory_space<vmem>>, vector<1x128x30xf32>,
    %concatenate3A_601 = tpu.concatenate %broadcast_in_dim3A_41, %broadcast_in_dim3A_60, %broadcast_in_dim3A_79, %broadcast_in_dim3A_98, %broadcast_in_dim3A_117, %broadcast_in_dim3A_136, %broadcast_in_dim3A_155, %broadcast_in_dim3A_174, %broadcast_in_dim3A_193, %broadcast_in_dim3A_212, %broadcast_in_dim3A_231, %broadcast_in_dim3A_250, %broadcast_in_dim3A_269, %broadcast_in_dim3A_288, %broadcast_in_dim3A_307, %broadcast_in_dim3A_326, %broadcast_in_dim3A_345, %broadcast_in_dim3A_364, %broadcast_in_dim3A_383, %broadcast_in_dim3A_402, %broadcast_in_dim3A_421, %broadcast_in_dim3A_440, %broadcast_in_dim3A_459, %broadcast_in_dim3A_478, %broadcast_in_dim3A_497, %broadcast_in_dim3A_516, %broadcast_in_dim3A_535, %broadcast_in_dim3A_554, %broadcast_in_dim3A_573, %broadcast_in_dim3A_592 in 1 : vector<128x1xi32>, vector<128x1xi32>, vector<128x1xi32>, vector<128x1xi32>, vector<128x1xi32>, vector<128x1xi32>, vector<128x1xi32>, vector<128x1xi32>, vector<128x1xi32>, vector<128x1xi32>, vector<128x1xi32>, vector<128x1xi32>, vector<128x1xi32>, vector<128x1xi32>, vector<128x1xi32>, vector<128x1xi32>, vector<128x1xi32>, vector<128x1xi32>, vector<128x1xi32>, vector<128x1xi32>, vector<128x1xi32>, vector<128x1xi32>, vector<128x1xi32>, vector<128x1xi32>, vector<128x1xi32>, vector<128x1xi32>, vector<128x1xi32>, vector<128x1xi32>, vector<128x1xi32>, vector<128x1xi32> -> vector<128x30xi32>
    %swap3A_602 = arith.constant 0 : index
    %swap3A_603 = arith.constant 0 : index
    %swap3A_604 = arith.constant 0 : index
    %swap3A_605 = vector.load %arg8[%swap3A_602, %swap3A_603, %swap3A_604] : memref<1x128x30xi32, #tpu.memory_space<vmem>>, vector<1x128x30xi32>
    %swap3A_606 = vector.shape_cast %swap3A_605 : vector<1x128x30xi32> to vector<128x30xi32>
    %swap3A_607 = vector.shape_cast %concatenate3A_601 : vector<128x30xi32> to vector<1x128x30xi32>
    tpu.vector_store %arg8[%swap3A_602, %swap3A_603, %swap3A_604], %swap3A_607 {strides = array<i32>} : memref<1x128x30xi32, #tpu.memory_space<vmem>>, vector<1x128x30xi32>,
    %get3A_608 = arith.constant 0 : index
    %get3A_609 = arith.constant 0 : index
    %get3A_610 = arith.constant 0 : index
    %get3A_611 = vector.load %arg4[%get3A_608, %get3A_609, %get3A_610] : memref<1x128x3xf32, #tpu.memory_space<vmem>>, vector<1x128x3xf32>
    %get3A_612 = vector.shape_cast %get3A_611 : vector<1x128x3xf32> to vector<128x3xf32>
    %sub3A_613 = arith.subf %get3A_3, %get3A_612 : vector<128x3xf32>
    %mul3A = arith.mulf %sub3A_613, %sub3A_613 : vector<128x3xf32>
    %reduce_sum3A = arith.constant dense<0.000000e+00> : vector<128xf32>
    %reduce_sum3A_614 = vector.multi_reduction <add>, %mul3A, %reduce_sum3A [1] : vector<128x3xf32> to vector<128xf32>
    %broadcast_in_dim3A_615 = vector.shape_cast %reduce_sum3A_614 : vector<128xf32> to vector<128x1xf32>
    %max3A = arith.constant 1.000000e-24 : f32
    %max3A_616 = vector.broadcast %max3A : f32 to vector<128x1xf32>
    %max3A_617 = arith.maximumf %broadcast_in_dim3A_615, %max3A_616 : vector<128x1xf32>
    %sqrt3A_618 = math.sqrt %max3A_617 : vector<128x1xf32>
    %div3A = vector.broadcast %sqrt3A_618 : vector<128x1xf32> to vector<128x3xf32>
    %div3A_619 = arith.divf %sub3A_613, %div3A : vector<128x3xf32>
    %get3A_620 = arith.constant 0 : index
    %get3A_621 = arith.constant 0 : index
    %get3A_622 = arith.constant 0 : index
    %get3A_623 = vector.load %arg5[%get3A_620, %get3A_621, %get3A_622] : memref<1x128x3xf32, #tpu.memory_space<vmem>>, vector<1x128x3xf32>
    %get3A_624 = vector.shape_cast %get3A_623 : vector<1x128x3xf32> to vector<128x3xf32>
    %sub3A_625 = arith.subf %get3A_624, %get3A_3 : vector<128x3xf32>
    %mul3A_626 = arith.mulf %sub3A_625, %sub3A_625 : vector<128x3xf32>
    %reduce_sum3A_627 = arith.constant dense<0.000000e+00> : vector<128xf32>
    %reduce_sum3A_628 = vector.multi_reduction <add>, %mul3A_626, %reduce_sum3A_627 [1] : vector<128x3xf32> to vector<128xf32>
    %broadcast_in_dim3A_629 = vector.shape_cast %reduce_sum3A_628 : vector<128xf32> to vector<128x1xf32>
    %max3A_630 = arith.constant 1.000000e-24 : f32
    %max3A_631 = vector.broadcast %max3A_630 : f32 to vector<128x1xf32>
    %max3A_632 = arith.maximumf %broadcast_in_dim3A_629, %max3A_631 : vector<128x1xf32>
    %sqrt3A_633 = math.sqrt %max3A_632 : vector<128x1xf32>
    %div3A_634 = vector.broadcast %sqrt3A_633 : vector<128x1xf32> to vector<128x3xf32>
    %div3A_635 = arith.divf %sub3A_625, %div3A_634 : vector<128x3xf32>
    %sub3A_636 = arith.subf %div3A_619, %div3A_635 : vector<128x3xf32>
    %mul3A_637 = arith.mulf %sub3A_636, %sub3A_636 : vector<128x3xf32>
    %reduce_sum3A_638 = arith.constant dense<0.000000e+00> : vector<128xf32>
    %reduce_sum3A_639 = vector.multi_reduction <add>, %mul3A_637, %reduce_sum3A_638 [1] : vector<128x3xf32> to vector<128xf32>
    %broadcast_in_dim3A_640 = vector.shape_cast %reduce_sum3A_639 : vector<128xf32> to vector<128x1xf32>
    %max3A_641 = arith.constant 1.000000e-24 : f32
    %max3A_642 = vector.broadcast %max3A_641 : f32 to vector<128x1xf32>
    %max3A_643 = arith.maximumf %broadcast_in_dim3A_640, %max3A_642 : vector<128x1xf32>
    %sqrt3A_644 = math.sqrt %max3A_643 : vector<128x1xf32>
    %div3A_645 = vector.broadcast %sqrt3A_644 : vector<128x1xf32> to vector<128x3xf32>
    %div3A_646 = arith.divf %sub3A_636, %div3A_645 : vector<128x3xf32>
    %slice3A_647 = vector.extract_strided_slice %div3A_619 {offsets = [0, 0], sizes = [128, 1], strides = [1, 1]} : vector<128x3xf32> to vector<128x1xf32>
    %slice3A_648 = vector.extract_strided_slice %div3A_619 {offsets = [0, 1], sizes = [128, 1], strides = [1, 1]} : vector<128x3xf32> to vector<128x1xf32>
    %slice3A_649 = vector.extract_strided_slice %div3A_619 {offsets = [0, 2], sizes = [128, 1], strides = [1, 1]} : vector<128x3xf32> to vector<128x1xf32>
    %slice3A_650 = vector.extract_strided_slice %div3A_635 {offsets = [0, 0], sizes = [128, 1], strides = [1, 1]} : vector<128x3xf32> to vector<128x1xf32>
    %slice3A_651 = vector.extract_strided_slice %div3A_635 {offsets = [0, 1], sizes = [128, 1], strides = [1, 1]} : vector<128x3xf32> to vector<128x1xf32>
    %slice3A_652 = vector.extract_strided_slice %div3A_635 {offsets = [0, 2], sizes = [128, 1], strides = [1, 1]} : vector<128x3xf32> to vector<128x1xf32>
    %mul3A_653 = arith.mulf %slice3A_648, %slice3A_652 : vector<128x1xf32>
    %mul3A_654 = arith.mulf %slice3A_649, %slice3A_651 : vector<128x1xf32>
    %sub3A_655 = arith.subf %mul3A_653, %mul3A_654 : vector<128x1xf32>
    %mul3A_656 = arith.mulf %slice3A_649, %slice3A_650 : vector<128x1xf32>
    %mul3A_657 = arith.mulf %slice3A_647, %slice3A_652 : vector<128x1xf32>
    %sub3A_658 = arith.subf %mul3A_656, %mul3A_657 : vector<128x1xf32>
    %mul3A_659 = arith.mulf %slice3A_647, %slice3A_651 : vector<128x1xf32>
    %mul3A_660 = arith.mulf %slice3A_648, %slice3A_650 : vector<128x1xf32>
    %sub3A_661 = arith.subf %mul3A_659, %mul3A_660 : vector<128x1xf32>
    %concatenate3A_662 = tpu.concatenate %sub3A_655, %sub3A_658, %sub3A_661 in 1 : vector<128x1xf32>, vector<128x1xf32>, vector<128x1xf32> -> vector<128x3xf32>
    %mul3A_663 = arith.mulf %concatenate3A_662, %concatenate3A_662 : vector<128x3xf32>
    %reduce_sum3A_664 = arith.constant dense<0.000000e+00> : vector<128xf32>
    %reduce_sum3A_665 = vector.multi_reduction <add>, %mul3A_663, %reduce_sum3A_664 [1] : vector<128x3xf32> to vector<128xf32>
    %broadcast_in_dim3A_666 = vector.shape_cast %reduce_sum3A_665 : vector<128xf32> to vector<128x1xf32>
    %max3A_667 = arith.constant 1.000000e-24 : f32
    %max3A_668 = vector.broadcast %max3A_667 : f32 to vector<128x1xf32>
    %max3A_669 = arith.maximumf %broadcast_in_dim3A_666, %max3A_668 : vector<128x1xf32>
    %sqrt3A_670 = math.sqrt %max3A_669 : vector<128x1xf32>
    %div3A_671 = vector.broadcast %sqrt3A_670 : vector<128x1xf32> to vector<128x3xf32>
    %div3A_672 = arith.divf %concatenate3A_662, %div3A_671 : vector<128x3xf32>
    %slice3A_673 = vector.extract_strided_slice %div3A_646 {offsets = [0, 0], sizes = [128, 1], strides = [1, 1]} : vector<128x3xf32> to vector<128x1xf32>
    %slice3A_674 = vector.extract_strided_slice %div3A_646 {offsets = [0, 1], sizes = [128, 1], strides = [1, 1]} : vector<128x3xf32> to vector<128x1xf32>
    %slice3A_675 = vector.extract_strided_slice %div3A_646 {offsets = [0, 2], sizes = [128, 1], strides = [1, 1]} : vector<128x3xf32> to vector<128x1xf32>
    %slice3A_676 = vector.extract_strided_slice %div3A_672 {offsets = [0, 0], sizes = [128, 1], strides = [1, 1]} : vector<128x3xf32> to vector<128x1xf32>
    %slice3A_677 = vector.extract_strided_slice %div3A_672 {offsets = [0, 1], sizes = [128, 1], strides = [1, 1]} : vector<128x3xf32> to vector<128x1xf32>
    %slice3A_678 = vector.extract_strided_slice %div3A_672 {offsets = [0, 2], sizes = [128, 1], strides = [1, 1]} : vector<128x3xf32> to vector<128x1xf32>
    %mul3A_679 = arith.mulf %slice3A_674, %slice3A_678 : vector<128x1xf32>
    %mul3A_680 = arith.mulf %slice3A_675, %slice3A_677 : vector<128x1xf32>
    %sub3A_681 = arith.subf %mul3A_679, %mul3A_680 : vector<128x1xf32>
    %mul3A_682 = arith.mulf %slice3A_675, %slice3A_676 : vector<128x1xf32>
    %mul3A_683 = arith.mulf %slice3A_673, %slice3A_678 : vector<128x1xf32>
    %sub3A_684 = arith.subf %mul3A_682, %mul3A_683 : vector<128x1xf32>
    %mul3A_685 = arith.mulf %slice3A_673, %slice3A_677 : vector<128x1xf32>
    %mul3A_686 = arith.mulf %slice3A_674, %slice3A_676 : vector<128x1xf32>
    %sub3A_687 = arith.subf %mul3A_685, %mul3A_686 : vector<128x1xf32>
    %concatenate3A_688 = tpu.concatenate %sub3A_681, %sub3A_684, %sub3A_687 in 1 : vector<128x1xf32>, vector<128x1xf32>, vector<128x1xf32> -> vector<128x3xf32>
    %mul3A_689 = arith.constant 128 : i32
    %mul3A_690 = arith.muli %arg1, %mul3A_689 : i32
    %iota3A_691 = tpu.iota {dimensions = array<i32: 0>} : vector<128x1xi32>
    %add3A_692 = vector.broadcast %mul3A_690 : i32 to vector<128x1xi32>
    %add3A_693 = arith.addi %add3A_692, %iota3A_691 : vector<128x1xi32>
    %concatenate3A_694 = tpu.concatenate %div3A_646, %div3A_672, %concatenate3A_688 in 1 : vector<128x3xf32>, vector<128x3xf32>, vector<128x3xf32> -> vector<128x9xf32>
    %eq3A_695 = arith.constant 0 : i32
    %eq3A_696 = vector.broadcast %eq3A_695 : i32 to vector<128x1xi32>
    %eq3A_697 = arith.cmpi eq, %add3A_693, %eq3A_696 : vector<128x1xi32>
    %ge3A = arith.constant 1022 : i32
    %ge3A_698 = vector.broadcast %ge3A : i32 to vector<128x1xi32>
    %ge3A_699 = arith.cmpi sge, %add3A_693, %ge3A_698 : vector<128x1xi32>
    %or3A = arith.ori %eq3A_697, %ge3A_699 : vector<128x1xi1>
    %jit3A_700 = arith.constant 0.000000e+00 : f32
    %broadcast_in_dim3A_701 = vector.shape_cast %or3A : vector<128x1xi1> to vector<128x1xi1>
    %broadcast_in_dim3A_702 = vector.broadcast %broadcast_in_dim3A_701 : vector<128x1xi1> to vector<128x9xi1>
    %broadcast_in_dim3A_703 = vector.broadcast %jit3A_700 : f32 to vector<128x9xf32>
    %select_n3A_704 = arith.select %broadcast_in_dim3A_702, %broadcast_in_dim3A_703, %concatenate3A_694 : vector<128x9xi1>, vector<128x9xf32>
    %broadcast_in_dim3A_705 = arith.constant 0.000000e+00 : f32
    %broadcast_in_dim3A_706 = vector.broadcast %broadcast_in_dim3A_705 : f32 to vector<128x4xf32>
    %concatenate3A_707 = tpu.concatenate %get3A_3, %select_n3A_704, %broadcast_in_dim3A_706 in 1 : vector<128x3xf32>, vector<128x9xf32>, vector<128x4xf32> -> vector<128x16xf32>
    %swap3A_708 = arith.constant 0 : index
    %swap3A_709 = arith.constant 0 : index
    %swap3A_710 = arith.constant 0 : index
    %swap3A_711 = vector.load %arg6[%swap3A_708, %swap3A_709, %swap3A_710] : memref<1x128x16xf32, #tpu.memory_space<vmem>>, vector<1x128x16xf32>
    %swap3A_712 = vector.shape_cast %swap3A_711 : vector<1x128x16xf32> to vector<128x16xf32>
    %swap3A_713 = vector.shape_cast %concatenate3A_707 : vector<128x16xf32> to vector<1x128x16xf32>
    tpu.vector_store %arg6[%swap3A_708, %swap3A_709, %swap3A_710], %swap3A_713 {strides = array<i32>} : memref<1x128x16xf32, #tpu.memory_space<vmem>>, vector<1x128x16xf32>,
    return
  }
  func.func @transform_0(%arg0: i32, %arg1: i32) -> (i32, i32, i32) {
    %c0_i32 = arith.constant 0 : i32
    %c0_i32_0 = arith.constant 0 : i32
    return %arg0, %arg1, %c0_i32 : i32, i32, i32
  }
  func.func @transform_1(%arg0: i32, %arg1: i32) -> (i32, i32, i32) {
    %c0_i32 = arith.constant 0 : i32
    %c0_i32_0 = arith.constant 0 : i32
    %c0_i32_1 = arith.constant 0 : i32
    return %arg0, %c0_i32, %c0_i32_0 : i32, i32, i32
  }
  func.func @transform_2(%arg0: i32, %arg1: i32) -> (i32, i32, i32) {
    %c0_i32 = arith.constant 0 : i32
    %c0_i32_0 = arith.constant 0 : i32
    return %arg0, %arg1, %c0_i32 : i32, i32, i32
  }
  func.func @transform_3(%arg0: i32, %arg1: i32) -> (i32, i32, i32) {
    %c0_i32 = arith.constant 0 : i32
    %c0_i32_0 = arith.constant 0 : i32
    return %arg0, %arg1, %c0_i32 : i32, i32, i32
  }
  func.func @transform_4(%arg0: i32, %arg1: i32) -> (i32, i32, i32) {
    %c0_i32 = arith.constant 0 : i32
    %c0_i32_0 = arith.constant 0 : i32
    return %arg0, %arg1, %c0_i32 : i32, i32, i32
  }
  func.func @transform_5(%arg0: i32, %arg1: i32) -> (i32, i32, i32) {
    %c0_i32 = arith.constant 0 : i32
    %c0_i32_0 = arith.constant 0 : i32
    return %arg0, %arg1, %c0_i32 : i32, i32, i32
  }
  func.func @transform_6(%arg0: i32, %arg1: i32) -> (i32, i32, i32) {
    %c0_i32 = arith.constant 0 : i32
    %c0_i32_0 = arith.constant 0 : i32
    return %arg0, %arg1, %c0_i32 : i32, i32, i32
  }
}

module attributes {stable_mosaic.version = 14 : i64} {
  func.func @_edge_body(%arg0: i32, %arg1: i32, %arg2: memref<1x1x1x3840xf32, #tpu.memory_space<vmem>>, %arg3: memref<1x1x1x3840xi32, #tpu.memory_space<vmem>>, %arg4: memref<1x1x3840xi32, #tpu.memory_space<vmem>>, %arg5: memref<1x24x3840xf32, #tpu.memory_space<vmem>>, %arg6: memref<39x128xf32, #tpu.memory_space<vmem>>, %arg7: memref<1x128xf32, #tpu.memory_space<vmem>>, %arg8: memref<1x128xf32, #tpu.memory_space<vmem>>, %arg9: memref<1x128xf32, #tpu.memory_space<vmem>>, %arg10: memref<1x128x30x128xf32, #tpu.memory_space<vmem>>) attributes {dimension_semantics = [#tpu.dimension_semantics<arbitrary>, #tpu.dimension_semantics<arbitrary>], iteration_bounds = array<i64: 8, 8>, scalar_prefetch = 0 : i64, scratch_operands = 0 : i64, tpu.core_type = #tpu.core_type<tc>, window_params = [{transform_indices = @transform_0, window_bounds = array<i64: 1, 1, 1, 3840>}, {transform_indices = @transform_1, window_bounds = array<i64: 1, 1, 1, 3840>}, {transform_indices = @transform_2, window_bounds = array<i64: 1, 1, 3840>}, {transform_indices = @transform_3, window_bounds = array<i64: 1, 24, 3840>}, {pipeline_mode = #tpu.pipeline_mode<synchronous>, transform_indices = @transform_4, window_bounds = array<i64: 39, 128>}, {pipeline_mode = #tpu.pipeline_mode<synchronous>, transform_indices = @transform_5, window_bounds = array<i64: 1, 128>}, {pipeline_mode = #tpu.pipeline_mode<synchronous>, transform_indices = @transform_6, window_bounds = array<i64: 1, 128>}, {pipeline_mode = #tpu.pipeline_mode<synchronous>, transform_indices = @transform_7, window_bounds = array<i64: 1, 128>}, {transform_indices = @transform_8, window_bounds = array<i64: 1, 128, 30, 128>}]} {
    %get3A = arith.constant 0 : index
    %get3A_0 = arith.constant 0 : index
    %get3A_1 = arith.constant 0 : index
    %get3A_2 = vector.load %arg5[%get3A, %get3A_0, %get3A_1] : memref<1x24x3840xf32, #tpu.memory_space<vmem>>, vector<1x24x3840xf32>
    %get3A_3 = vector.shape_cast %get3A_2 : vector<1x24x3840xf32> to vector<24x3840xf32>
    %get3A_4 = arith.constant 0 : index
    %get3A_5 = arith.constant 0 : index
    %get3A_6 = arith.constant 0 : index
    %get3A_7 = arith.constant 0 : index
    %get3A_8 = vector.load %arg2[%get3A_4, %get3A_5, %get3A_6, %get3A_7] : memref<1x1x1x3840xf32, #tpu.memory_space<vmem>>, vector<1x1x1x3840xf32>
    %get3A_9 = vector.shape_cast %get3A_8 : vector<1x1x1x3840xf32> to vector<1x3840xf32>
    %get3A_10 = arith.constant 0 : index
    %get3A_11 = arith.constant 0 : index
    %get3A_12 = arith.constant 0 : index
    %get3A_13 = arith.constant 0 : index
    %get3A_14 = vector.load %arg3[%get3A_10, %get3A_11, %get3A_12, %get3A_13] : memref<1x1x1x3840xi32, #tpu.memory_space<vmem>>, vector<1x1x1x3840xi32>
    %get3A_15 = vector.shape_cast %get3A_14 : vector<1x1x1x3840xi32> to vector<1x3840xi32>
    %convert_element_type3A = arith.sitofp %get3A_15 : vector<1x3840xi32> to vector<1x3840xf32>
    %get3A_16 = arith.constant 0 : index
    %get3A_17 = arith.constant 0 : index
    %get3A_18 = arith.constant 0 : index
    %get3A_19 = vector.load %arg4[%get3A_16, %get3A_17, %get3A_18] : memref<1x1x3840xi32, #tpu.memory_space<vmem>>, vector<1x1x3840xi32>
    %get3A_20 = vector.shape_cast %get3A_19 : vector<1x1x3840xi32> to vector<1x3840xi32>
    %convert_element_type3A_21 = arith.sitofp %get3A_20 : vector<1x3840xi32> to vector<1x3840xf32>
    %sub3A = arith.subf %convert_element_type3A, %convert_element_type3A_21 : vector<1x3840xf32>
    %mul3A = arith.constant 1.000000e+00 : f32
    %mul3A_22 = vector.broadcast %mul3A : f32 to vector<1x3840xf32>
    %mul3A_23 = arith.mulf %sub3A, %mul3A_22 : vector<1x3840xf32>
    %cos3A = math.cos %mul3A_23 : vector<1x3840xf32>
    %mul3A_24 = arith.constant 0.316227764 : f32
    %mul3A_25 = vector.broadcast %mul3A_24 : f32 to vector<1x3840xf32>
    %mul3A_26 = arith.mulf %sub3A, %mul3A_25 : vector<1x3840xf32>
    %cos3A_27 = math.cos %mul3A_26 : vector<1x3840xf32>
    %mul3A_28 = arith.constant 1.000000e-01 : f32
    %mul3A_29 = vector.broadcast %mul3A_28 : f32 to vector<1x3840xf32>
    %mul3A_30 = arith.mulf %sub3A, %mul3A_29 : vector<1x3840xf32>
    %cos3A_31 = math.cos %mul3A_30 : vector<1x3840xf32>
    %mul3A_32 = arith.constant 0.0316227749 : f32
    %mul3A_33 = vector.broadcast %mul3A_32 : f32 to vector<1x3840xf32>
    %mul3A_34 = arith.mulf %sub3A, %mul3A_33 : vector<1x3840xf32>
    %cos3A_35 = math.cos %mul3A_34 : vector<1x3840xf32>
    %mul3A_36 = arith.constant 0.00999999977 : f32
    %mul3A_37 = vector.broadcast %mul3A_36 : f32 to vector<1x3840xf32>
    %mul3A_38 = arith.mulf %sub3A, %mul3A_37 : vector<1x3840xf32>
    %cos3A_39 = math.cos %mul3A_38 : vector<1x3840xf32>
    %mul3A_40 = arith.constant 0.00316227763 : f32
    %mul3A_41 = vector.broadcast %mul3A_40 : f32 to vector<1x3840xf32>
    %mul3A_42 = arith.mulf %sub3A, %mul3A_41 : vector<1x3840xf32>
    %cos3A_43 = math.cos %mul3A_42 : vector<1x3840xf32>
    %mul3A_44 = arith.constant 1.000000e-03 : f32
    %mul3A_45 = vector.broadcast %mul3A_44 : f32 to vector<1x3840xf32>
    %mul3A_46 = arith.mulf %sub3A, %mul3A_45 : vector<1x3840xf32>
    %cos3A_47 = math.cos %mul3A_46 : vector<1x3840xf32>
    %mul3A_48 = arith.constant 3.16227757E-4 : f32
    %mul3A_49 = vector.broadcast %mul3A_48 : f32 to vector<1x3840xf32>
    %mul3A_50 = arith.mulf %sub3A, %mul3A_49 : vector<1x3840xf32>
    %cos3A_51 = math.cos %mul3A_50 : vector<1x3840xf32>
    %mul3A_52 = arith.constant 1.000000e+00 : f32
    %mul3A_53 = vector.broadcast %mul3A_52 : f32 to vector<1x3840xf32>
    %mul3A_54 = arith.mulf %sub3A, %mul3A_53 : vector<1x3840xf32>
    %sin3A = math.sin %mul3A_54 : vector<1x3840xf32>
    %mul3A_55 = arith.constant 0.316227764 : f32
    %mul3A_56 = vector.broadcast %mul3A_55 : f32 to vector<1x3840xf32>
    %mul3A_57 = arith.mulf %sub3A, %mul3A_56 : vector<1x3840xf32>
    %sin3A_58 = math.sin %mul3A_57 : vector<1x3840xf32>
    %mul3A_59 = arith.constant 1.000000e-01 : f32
    %mul3A_60 = vector.broadcast %mul3A_59 : f32 to vector<1x3840xf32>
    %mul3A_61 = arith.mulf %sub3A, %mul3A_60 : vector<1x3840xf32>
    %sin3A_62 = math.sin %mul3A_61 : vector<1x3840xf32>
    %mul3A_63 = arith.constant 0.0316227749 : f32
    %mul3A_64 = vector.broadcast %mul3A_63 : f32 to vector<1x3840xf32>
    %mul3A_65 = arith.mulf %sub3A, %mul3A_64 : vector<1x3840xf32>
    %sin3A_66 = math.sin %mul3A_65 : vector<1x3840xf32>
    %mul3A_67 = arith.constant 0.00999999977 : f32
    %mul3A_68 = vector.broadcast %mul3A_67 : f32 to vector<1x3840xf32>
    %mul3A_69 = arith.mulf %sub3A, %mul3A_68 : vector<1x3840xf32>
    %sin3A_70 = math.sin %mul3A_69 : vector<1x3840xf32>
    %mul3A_71 = arith.constant 0.00316227763 : f32
    %mul3A_72 = vector.broadcast %mul3A_71 : f32 to vector<1x3840xf32>
    %mul3A_73 = arith.mulf %sub3A, %mul3A_72 : vector<1x3840xf32>
    %sin3A_74 = math.sin %mul3A_73 : vector<1x3840xf32>
    %mul3A_75 = arith.constant 1.000000e-03 : f32
    %mul3A_76 = vector.broadcast %mul3A_75 : f32 to vector<1x3840xf32>
    %mul3A_77 = arith.mulf %sub3A, %mul3A_76 : vector<1x3840xf32>
    %sin3A_78 = math.sin %mul3A_77 : vector<1x3840xf32>
    %mul3A_79 = arith.constant 3.16227757E-4 : f32
    %mul3A_80 = vector.broadcast %mul3A_79 : f32 to vector<1x3840xf32>
    %mul3A_81 = arith.mulf %sub3A, %mul3A_80 : vector<1x3840xf32>
    %sin3A_82 = math.sin %mul3A_81 : vector<1x3840xf32>
    %sub3A_83 = arith.constant 0.000000e+00 : f32
    %sub3A_84 = vector.broadcast %sub3A_83 : f32 to vector<1x3840xf32>
    %sub3A_85 = arith.subf %get3A_9, %sub3A_84 : vector<1x3840xf32>
    %div3A = arith.constant 1.250000e+00 : f32
    %div3A_86 = vector.broadcast %div3A : f32 to vector<1x3840xf32>
    %div3A_87 = arith.divf %sub3A_85, %div3A_86 : vector<1x3840xf32>
    %integer_pow3A = arith.mulf %div3A_87, %div3A_87 : vector<1x3840xf32>
    %neg3A = arith.constant 0.000000e+00 : f32
    %neg3A_88 = vector.broadcast %neg3A : f32 to vector<1x3840xf32>
    %neg3A_89 = arith.subf %neg3A_88, %integer_pow3A : vector<1x3840xf32>
    %exp3A = math.exp %neg3A_89 : vector<1x3840xf32>
    %sub3A_90 = arith.constant 1.33333337 : f32
    %sub3A_91 = vector.broadcast %sub3A_90 : f32 to vector<1x3840xf32>
    %sub3A_92 = arith.subf %get3A_9, %sub3A_91 : vector<1x3840xf32>
    %div3A_93 = arith.constant 1.250000e+00 : f32
    %div3A_94 = vector.broadcast %div3A_93 : f32 to vector<1x3840xf32>
    %div3A_95 = arith.divf %sub3A_92, %div3A_94 : vector<1x3840xf32>
    %integer_pow3A_96 = arith.mulf %div3A_95, %div3A_95 : vector<1x3840xf32>
    %neg3A_97 = arith.constant 0.000000e+00 : f32
    %neg3A_98 = vector.broadcast %neg3A_97 : f32 to vector<1x3840xf32>
    %neg3A_99 = arith.subf %neg3A_98, %integer_pow3A_96 : vector<1x3840xf32>
    %exp3A_100 = math.exp %neg3A_99 : vector<1x3840xf32>
    %sub3A_101 = arith.constant 2.66666675 : f32
    %sub3A_102 = vector.broadcast %sub3A_101 : f32 to vector<1x3840xf32>
    %sub3A_103 = arith.subf %get3A_9, %sub3A_102 : vector<1x3840xf32>
    %div3A_104 = arith.constant 1.250000e+00 : f32
    %div3A_105 = vector.broadcast %div3A_104 : f32 to vector<1x3840xf32>
    %div3A_106 = arith.divf %sub3A_103, %div3A_105 : vector<1x3840xf32>
    %integer_pow3A_107 = arith.mulf %div3A_106, %div3A_106 : vector<1x3840xf32>
    %neg3A_108 = arith.constant 0.000000e+00 : f32
    %neg3A_109 = vector.broadcast %neg3A_108 : f32 to vector<1x3840xf32>
    %neg3A_110 = arith.subf %neg3A_109, %integer_pow3A_107 : vector<1x3840xf32>
    %exp3A_111 = math.exp %neg3A_110 : vector<1x3840xf32>
    %sub3A_112 = arith.constant 4.000000e+00 : f32
    %sub3A_113 = vector.broadcast %sub3A_112 : f32 to vector<1x3840xf32>
    %sub3A_114 = arith.subf %get3A_9, %sub3A_113 : vector<1x3840xf32>
    %div3A_115 = arith.constant 1.250000e+00 : f32
    %div3A_116 = vector.broadcast %div3A_115 : f32 to vector<1x3840xf32>
    %div3A_117 = arith.divf %sub3A_114, %div3A_116 : vector<1x3840xf32>
    %integer_pow3A_118 = arith.mulf %div3A_117, %div3A_117 : vector<1x3840xf32>
    %neg3A_119 = arith.constant 0.000000e+00 : f32
    %neg3A_120 = vector.broadcast %neg3A_119 : f32 to vector<1x3840xf32>
    %neg3A_121 = arith.subf %neg3A_120, %integer_pow3A_118 : vector<1x3840xf32>
    %exp3A_122 = math.exp %neg3A_121 : vector<1x3840xf32>
    %sub3A_123 = arith.constant 5.33333349 : f32
    %sub3A_124 = vector.broadcast %sub3A_123 : f32 to vector<1x3840xf32>
    %sub3A_125 = arith.subf %get3A_9, %sub3A_124 : vector<1x3840xf32>
    %div3A_126 = arith.constant 1.250000e+00 : f32
    %div3A_127 = vector.broadcast %div3A_126 : f32 to vector<1x3840xf32>
    %div3A_128 = arith.divf %sub3A_125, %div3A_127 : vector<1x3840xf32>
    %integer_pow3A_129 = arith.mulf %div3A_128, %div3A_128 : vector<1x3840xf32>
    %neg3A_130 = arith.constant 0.000000e+00 : f32
    %neg3A_131 = vector.broadcast %neg3A_130 : f32 to vector<1x3840xf32>
    %neg3A_132 = arith.subf %neg3A_131, %integer_pow3A_129 : vector<1x3840xf32>
    %exp3A_133 = math.exp %neg3A_132 : vector<1x3840xf32>
    %sub3A_134 = arith.constant 6.66666651 : f32
    %sub3A_135 = vector.broadcast %sub3A_134 : f32 to vector<1x3840xf32>
    %sub3A_136 = arith.subf %get3A_9, %sub3A_135 : vector<1x3840xf32>
    %div3A_137 = arith.constant 1.250000e+00 : f32
    %div3A_138 = vector.broadcast %div3A_137 : f32 to vector<1x3840xf32>
    %div3A_139 = arith.divf %sub3A_136, %div3A_138 : vector<1x3840xf32>
    %integer_pow3A_140 = arith.mulf %div3A_139, %div3A_139 : vector<1x3840xf32>
    %neg3A_141 = arith.constant 0.000000e+00 : f32
    %neg3A_142 = vector.broadcast %neg3A_141 : f32 to vector<1x3840xf32>
    %neg3A_143 = arith.subf %neg3A_142, %integer_pow3A_140 : vector<1x3840xf32>
    %exp3A_144 = math.exp %neg3A_143 : vector<1x3840xf32>
    %sub3A_145 = arith.constant 8.000000e+00 : f32
    %sub3A_146 = vector.broadcast %sub3A_145 : f32 to vector<1x3840xf32>
    %sub3A_147 = arith.subf %get3A_9, %sub3A_146 : vector<1x3840xf32>
    %div3A_148 = arith.constant 1.250000e+00 : f32
    %div3A_149 = vector.broadcast %div3A_148 : f32 to vector<1x3840xf32>
    %div3A_150 = arith.divf %sub3A_147, %div3A_149 : vector<1x3840xf32>
    %integer_pow3A_151 = arith.mulf %div3A_150, %div3A_150 : vector<1x3840xf32>
    %neg3A_152 = arith.constant 0.000000e+00 : f32
    %neg3A_153 = vector.broadcast %neg3A_152 : f32 to vector<1x3840xf32>
    %neg3A_154 = arith.subf %neg3A_153, %integer_pow3A_151 : vector<1x3840xf32>
    %exp3A_155 = math.exp %neg3A_154 : vector<1x3840xf32>
    %sub3A_156 = arith.constant 9.33333301 : f32
    %sub3A_157 = vector.broadcast %sub3A_156 : f32 to vector<1x3840xf32>
    %sub3A_158 = arith.subf %get3A_9, %sub3A_157 : vector<1x3840xf32>
    %div3A_159 = arith.constant 1.250000e+00 : f32
    %div3A_160 = vector.broadcast %div3A_159 : f32 to vector<1x3840xf32>
    %div3A_161 = arith.divf %sub3A_158, %div3A_160 : vector<1x3840xf32>
    %integer_pow3A_162 = arith.mulf %div3A_161, %div3A_161 : vector<1x3840xf32>
    %neg3A_163 = arith.constant 0.000000e+00 : f32
    %neg3A_164 = vector.broadcast %neg3A_163 : f32 to vector<1x3840xf32>
    %neg3A_165 = arith.subf %neg3A_164, %integer_pow3A_162 : vector<1x3840xf32>
    %exp3A_166 = math.exp %neg3A_165 : vector<1x3840xf32>
    %sub3A_167 = arith.constant 10.666667 : f32
    %sub3A_168 = vector.broadcast %sub3A_167 : f32 to vector<1x3840xf32>
    %sub3A_169 = arith.subf %get3A_9, %sub3A_168 : vector<1x3840xf32>
    %div3A_170 = arith.constant 1.250000e+00 : f32
    %div3A_171 = vector.broadcast %div3A_170 : f32 to vector<1x3840xf32>
    %div3A_172 = arith.divf %sub3A_169, %div3A_171 : vector<1x3840xf32>
    %integer_pow3A_173 = arith.mulf %div3A_172, %div3A_172 : vector<1x3840xf32>
    %neg3A_174 = arith.constant 0.000000e+00 : f32
    %neg3A_175 = vector.broadcast %neg3A_174 : f32 to vector<1x3840xf32>
    %neg3A_176 = arith.subf %neg3A_175, %integer_pow3A_173 : vector<1x3840xf32>
    %exp3A_177 = math.exp %neg3A_176 : vector<1x3840xf32>
    %sub3A_178 = arith.constant 1.200000e+01 : f32
    %sub3A_179 = vector.broadcast %sub3A_178 : f32 to vector<1x3840xf32>
    %sub3A_180 = arith.subf %get3A_9, %sub3A_179 : vector<1x3840xf32>
    %div3A_181 = arith.constant 1.250000e+00 : f32
    %div3A_182 = vector.broadcast %div3A_181 : f32 to vector<1x3840xf32>
    %div3A_183 = arith.divf %sub3A_180, %div3A_182 : vector<1x3840xf32>
    %integer_pow3A_184 = arith.mulf %div3A_183, %div3A_183 : vector<1x3840xf32>
    %neg3A_185 = arith.constant 0.000000e+00 : f32
    %neg3A_186 = vector.broadcast %neg3A_185 : f32 to vector<1x3840xf32>
    %neg3A_187 = arith.subf %neg3A_186, %integer_pow3A_184 : vector<1x3840xf32>
    %exp3A_188 = math.exp %neg3A_187 : vector<1x3840xf32>
    %sub3A_189 = arith.constant 13.333333 : f32
    %sub3A_190 = vector.broadcast %sub3A_189 : f32 to vector<1x3840xf32>
    %sub3A_191 = arith.subf %get3A_9, %sub3A_190 : vector<1x3840xf32>
    %div3A_192 = arith.constant 1.250000e+00 : f32
    %div3A_193 = vector.broadcast %div3A_192 : f32 to vector<1x3840xf32>
    %div3A_194 = arith.divf %sub3A_191, %div3A_193 : vector<1x3840xf32>
    %integer_pow3A_195 = arith.mulf %div3A_194, %div3A_194 : vector<1x3840xf32>
    %neg3A_196 = arith.constant 0.000000e+00 : f32
    %neg3A_197 = vector.broadcast %neg3A_196 : f32 to vector<1x3840xf32>
    %neg3A_198 = arith.subf %neg3A_197, %integer_pow3A_195 : vector<1x3840xf32>
    %exp3A_199 = math.exp %neg3A_198 : vector<1x3840xf32>
    %sub3A_200 = arith.constant 14.666667 : f32
    %sub3A_201 = vector.broadcast %sub3A_200 : f32 to vector<1x3840xf32>
    %sub3A_202 = arith.subf %get3A_9, %sub3A_201 : vector<1x3840xf32>
    %div3A_203 = arith.constant 1.250000e+00 : f32
    %div3A_204 = vector.broadcast %div3A_203 : f32 to vector<1x3840xf32>
    %div3A_205 = arith.divf %sub3A_202, %div3A_204 : vector<1x3840xf32>
    %integer_pow3A_206 = arith.mulf %div3A_205, %div3A_205 : vector<1x3840xf32>
    %neg3A_207 = arith.constant 0.000000e+00 : f32
    %neg3A_208 = vector.broadcast %neg3A_207 : f32 to vector<1x3840xf32>
    %neg3A_209 = arith.subf %neg3A_208, %integer_pow3A_206 : vector<1x3840xf32>
    %exp3A_210 = math.exp %neg3A_209 : vector<1x3840xf32>
    %sub3A_211 = arith.constant 1.600000e+01 : f32
    %sub3A_212 = vector.broadcast %sub3A_211 : f32 to vector<1x3840xf32>
    %sub3A_213 = arith.subf %get3A_9, %sub3A_212 : vector<1x3840xf32>
    %div3A_214 = arith.constant 1.250000e+00 : f32
    %div3A_215 = vector.broadcast %div3A_214 : f32 to vector<1x3840xf32>
    %div3A_216 = arith.divf %sub3A_213, %div3A_215 : vector<1x3840xf32>
    %integer_pow3A_217 = arith.mulf %div3A_216, %div3A_216 : vector<1x3840xf32>
    %neg3A_218 = arith.constant 0.000000e+00 : f32
    %neg3A_219 = vector.broadcast %neg3A_218 : f32 to vector<1x3840xf32>
    %neg3A_220 = arith.subf %neg3A_219, %integer_pow3A_217 : vector<1x3840xf32>
    %exp3A_221 = math.exp %neg3A_220 : vector<1x3840xf32>
    %sub3A_222 = arith.constant 17.333334 : f32
    %sub3A_223 = vector.broadcast %sub3A_222 : f32 to vector<1x3840xf32>
    %sub3A_224 = arith.subf %get3A_9, %sub3A_223 : vector<1x3840xf32>
    %div3A_225 = arith.constant 1.250000e+00 : f32
    %div3A_226 = vector.broadcast %div3A_225 : f32 to vector<1x3840xf32>
    %div3A_227 = arith.divf %sub3A_224, %div3A_226 : vector<1x3840xf32>
    %integer_pow3A_228 = arith.mulf %div3A_227, %div3A_227 : vector<1x3840xf32>
    %neg3A_229 = arith.constant 0.000000e+00 : f32
    %neg3A_230 = vector.broadcast %neg3A_229 : f32 to vector<1x3840xf32>
    %neg3A_231 = arith.subf %neg3A_230, %integer_pow3A_228 : vector<1x3840xf32>
    %exp3A_232 = math.exp %neg3A_231 : vector<1x3840xf32>
    %sub3A_233 = arith.constant 18.666666 : f32
    %sub3A_234 = vector.broadcast %sub3A_233 : f32 to vector<1x3840xf32>
    %sub3A_235 = arith.subf %get3A_9, %sub3A_234 : vector<1x3840xf32>
    %div3A_236 = arith.constant 1.250000e+00 : f32
    %div3A_237 = vector.broadcast %div3A_236 : f32 to vector<1x3840xf32>
    %div3A_238 = arith.divf %sub3A_235, %div3A_237 : vector<1x3840xf32>
    %integer_pow3A_239 = arith.mulf %div3A_238, %div3A_238 : vector<1x3840xf32>
    %neg3A_240 = arith.constant 0.000000e+00 : f32
    %neg3A_241 = vector.broadcast %neg3A_240 : f32 to vector<1x3840xf32>
    %neg3A_242 = arith.subf %neg3A_241, %integer_pow3A_239 : vector<1x3840xf32>
    %exp3A_243 = math.exp %neg3A_242 : vector<1x3840xf32>
    %sub3A_244 = arith.constant 2.000000e+01 : f32
    %sub3A_245 = vector.broadcast %sub3A_244 : f32 to vector<1x3840xf32>
    %sub3A_246 = arith.subf %get3A_9, %sub3A_245 : vector<1x3840xf32>
    %div3A_247 = arith.constant 1.250000e+00 : f32
    %div3A_248 = vector.broadcast %div3A_247 : f32 to vector<1x3840xf32>
    %div3A_249 = arith.divf %sub3A_246, %div3A_248 : vector<1x3840xf32>
    %integer_pow3A_250 = arith.mulf %div3A_249, %div3A_249 : vector<1x3840xf32>
    %neg3A_251 = arith.constant 0.000000e+00 : f32
    %neg3A_252 = vector.broadcast %neg3A_251 : f32 to vector<1x3840xf32>
    %neg3A_253 = arith.subf %neg3A_252, %integer_pow3A_250 : vector<1x3840xf32>
    %exp3A_254 = math.exp %neg3A_253 : vector<1x3840xf32>
    %slice3A = vector.extract_strided_slice %get3A_3 {offsets = [0, 0], sizes = [1, 3840], strides = [1, 1]} : vector<24x3840xf32> to vector<1x3840xf32>
    %slice3A_255 = vector.extract_strided_slice %get3A_3 {offsets = [12, 0], sizes = [1, 3840], strides = [1, 1]} : vector<24x3840xf32> to vector<1x3840xf32>
    %sub3A_256 = arith.subf %slice3A, %slice3A_255 : vector<1x3840xf32>
    %slice3A_257 = vector.extract_strided_slice %get3A_3 {offsets = [1, 0], sizes = [1, 3840], strides = [1, 1]} : vector<24x3840xf32> to vector<1x3840xf32>
    %slice3A_258 = vector.extract_strided_slice %get3A_3 {offsets = [13, 0], sizes = [1, 3840], strides = [1, 1]} : vector<24x3840xf32> to vector<1x3840xf32>
    %sub3A_259 = arith.subf %slice3A_257, %slice3A_258 : vector<1x3840xf32>
    %slice3A_260 = vector.extract_strided_slice %get3A_3 {offsets = [2, 0], sizes = [1, 3840], strides = [1, 1]} : vector<24x3840xf32> to vector<1x3840xf32>
    %slice3A_261 = vector.extract_strided_slice %get3A_3 {offsets = [14, 0], sizes = [1, 3840], strides = [1, 1]} : vector<24x3840xf32> to vector<1x3840xf32>
    %sub3A_262 = arith.subf %slice3A_260, %slice3A_261 : vector<1x3840xf32>
    %slice3A_263 = vector.extract_strided_slice %get3A_3 {offsets = [3, 0], sizes = [1, 3840], strides = [1, 1]} : vector<24x3840xf32> to vector<1x3840xf32>
    %slice3A_264 = vector.extract_strided_slice %get3A_3 {offsets = [4, 0], sizes = [1, 3840], strides = [1, 1]} : vector<24x3840xf32> to vector<1x3840xf32>
    %slice3A_265 = vector.extract_strided_slice %get3A_3 {offsets = [5, 0], sizes = [1, 3840], strides = [1, 1]} : vector<24x3840xf32> to vector<1x3840xf32>
    %slice3A_266 = vector.extract_strided_slice %get3A_3 {offsets = [6, 0], sizes = [1, 3840], strides = [1, 1]} : vector<24x3840xf32> to vector<1x3840xf32>
    %slice3A_267 = vector.extract_strided_slice %get3A_3 {offsets = [7, 0], sizes = [1, 3840], strides = [1, 1]} : vector<24x3840xf32> to vector<1x3840xf32>
    %slice3A_268 = vector.extract_strided_slice %get3A_3 {offsets = [8, 0], sizes = [1, 3840], strides = [1, 1]} : vector<24x3840xf32> to vector<1x3840xf32>
    %slice3A_269 = vector.extract_strided_slice %get3A_3 {offsets = [9, 0], sizes = [1, 3840], strides = [1, 1]} : vector<24x3840xf32> to vector<1x3840xf32>
    %slice3A_270 = vector.extract_strided_slice %get3A_3 {offsets = [10, 0], sizes = [1, 3840], strides = [1, 1]} : vector<24x3840xf32> to vector<1x3840xf32>
    %slice3A_271 = vector.extract_strided_slice %get3A_3 {offsets = [11, 0], sizes = [1, 3840], strides = [1, 1]} : vector<24x3840xf32> to vector<1x3840xf32>
    %slice3A_272 = vector.extract_strided_slice %get3A_3 {offsets = [15, 0], sizes = [1, 3840], strides = [1, 1]} : vector<24x3840xf32> to vector<1x3840xf32>
    %slice3A_273 = vector.extract_strided_slice %get3A_3 {offsets = [16, 0], sizes = [1, 3840], strides = [1, 1]} : vector<24x3840xf32> to vector<1x3840xf32>
    %slice3A_274 = vector.extract_strided_slice %get3A_3 {offsets = [17, 0], sizes = [1, 3840], strides = [1, 1]} : vector<24x3840xf32> to vector<1x3840xf32>
    %slice3A_275 = vector.extract_strided_slice %get3A_3 {offsets = [18, 0], sizes = [1, 3840], strides = [1, 1]} : vector<24x3840xf32> to vector<1x3840xf32>
    %slice3A_276 = vector.extract_strided_slice %get3A_3 {offsets = [19, 0], sizes = [1, 3840], strides = [1, 1]} : vector<24x3840xf32> to vector<1x3840xf32>
    %slice3A_277 = vector.extract_strided_slice %get3A_3 {offsets = [20, 0], sizes = [1, 3840], strides = [1, 1]} : vector<24x3840xf32> to vector<1x3840xf32>
    %slice3A_278 = vector.extract_strided_slice %get3A_3 {offsets = [21, 0], sizes = [1, 3840], strides = [1, 1]} : vector<24x3840xf32> to vector<1x3840xf32>
    %slice3A_279 = vector.extract_strided_slice %get3A_3 {offsets = [22, 0], sizes = [1, 3840], strides = [1, 1]} : vector<24x3840xf32> to vector<1x3840xf32>
    %slice3A_280 = vector.extract_strided_slice %get3A_3 {offsets = [23, 0], sizes = [1, 3840], strides = [1, 1]} : vector<24x3840xf32> to vector<1x3840xf32>
    %mul3A_281 = arith.mulf %slice3A_272, %sub3A_256 : vector<1x3840xf32>
    %add3A = arith.constant 0.000000e+00 : f32
    %add3A_282 = vector.broadcast %add3A : f32 to vector<1x3840xf32>
    %add3A_283 = arith.addf %add3A_282, %mul3A_281 : vector<1x3840xf32>
    %mul3A_284 = arith.mulf %slice3A_273, %sub3A_259 : vector<1x3840xf32>
    %add3A_285 = arith.addf %add3A_283, %mul3A_284 : vector<1x3840xf32>
    %mul3A_286 = arith.mulf %slice3A_274, %sub3A_262 : vector<1x3840xf32>
    %add3A_287 = arith.addf %add3A_285, %mul3A_286 : vector<1x3840xf32>
    %mul3A_288 = arith.mulf %slice3A_275, %sub3A_256 : vector<1x3840xf32>
    %add3A_289 = arith.constant 0.000000e+00 : f32
    %add3A_290 = vector.broadcast %add3A_289 : f32 to vector<1x3840xf32>
    %add3A_291 = arith.addf %add3A_290, %mul3A_288 : vector<1x3840xf32>
    %mul3A_292 = arith.mulf %slice3A_276, %sub3A_259 : vector<1x3840xf32>
    %add3A_293 = arith.addf %add3A_291, %mul3A_292 : vector<1x3840xf32>
    %mul3A_294 = arith.mulf %slice3A_277, %sub3A_262 : vector<1x3840xf32>
    %add3A_295 = arith.addf %add3A_293, %mul3A_294 : vector<1x3840xf32>
    %mul3A_296 = arith.mulf %slice3A_278, %sub3A_256 : vector<1x3840xf32>
    %add3A_297 = arith.constant 0.000000e+00 : f32
    %add3A_298 = vector.broadcast %add3A_297 : f32 to vector<1x3840xf32>
    %add3A_299 = arith.addf %add3A_298, %mul3A_296 : vector<1x3840xf32>
    %mul3A_300 = arith.mulf %slice3A_279, %sub3A_259 : vector<1x3840xf32>
    %add3A_301 = arith.addf %add3A_299, %mul3A_300 : vector<1x3840xf32>
    %mul3A_302 = arith.mulf %slice3A_280, %sub3A_262 : vector<1x3840xf32>
    %add3A_303 = arith.addf %add3A_301, %mul3A_302 : vector<1x3840xf32>
    %mul3A_304 = arith.mulf %add3A_287, %add3A_287 : vector<1x3840xf32>
    %mul3A_305 = arith.mulf %add3A_295, %add3A_295 : vector<1x3840xf32>
    %add3A_306 = arith.addf %mul3A_304, %mul3A_305 : vector<1x3840xf32>
    %mul3A_307 = arith.mulf %add3A_303, %add3A_303 : vector<1x3840xf32>
    %add3A_308 = arith.addf %add3A_306, %mul3A_307 : vector<1x3840xf32>
    %max3A = arith.constant 1.000000e-24 : f32
    %max3A_309 = vector.broadcast %max3A : f32 to vector<1x3840xf32>
    %max3A_310 = arith.maximumf %add3A_308, %max3A_309 : vector<1x3840xf32>
    %sqrt3A = math.sqrt %max3A_310 : vector<1x3840xf32>
    %div3A_311 = arith.divf %add3A_287, %sqrt3A : vector<1x3840xf32>
    %div3A_312 = arith.divf %add3A_295, %sqrt3A : vector<1x3840xf32>
    %div3A_313 = arith.divf %add3A_303, %sqrt3A : vector<1x3840xf32>
    %mul3A_314 = arith.mulf %slice3A_272, %slice3A_263 : vector<1x3840xf32>
    %add3A_315 = arith.constant 0.000000e+00 : f32
    %add3A_316 = vector.broadcast %add3A_315 : f32 to vector<1x3840xf32>
    %add3A_317 = arith.addf %add3A_316, %mul3A_314 : vector<1x3840xf32>
    %mul3A_318 = arith.mulf %slice3A_275, %slice3A_266 : vector<1x3840xf32>
    %add3A_319 = arith.addf %add3A_317, %mul3A_318 : vector<1x3840xf32>
    %mul3A_320 = arith.mulf %slice3A_278, %slice3A_269 : vector<1x3840xf32>
    %add3A_321 = arith.addf %add3A_319, %mul3A_320 : vector<1x3840xf32>
    %mul3A_322 = arith.mulf %slice3A_272, %slice3A_264 : vector<1x3840xf32>
    %add3A_323 = arith.constant 0.000000e+00 : f32
    %add3A_324 = vector.broadcast %add3A_323 : f32 to vector<1x3840xf32>
    %add3A_325 = arith.addf %add3A_324, %mul3A_322 : vector<1x3840xf32>
    %mul3A_326 = arith.mulf %slice3A_275, %slice3A_267 : vector<1x3840xf32>
    %add3A_327 = arith.addf %add3A_325, %mul3A_326 : vector<1x3840xf32>
    %mul3A_328 = arith.mulf %slice3A_278, %slice3A_270 : vector<1x3840xf32>
    %add3A_329 = arith.addf %add3A_327, %mul3A_328 : vector<1x3840xf32>
    %mul3A_330 = arith.mulf %slice3A_272, %slice3A_265 : vector<1x3840xf32>
    %add3A_331 = arith.constant 0.000000e+00 : f32
    %add3A_332 = vector.broadcast %add3A_331 : f32 to vector<1x3840xf32>
    %add3A_333 = arith.addf %add3A_332, %mul3A_330 : vector<1x3840xf32>
    %mul3A_334 = arith.mulf %slice3A_275, %slice3A_268 : vector<1x3840xf32>
    %add3A_335 = arith.addf %add3A_333, %mul3A_334 : vector<1x3840xf32>
    %mul3A_336 = arith.mulf %slice3A_278, %slice3A_271 : vector<1x3840xf32>
    %add3A_337 = arith.addf %add3A_335, %mul3A_336 : vector<1x3840xf32>
    %mul3A_338 = arith.mulf %slice3A_273, %slice3A_263 : vector<1x3840xf32>
    %add3A_339 = arith.constant 0.000000e+00 : f32
    %add3A_340 = vector.broadcast %add3A_339 : f32 to vector<1x3840xf32>
    %add3A_341 = arith.addf %add3A_340, %mul3A_338 : vector<1x3840xf32>
    %mul3A_342 = arith.mulf %slice3A_276, %slice3A_266 : vector<1x3840xf32>
    %add3A_343 = arith.addf %add3A_341, %mul3A_342 : vector<1x3840xf32>
    %mul3A_344 = arith.mulf %slice3A_279, %slice3A_269 : vector<1x3840xf32>
    %add3A_345 = arith.addf %add3A_343, %mul3A_344 : vector<1x3840xf32>
    %mul3A_346 = arith.mulf %slice3A_273, %slice3A_264 : vector<1x3840xf32>
    %add3A_347 = arith.constant 0.000000e+00 : f32
    %add3A_348 = vector.broadcast %add3A_347 : f32 to vector<1x3840xf32>
    %add3A_349 = arith.addf %add3A_348, %mul3A_346 : vector<1x3840xf32>
    %mul3A_350 = arith.mulf %slice3A_276, %slice3A_267 : vector<1x3840xf32>
    %add3A_351 = arith.addf %add3A_349, %mul3A_350 : vector<1x3840xf32>
    %mul3A_352 = arith.mulf %slice3A_279, %slice3A_270 : vector<1x3840xf32>
    %add3A_353 = arith.addf %add3A_351, %mul3A_352 : vector<1x3840xf32>
    %mul3A_354 = arith.mulf %slice3A_273, %slice3A_265 : vector<1x3840xf32>
    %add3A_355 = arith.constant 0.000000e+00 : f32
    %add3A_356 = vector.broadcast %add3A_355 : f32 to vector<1x3840xf32>
    %add3A_357 = arith.addf %add3A_356, %mul3A_354 : vector<1x3840xf32>
    %mul3A_358 = arith.mulf %slice3A_276, %slice3A_268 : vector<1x3840xf32>
    %add3A_359 = arith.addf %add3A_357, %mul3A_358 : vector<1x3840xf32>
    %mul3A_360 = arith.mulf %slice3A_279, %slice3A_271 : vector<1x3840xf32>
    %add3A_361 = arith.addf %add3A_359, %mul3A_360 : vector<1x3840xf32>
    %mul3A_362 = arith.mulf %slice3A_274, %slice3A_263 : vector<1x3840xf32>
    %add3A_363 = arith.constant 0.000000e+00 : f32
    %add3A_364 = vector.broadcast %add3A_363 : f32 to vector<1x3840xf32>
    %add3A_365 = arith.addf %add3A_364, %mul3A_362 : vector<1x3840xf32>
    %mul3A_366 = arith.mulf %slice3A_277, %slice3A_266 : vector<1x3840xf32>
    %add3A_367 = arith.addf %add3A_365, %mul3A_366 : vector<1x3840xf32>
    %mul3A_368 = arith.mulf %slice3A_280, %slice3A_269 : vector<1x3840xf32>
    %add3A_369 = arith.addf %add3A_367, %mul3A_368 : vector<1x3840xf32>
    %mul3A_370 = arith.mulf %slice3A_274, %slice3A_264 : vector<1x3840xf32>
    %add3A_371 = arith.constant 0.000000e+00 : f32
    %add3A_372 = vector.broadcast %add3A_371 : f32 to vector<1x3840xf32>
    %add3A_373 = arith.addf %add3A_372, %mul3A_370 : vector<1x3840xf32>
    %mul3A_374 = arith.mulf %slice3A_277, %slice3A_267 : vector<1x3840xf32>
    %add3A_375 = arith.addf %add3A_373, %mul3A_374 : vector<1x3840xf32>
    %mul3A_376 = arith.mulf %slice3A_280, %slice3A_270 : vector<1x3840xf32>
    %add3A_377 = arith.addf %add3A_375, %mul3A_376 : vector<1x3840xf32>
    %mul3A_378 = arith.mulf %slice3A_274, %slice3A_265 : vector<1x3840xf32>
    %add3A_379 = arith.constant 0.000000e+00 : f32
    %add3A_380 = vector.broadcast %add3A_379 : f32 to vector<1x3840xf32>
    %add3A_381 = arith.addf %add3A_380, %mul3A_378 : vector<1x3840xf32>
    %mul3A_382 = arith.mulf %slice3A_277, %slice3A_268 : vector<1x3840xf32>
    %add3A_383 = arith.addf %add3A_381, %mul3A_382 : vector<1x3840xf32>
    %mul3A_384 = arith.mulf %slice3A_280, %slice3A_271 : vector<1x3840xf32>
    %add3A_385 = arith.addf %add3A_383, %mul3A_384 : vector<1x3840xf32>
    %add3A_386 = arith.constant 1.000000e+00 : f32
    %add3A_387 = vector.broadcast %add3A_386 : f32 to vector<1x3840xf32>
    %add3A_388 = arith.addf %add3A_387, %add3A_321 : vector<1x3840xf32>
    %sub3A_389 = arith.subf %add3A_388, %add3A_353 : vector<1x3840xf32>
    %sub3A_390 = arith.subf %sub3A_389, %add3A_385 : vector<1x3840xf32>
    %abs3A = math.absf %sub3A_390 : vector<1x3840xf32>
    %sqrt3A_391 = math.sqrt %abs3A : vector<1x3840xf32>
    %mul3A_392 = arith.constant 5.000000e-01 : f32
    %mul3A_393 = vector.broadcast %mul3A_392 : f32 to vector<1x3840xf32>
    %mul3A_394 = arith.mulf %mul3A_393, %sqrt3A_391 : vector<1x3840xf32>
    %sub3A_395 = arith.constant 1.000000e+00 : f32
    %sub3A_396 = vector.broadcast %sub3A_395 : f32 to vector<1x3840xf32>
    %sub3A_397 = arith.subf %sub3A_396, %add3A_321 : vector<1x3840xf32>
    %add3A_398 = arith.addf %sub3A_397, %add3A_353 : vector<1x3840xf32>
    %sub3A_399 = arith.subf %add3A_398, %add3A_385 : vector<1x3840xf32>
    %abs3A_400 = math.absf %sub3A_399 : vector<1x3840xf32>
    %sqrt3A_401 = math.sqrt %abs3A_400 : vector<1x3840xf32>
    %mul3A_402 = arith.constant 5.000000e-01 : f32
    %mul3A_403 = vector.broadcast %mul3A_402 : f32 to vector<1x3840xf32>
    %mul3A_404 = arith.mulf %mul3A_403, %sqrt3A_401 : vector<1x3840xf32>
    %sub3A_405 = arith.constant 1.000000e+00 : f32
    %sub3A_406 = vector.broadcast %sub3A_405 : f32 to vector<1x3840xf32>
    %sub3A_407 = arith.subf %sub3A_406, %add3A_321 : vector<1x3840xf32>
    %sub3A_408 = arith.subf %sub3A_407, %add3A_353 : vector<1x3840xf32>
    %add3A_409 = arith.addf %sub3A_408, %add3A_385 : vector<1x3840xf32>
    %abs3A_410 = math.absf %add3A_409 : vector<1x3840xf32>
    %sqrt3A_411 = math.sqrt %abs3A_410 : vector<1x3840xf32>
    %mul3A_412 = arith.constant 5.000000e-01 : f32
    %mul3A_413 = vector.broadcast %mul3A_412 : f32 to vector<1x3840xf32>
    %mul3A_414 = arith.mulf %mul3A_413, %sqrt3A_411 : vector<1x3840xf32>
    %sub3A_415 = arith.subf %add3A_377, %add3A_361 : vector<1x3840xf32>
    %sign3A = tpu.bitcast %sub3A_415 : vector<1x3840xf32> -> vector<1x3840xi32>
    %sign3A_416 = arith.constant -2147483648 : i32
    %sign3A_417 = vector.broadcast %sign3A_416 : i32 to vector<1x3840xi32>
    %sign3A_418 = arith.andi %sign3A, %sign3A_417 : vector<1x3840xi32>
    %sign3A_419 = arith.constant 1065353216 : i32
    %sign3A_420 = vector.broadcast %sign3A_419 : i32 to vector<1x3840xi32>
    %sign3A_421 = arith.ori %sign3A_420, %sign3A_418 : vector<1x3840xi32>
    %sign3A_422 = tpu.bitcast %sign3A_421 : vector<1x3840xi32> -> vector<1x3840xf32>
    %sign3A_423 = math.absf %sub3A_415 : vector<1x3840xf32>
    %sign3A_424 = arith.constant 0.000000e+00 : f32
    %sign3A_425 = vector.broadcast %sign3A_424 : f32 to vector<1x3840xf32>
    %sign3A_426 = arith.cmpf ogt, %sign3A_423, %sign3A_425 : vector<1x3840xf32>
    %sign3A_427 = arith.select %sign3A_426, %sign3A_422, %sub3A_415 : vector<1x3840xi1>, vector<1x3840xf32>
    %mul3A_428 = arith.mulf %sign3A_427, %mul3A_394 : vector<1x3840xf32>
    %sub3A_429 = arith.subf %add3A_337, %add3A_369 : vector<1x3840xf32>
    %sign3A_430 = tpu.bitcast %sub3A_429 : vector<1x3840xf32> -> vector<1x3840xi32>
    %sign3A_431 = arith.constant -2147483648 : i32
    %sign3A_432 = vector.broadcast %sign3A_431 : i32 to vector<1x3840xi32>
    %sign3A_433 = arith.andi %sign3A_430, %sign3A_432 : vector<1x3840xi32>
    %sign3A_434 = arith.constant 1065353216 : i32
    %sign3A_435 = vector.broadcast %sign3A_434 : i32 to vector<1x3840xi32>
    %sign3A_436 = arith.ori %sign3A_435, %sign3A_433 : vector<1x3840xi32>
    %sign3A_437 = tpu.bitcast %sign3A_436 : vector<1x3840xi32> -> vector<1x3840xf32>
    %sign3A_438 = math.absf %sub3A_429 : vector<1x3840xf32>
    %sign3A_439 = arith.constant 0.000000e+00 : f32
    %sign3A_440 = vector.broadcast %sign3A_439 : f32 to vector<1x3840xf32>
    %sign3A_441 = arith.cmpf ogt, %sign3A_438, %sign3A_440 : vector<1x3840xf32>
    %sign3A_442 = arith.select %sign3A_441, %sign3A_437, %sub3A_429 : vector<1x3840xi1>, vector<1x3840xf32>
    %mul3A_443 = arith.mulf %sign3A_442, %mul3A_404 : vector<1x3840xf32>
    %sub3A_444 = arith.subf %add3A_345, %add3A_329 : vector<1x3840xf32>
    %sign3A_445 = tpu.bitcast %sub3A_444 : vector<1x3840xf32> -> vector<1x3840xi32>
    %sign3A_446 = arith.constant -2147483648 : i32
    %sign3A_447 = vector.broadcast %sign3A_446 : i32 to vector<1x3840xi32>
    %sign3A_448 = arith.andi %sign3A_445, %sign3A_447 : vector<1x3840xi32>
    %sign3A_449 = arith.constant 1065353216 : i32
    %sign3A_450 = vector.broadcast %sign3A_449 : i32 to vector<1x3840xi32>
    %sign3A_451 = arith.ori %sign3A_450, %sign3A_448 : vector<1x3840xi32>
    %sign3A_452 = tpu.bitcast %sign3A_451 : vector<1x3840xi32> -> vector<1x3840xf32>
    %sign3A_453 = math.absf %sub3A_444 : vector<1x3840xf32>
    %sign3A_454 = arith.constant 0.000000e+00 : f32
    %sign3A_455 = vector.broadcast %sign3A_454 : f32 to vector<1x3840xf32>
    %sign3A_456 = arith.cmpf ogt, %sign3A_453, %sign3A_455 : vector<1x3840xf32>
    %sign3A_457 = arith.select %sign3A_456, %sign3A_452, %sub3A_444 : vector<1x3840xi1>, vector<1x3840xf32>
    %mul3A_458 = arith.mulf %sign3A_457, %mul3A_414 : vector<1x3840xf32>
    %add3A_459 = arith.constant 1.000000e+00 : f32
    %add3A_460 = vector.broadcast %add3A_459 : f32 to vector<1x3840xf32>
    %add3A_461 = arith.addf %add3A_460, %add3A_321 : vector<1x3840xf32>
    %add3A_462 = arith.addf %add3A_461, %add3A_353 : vector<1x3840xf32>
    %add3A_463 = arith.addf %add3A_462, %add3A_385 : vector<1x3840xf32>
    %max3A_464 = arith.constant 0.000000e+00 : f32
    %max3A_465 = vector.broadcast %max3A_464 : f32 to vector<1x3840xf32>
    %max3A_466 = arith.maximumf %add3A_463, %max3A_465 : vector<1x3840xf32>
    %sqrt3A_467 = math.sqrt %max3A_466 : vector<1x3840xf32>
    %div3A_468 = arith.constant 2.000000e+00 : f32
    %div3A_469 = vector.broadcast %div3A_468 : f32 to vector<1x3840xf32>
    %div3A_470 = arith.divf %sqrt3A_467, %div3A_469 : vector<1x3840xf32>
    %mul3A_471 = arith.mulf %mul3A_428, %mul3A_428 : vector<1x3840xf32>
    %add3A_472 = arith.constant 0.000000e+00 : f32
    %add3A_473 = vector.broadcast %add3A_472 : f32 to vector<1x3840xf32>
    %add3A_474 = arith.addf %add3A_473, %mul3A_471 : vector<1x3840xf32>
    %mul3A_475 = arith.mulf %mul3A_443, %mul3A_443 : vector<1x3840xf32>
    %add3A_476 = arith.addf %add3A_474, %mul3A_475 : vector<1x3840xf32>
    %mul3A_477 = arith.mulf %mul3A_458, %mul3A_458 : vector<1x3840xf32>
    %add3A_478 = arith.addf %add3A_476, %mul3A_477 : vector<1x3840xf32>
    %mul3A_479 = arith.mulf %div3A_470, %div3A_470 : vector<1x3840xf32>
    %add3A_480 = arith.addf %add3A_478, %mul3A_479 : vector<1x3840xf32>
    %max3A_481 = arith.constant 1.000000e-24 : f32
    %max3A_482 = vector.broadcast %max3A_481 : f32 to vector<1x3840xf32>
    %max3A_483 = arith.maximumf %add3A_480, %max3A_482 : vector<1x3840xf32>
    %sqrt3A_484 = math.sqrt %max3A_483 : vector<1x3840xf32>
    %div3A_485 = arith.divf %mul3A_428, %sqrt3A_484 : vector<1x3840xf32>
    %div3A_486 = arith.divf %mul3A_443, %sqrt3A_484 : vector<1x3840xf32>
    %div3A_487 = arith.divf %mul3A_458, %sqrt3A_484 : vector<1x3840xf32>
    %div3A_488 = arith.divf %div3A_470, %sqrt3A_484 : vector<1x3840xf32>
    %concatenate3A = tpu.concatenate %cos3A, %cos3A_27, %cos3A_31, %cos3A_35, %cos3A_39, %cos3A_43, %cos3A_47, %cos3A_51, %sin3A, %sin3A_58, %sin3A_62, %sin3A_66, %sin3A_70, %sin3A_74, %sin3A_78, %sin3A_82, %exp3A, %exp3A_100, %exp3A_111, %exp3A_122, %exp3A_133, %exp3A_144, %exp3A_155, %exp3A_166, %exp3A_177, %exp3A_188, %exp3A_199, %exp3A_210, %exp3A_221, %exp3A_232, %exp3A_243, %exp3A_254, %div3A_311, %div3A_312, %div3A_313, %div3A_485, %div3A_486, %div3A_487, %div3A_488 in 0 : vector<1x3840xf32>, vector<1x3840xf32>, vector<1x3840xf32>, vector<1x3840xf32>, vector<1x3840xf32>, vector<1x3840xf32>, vector<1x3840xf32>, vector<1x3840xf32>, vector<1x3840xf32>, vector<1x3840xf32>, vector<1x3840xf32>, vector<1x3840xf32>, vector<1x3840xf32>, vector<1x3840xf32>, vector<1x3840xf32>, vector<1x3840xf32>, vector<1x3840xf32>, vector<1x3840xf32>, vector<1x3840xf32>, vector<1x3840xf32>, vector<1x3840xf32>, vector<1x3840xf32>, vector<1x3840xf32>, vector<1x3840xf32>, vector<1x3840xf32>, vector<1x3840xf32>, vector<1x3840xf32>, vector<1x3840xf32>, vector<1x3840xf32>, vector<1x3840xf32>, vector<1x3840xf32>, vector<1x3840xf32>, vector<1x3840xf32>, vector<1x3840xf32>, vector<1x3840xf32>, vector<1x3840xf32>, vector<1x3840xf32>, vector<1x3840xf32>, vector<1x3840xf32> -> vector<39x3840xf32>
    %get3A_489 = arith.constant 0 : index
    %get3A_490 = arith.constant 0 : index
    %get3A_491 = vector.load %arg6[%get3A_489, %get3A_490] : memref<39x128xf32, #tpu.memory_space<vmem>>, vector<39x128xf32>
    %dot_general3A = arith.constant dense<0.000000e+00> : vector<3840x128xf32>
    %dot_general3A_492 = tpu.matmul %concatenate3A, %get3A_491, %dot_general3A {dimension_numbers = #tpu.dot_dimension_numbers<[0], [0], [1], [1], [0, 1, 1, 1], [], []>, transpose_lhs_hint = false} : vector<39x3840xf32>, vector<39x128xf32>, vector<3840x128xf32> -> vector<3840x128xf32>
    %get3A_493 = arith.constant 0 : index
    %get3A_494 = arith.constant 0 : index
    %get3A_495 = vector.load %arg7[%get3A_493, %get3A_494] : memref<1x128xf32, #tpu.memory_space<vmem>>, vector<1x128xf32>
    %add3A_496 = vector.broadcast %get3A_495 : vector<1x128xf32> to vector<3840x128xf32>
    %add3A_497 = arith.addf %dot_general3A_492, %add3A_496 : vector<3840x128xf32>
    %reduce_sum3A = arith.constant dense<0.000000e+00> : vector<3840xf32>
    %reduce_sum3A_498 = vector.multi_reduction <add>, %add3A_497, %reduce_sum3A [1] : vector<3840x128xf32> to vector<3840xf32>
    %broadcast_in_dim3A = vector.shape_cast %reduce_sum3A_498 : vector<3840xf32> to vector<3840x1xf32>
    %div3A_499 = arith.constant 1.280000e+02 : f32
    %div3A_500 = vector.broadcast %div3A_499 : f32 to vector<3840x1xf32>
    %div3A_501 = arith.divf %broadcast_in_dim3A, %div3A_500 : vector<3840x1xf32>
    %sub3A_502 = vector.broadcast %div3A_501 : vector<3840x1xf32> to vector<3840x128xf32>
    %sub3A_503 = arith.subf %add3A_497, %sub3A_502 : vector<3840x128xf32>
    %integer_pow3A_504 = arith.mulf %sub3A_503, %sub3A_503 : vector<3840x128xf32>
    %reduce_sum3A_505 = arith.constant dense<0.000000e+00> : vector<3840xf32>
    %reduce_sum3A_506 = vector.multi_reduction <add>, %integer_pow3A_504, %reduce_sum3A_505 [1] : vector<3840x128xf32> to vector<3840xf32>
    %broadcast_in_dim3A_507 = vector.shape_cast %reduce_sum3A_506 : vector<3840xf32> to vector<3840x1xf32>
    %div3A_508 = arith.constant 1.280000e+02 : f32
    %div3A_509 = vector.broadcast %div3A_508 : f32 to vector<3840x1xf32>
    %div3A_510 = arith.divf %broadcast_in_dim3A_507, %div3A_509 : vector<3840x1xf32>
    %sub3A_511 = vector.broadcast %div3A_501 : vector<3840x1xf32> to vector<3840x128xf32>
    %sub3A_512 = arith.subf %add3A_497, %sub3A_511 : vector<3840x128xf32>
    %add3A_513 = arith.constant 9.99999974E-6 : f32
    %add3A_514 = vector.broadcast %add3A_513 : f32 to vector<3840x1xf32>
    %add3A_515 = arith.addf %div3A_510, %add3A_514 : vector<3840x1xf32>
    %sqrt3A_516 = math.sqrt %add3A_515 : vector<3840x1xf32>
    %div3A_517 = vector.broadcast %sqrt3A_516 : vector<3840x1xf32> to vector<3840x128xf32>
    %div3A_518 = arith.divf %sub3A_512, %div3A_517 : vector<3840x128xf32>
    %get3A_519 = arith.constant 0 : index
    %get3A_520 = arith.constant 0 : index
    %get3A_521 = vector.load %arg8[%get3A_519, %get3A_520] : memref<1x128xf32, #tpu.memory_space<vmem>>, vector<1x128xf32>
    %mul3A_522 = vector.broadcast %get3A_521 : vector<1x128xf32> to vector<3840x128xf32>
    %mul3A_523 = arith.mulf %div3A_518, %mul3A_522 : vector<3840x128xf32>
    %get3A_524 = arith.constant 0 : index
    %get3A_525 = arith.constant 0 : index
    %get3A_526 = vector.load %arg9[%get3A_524, %get3A_525] : memref<1x128xf32, #tpu.memory_space<vmem>>, vector<1x128xf32>
    %add3A_527 = vector.broadcast %get3A_526 : vector<1x128xf32> to vector<3840x128xf32>
    %add3A_528 = arith.addf %mul3A_523, %add3A_527 : vector<3840x128xf32>
    %reshape3A = vector.shape_cast %add3A_528 : vector<3840x128xf32> to vector<128x30x128xf32>
    %swap3A = arith.constant 0 : index
    %swap3A_529 = arith.constant 0 : index
    %swap3A_530 = arith.constant 0 : index
    %swap3A_531 = arith.constant 0 : index
    %swap3A_532 = vector.load %arg10[%swap3A, %swap3A_529, %swap3A_530, %swap3A_531] : memref<1x128x30x128xf32, #tpu.memory_space<vmem>>, vector<1x128x30x128xf32>
    %swap3A_533 = vector.shape_cast %swap3A_532 : vector<1x128x30x128xf32> to vector<128x30x128xf32>
    %swap3A_534 = vector.shape_cast %reshape3A : vector<128x30x128xf32> to vector<1x128x30x128xf32>
    tpu.vector_store %arg10[%swap3A, %swap3A_529, %swap3A_530, %swap3A_531], %swap3A_534 {strides = array<i32>} : memref<1x128x30x128xf32, #tpu.memory_space<vmem>>, vector<1x128x30x128xf32>,
    return
  }
  func.func @transform_0(%arg0: i32, %arg1: i32) -> (i32, i32, i32, i32) {
    %c0_i32 = arith.constant 0 : i32
    %c0_i32_0 = arith.constant 0 : i32
    %c0_i32_1 = arith.constant 0 : i32
    return %arg0, %arg1, %c0_i32, %c0_i32_0 : i32, i32, i32, i32
  }
  func.func @transform_1(%arg0: i32, %arg1: i32) -> (i32, i32, i32, i32) {
    %c0_i32 = arith.constant 0 : i32
    %c0_i32_0 = arith.constant 0 : i32
    %c0_i32_1 = arith.constant 0 : i32
    return %arg0, %arg1, %c0_i32, %c0_i32_0 : i32, i32, i32, i32
  }
  func.func @transform_2(%arg0: i32, %arg1: i32) -> (i32, i32, i32) {
    %c0_i32 = arith.constant 0 : i32
    %c0_i32_0 = arith.constant 0 : i32
    %c0_i32_1 = arith.constant 0 : i32
    return %arg1, %c0_i32, %c0_i32_0 : i32, i32, i32
  }
  func.func @transform_3(%arg0: i32, %arg1: i32) -> (i32, i32, i32) {
    %c0_i32 = arith.constant 0 : i32
    %c0_i32_0 = arith.constant 0 : i32
    return %arg0, %c0_i32, %arg1 : i32, i32, i32
  }
  func.func @transform_4(%arg0: i32, %arg1: i32) -> (i32, i32) {
    %c0_i32 = arith.constant 0 : i32
    %c0_i32_0 = arith.constant 0 : i32
    %c0_i32_1 = arith.constant 0 : i32
    return %c0_i32, %c0_i32_0 : i32, i32
  }
  func.func @transform_5(%arg0: i32, %arg1: i32) -> (i32, i32) {
    %c0_i32 = arith.constant 0 : i32
    %c0_i32_0 = arith.constant 0 : i32
    %c0_i32_1 = arith.constant 0 : i32
    return %c0_i32, %c0_i32_0 : i32, i32
  }
  func.func @transform_6(%arg0: i32, %arg1: i32) -> (i32, i32) {
    %c0_i32 = arith.constant 0 : i32
    %c0_i32_0 = arith.constant 0 : i32
    %c0_i32_1 = arith.constant 0 : i32
    return %c0_i32, %c0_i32_0 : i32, i32
  }
  func.func @transform_7(%arg0: i32, %arg1: i32) -> (i32, i32) {
    %c0_i32 = arith.constant 0 : i32
    %c0_i32_0 = arith.constant 0 : i32
    %c0_i32_1 = arith.constant 0 : i32
    return %c0_i32, %c0_i32_0 : i32, i32
  }
  func.func @transform_8(%arg0: i32, %arg1: i32) -> (i32, i32, i32, i32) {
    %c0_i32 = arith.constant 0 : i32
    %c0_i32_0 = arith.constant 0 : i32
    %c0_i32_1 = arith.constant 0 : i32
    return %arg0, %arg1, %c0_i32, %c0_i32_0 : i32, i32, i32, i32
  }
}

</mosaic_0001>

<sc_bundles>
// kernel: kernel.5.cloned.1.call-start
scs
__scs_entry_jumppad:
0x0: {  	(pc) =	sbr.rel $0x88, $3  }
0x1: {  	(tag) =	ssettag $0x0;
	lr =	simm.s32 $0x1  }
0x2: {  	[smem:$0x3F9C] =	sst lr;
	_ =	strace $0xD0000000  }
0x3: {  	_ = 	snop  }
0x4: {  	_ = 	snop  }
0x5: {  	_ = 	snop  }
0x6: {  	_ = 	snop  }
0x7: {  	_ = 	snop  }
__scs_overlays_trampoline_lowered:
0x8: {  	[smem:$0x3FAB] =	sst s0  }
0x9: {  	[smem:$0x3FAC] =	sst s1  }
0xa: {  	[smem:$0x3FAD] =	sst s2  }
0xb: {  	[smem:$0x3FAE] =	sst s3  }
0xc: {  	[smem:$0x3FAF] =	sst s4  }
0xd: {  	[smem:$0x3FB0] =	sst s5  }
0xe: {  	[smem:$0x3FB1] =	sst s6  }
0xf: {  	[smem:$0x3FB2] =	sst s7  }
0x10: {  	[smem:$0x3FB3] =	sst s8  }
0x11: {  	[smem:$0x3FB4] =	sst s9;
	s0 =	simm.s32 @!p0 $0x0  }
0x12: {  	s1 =	sld [smem:$0x3F9A];
	s0 =	simm.s32 @p0 $0x1  }
0x13: {  	[smem:$0x3FB5] =	sst s0;
	s0 =	simm.s32 @!p1 $0x0  }
0x14: {  	s2 =	sld [smem:$0x3F99];
	s0 =	simm.s32 @p1 $0x1  }
0x15: {  	[smem:$0x3FB6] =	sst s0;
	s0 =	simm.s32 @!p2 $0x0  }
0x16: {  	s3 =	sld [smem:$0x3FDB];
	s0 =	simm.s32 @p2 $0x1  }
0x17: {  	s4 =	simm.s32 $0x1BF5;
	[smem:$0x3FB8] =	sst s0  }
0x18: {  	s0 =	sld [smem:$0x3F9B];
	_ =	swait.ge [sflag:s4], $0x0  }
0x19: {  	s7 =	sld [smem:$0x3F9C]  }
0x1a: {  	s8 =	sadd.s32 $0xFFFFE003, lr  }
0x1b: {  	s9 =	sadd.s32 $0xFFFFFEF7, lr;
	s5 =	simm.s32 $0xFFFFFFFF;
	p2 =	slt.u32 s8, $0xFFFFF086  }
0x1c: {  	p1 =	slt.u32 s9, $0xF7A;
	s5 =	simm.s32 @!p2 $0x0  }
0x1d: {  	s5 =	simm.s32 @p1 $0x1;
	p0 =	seq.s32 s7, s2  }
0x1e: {  	s7 =	smul.u32 @!p0 $0xF7A, s2;
	p2 =	seq.s32 @!p0 s5, $0x0  }
0x1f: {  	s9 =	smul.u32 $0xF7A, s1;
	s8 =	simm.s32 @!p0 $0x1BF5;
	p2 =	por !p2, p0  }
0x20: {  	[sflag:s8] =	ssyncset.s32 @!p0 $0xFFFFF086;
	s6 =	sadd.s32 @!p0 s3, s7;
	s7 =	simm.s32 @!p0 $0x108  }
0x21: {  	s3 =	sadd.s32 s3, s9;
	s6 =	sadd.s32 @!p0 $0x88, s6;
	s7 =	simm.s32 @p2 $0x1082  }
0x22: {  	[simem:s7], [sflag:s8] =	dma.local @!p0 [hbm:s6], $0xF7A  }
0x23: {  	s9 =	sor.u32 $0xD0000000, s2;
	s6 =	simm.s32 $0x108;
	_ =	swait.ge @!p0 [sflag:s8], $0x0  }
0x24: {  	s3 =	sadd.s32 $0x88, s3;
	s6 =	simm.s32 @!p1 $0x1082;
	[sflag:s4] =	ssyncset.s32 $0xFFFFF086  }
0x25: {  	[simem:s6], [sflag:s4] =	dma.local [hbm:s3], $0xF7A  }
0x26: {  	[smem:$0x3F9C] =	sst s1;
	(tag) =	ssettag s2;
	_ =	strace s9  }
0x27: {  	s1 =	sld [smem:$0x3FAC]  }
0x28: {  	s2 =	sld [smem:$0x3FAD]  }
0x29: {  	s4 =	sld [smem:$0x3FAF]  }
0x2a: {  	p0 =	seq.s32 s5, $0x0;
	s5 =	sld [smem:$0x3FB0]  }
0x2b: {  	s6 =	sld [smem:$0x3FB1]  }
0x2c: {  	s7 =	sld [smem:$0x3FB2]  }
0x2d: {  	s3 =	simm.s32 $0x108;
	s8 =	sld [smem:$0x3FB3]  }
0x2e: {  	s3 =	simm.s32 @!p0 $0x1082;
	s9 =	sld [smem:$0x3FB4]  }
0x2f: {  	lr =	sadd.s32 s0, s3;
	s0 =	sld [smem:$0x3FAB]  }
0x30: {  	s3 =	sld [smem:$0x3FAE]  }
0x31: {  	[smem:$0x3FB7] =	sst s10  }
0x32: {  	s10 =	sld [smem:$0x3FB5];
	_ =	sdelay $0x3  }
0x33: {  	p0 =	seq.s32 s10, $0x1;
	s10 =	sld [smem:$0x3FB7];
	_ =	sdelay $0x3  }
0x34: {  	[smem:$0x3FB7] =	sst s10  }
0x35: {  	s10 =	sld [smem:$0x3FB6];
	_ =	sdelay $0x3  }
0x36: {  	p1 =	seq.s32 s10, $0x1;
	s10 =	sld [smem:$0x3FB7];
	_ =	sdelay $0x3  }
0x37: {  	[smem:$0x3FB7] =	sst s10  }
0x38: {  	s10 =	sld [smem:$0x3FB8]  }
0x39: {  	_ = 	snop;
	(pc) =	sbr.ind lr, $3  }
0x3a: {  	_ = 	snop  }
0x3b: {  	_ = 	snop  }
0x3c: {  	p2 =	seq.s32 s10, $0x1;
	s10 =	sld [smem:$0x3FB7]  }
0x3d: {  	_ =	shalt  }
0x3e: {  	_ =	shalt  }
0x3f: {  	_ =	shalt  }
0x40: {  	_ =	shalt  }
0x41: {  	_ =	shalt  }
0x42: {  	_ =	shalt  }
0x43: {  	_ =	shalt  }
0x44: {  	_ =	shalt  }
0x45: {  	_ =	shalt  }
0x46: {  	_ =	shalt  }
0x47: {  	_ =	shalt  }
0x48: {  	_ =	shalt  }
0x49: {  	_ =	shalt  }
0x4a: {  	_ =	shalt  }
0x4b: {  	_ =	shalt  }
0x4c: {  	_ =	shalt  }
0x4d: {  	_ =	shalt  }
0x4e: {  	_ =	shalt  }
0x4f: {  	_ =	shalt  }
0x50: {  	_ =	shalt  }
0x51: {  	_ =	shalt  }
0x52: {  	_ =	shalt  }
0x53: {  	_ =	shalt  }
0x54: {  	_ =	shalt  }
0x55: {  	_ =	shalt  }
0x56: {  	_ =	shalt  }
0x57: {  	_ =	shalt  }
0x58: {  	_ =	shalt  }
0x59: {  	_ =	shalt  }
0x5a: {  	_ =	shalt  }
0x5b: {  	_ =	shalt  }
0x5c: {  	_ =	shalt  }
0x5d: {  	_ =	shalt  }
0x5e: {  	_ =	shalt  }
0x5f: {  	_ =	shalt  }
0x60: {  	_ =	shalt  }
0x61: {  	_ =	shalt  }
0x62: {  	_ =	shalt  }
0x63: {  	_ =	shalt  }
0x64: {  	_ =	shalt  }
0x65: {  	_ =	shalt  }
0x66: {  	_ =	shalt  }
0x67: {  	_ =	shalt  }
0x68: {  	_ =	shalt  }
0x69: {  	_ =	shalt  }
0x6a: {  	_ =	shalt  }
0x6b: {  	_ =	shalt  }
0x6c: {  	_ =	shalt  }
0x6d: {  	_ =	shalt  }
0x6e: {  	_ =	shalt  }
0x6f: {  	_ =	shalt  }
0x70: {  	_ =	shalt  }
0x71: {  	_ =	shalt  }
0x72: {  	_ =	shalt  }
0x73: {  	_ =	shalt  }
0x74: {  	_ =	shalt  }
0x75: {  	_ =	shalt  }
0x76: {  	_ =	shalt  }
0x77: {  	_ =	shalt  }
0x78: {  	_ =	shalt  }
0x79: {  	_ =	shalt  }
0x7a: {  	_ =	shalt  }
0x7b: {  	_ =	shalt  }
0x7c: {  	_ =	shalt  }
0x7d: {  	_ =	shalt  }
0x7e: {  	_ =	shalt  }
0x7f: {  	_ =	shalt  }
0x80: {  	_ =	shalt  }
0x81: {  	_ =	shalt  }
0x82: {  	_ =	shalt  }
0x83: {  	_ =	shalt  }
0x84: {  	_ =	shalt  }
0x85: {  	_ =	shalt  }
0x86: {  	_ =	shalt  }
0x87: {  	_ =	shalt  }
.Lfunc_end0:
.L_simem_size_0:
called_computation_lowered:
.L_overlay_start_0:
0x88: {  	s2 =	sld [smem:$0x3FD9]  }
0x89: {  	s3 =	sld [smem:$0x3FFE];
	_ =	sdelay $0x1  }
0x8a: {  	s1 =	srdreg.scid  }
0x8b: {  	s0 =	sand.u32 $0x1, s1  }
0x8c: {  	s14 =	sshll.u32 s0, $0xA;
	s2 =	sadd.s32 s3, s2  }
0x8d: {  	s2 =	sadd.s32 s2, s14  }
0x8e: {  	[smem:$0x3FC3] =	sst s2  }
0x8f: {  	_ = 	snop  }
0x90: {  	s2 =	sld [smem:$0x3FD0];
	_ =	sdelay $0x2  }
0x91: {  	s15 =	simm.s32 $0xA;
	s4 =	simm.s32 $0x10  }
0x92: {  	[smem:s4], [sflag:s15] =	dma.local [hbm:s2], $0x1  }
0x93: {  	_ =	swait.eq [sflag:s15], $0x1  }
0x94: {  	[sflag:s15] =	ssyncset.done $0x0  }
0x95: {  	[sflag:s15] =	ssyncadd.s32 $0xFFFFFFFF  }
0x96: {  	s16 =	sld [smem:$0x10];
	(tm) =	ssettm $0x1  }
0x97: {  	s17 =	sld [smem:$0x3FFB];
	_ =	sdelay $0x3  }
0x98: {  	_ =	strace s17  }
0x99: {  	s3 =	sld [smem:$0x3FFC];
	_ =	sdelay $0x3  }
0x9a: {  	_ =	strace s3  }
0x9b: {  	s3 =	sld [smem:$0x3FFD];
	_ =	sdelay $0x3  }
0x9c: {  	_ =	strace s3  }
0x9d: {  	_ =	strace $0x8FFFFFFF  }
0x9e: {  	s18 =	sld [smem:$0x3FDB];
	_ =	sdelay $0x1  }
0x9f: {  	s19 =	simm.s32 $_scs_section_size  }
0xa0: {  	s5 =	simm.s32 $_size__tile_overlayer_lowered;
	s6 =	simm.s32 $_tile_overlayer_lowered  }
0xa1: {  	s22 =	simm.s32 $0x1BFF;
	s21 =	sshll.u32 s6, $0x1;
	s3 =	sadd.s32 s19, s18  }
0xa2: {  	s7 =	simm.s32 $0x0;
	s20 =	sshll.u32 s5, $0x1;
	s5 =	sadd.s32 s21, s3  }
0xa3: {  	[timem:s7], [sflag:s22] =	dma.local [hbm:s5], s20  }
0xa4: {  	_ =	swait.ge [sflag:s22], s20  }
0xa5: {  	s4 =	ssub.s32 $0x0, s20;
	[sflag:s22] =	ssyncset.done $0x0  }
0xa6: {  	[sflag:s22] =	ssyncadd.s32 s4;
	_ =	sdelay $0x1  }
0xa7: {  	s23 =	simm.s32 $0x1B8B  }
0xa8: {  	_ =	swait.ge [sflag:s23], $0x1  }
0xa9: {  	[sflag:s23] =	ssyncset.done $0x0  }
0xaa: {  	s25 =	simm.s32 $0x1B8E;
	s24 =	sld [smem:$0x3FFE];
	[sflag:s23] =	ssyncadd.s32 $0xFFFFFFFF  }
0xab: {  	s26 =	simm.s32 $execute0_lowered;
	[smem:$0x3FD2] =	sst s25  }
0xac: {  	s5 =	sshll.u32 s26, $0x1;
	_ =	strace $0x80000046;
	[dreg:$0x1] =	wrdreg $0xFFFFFFFF  }
0xad: {  	s28 =	simm.s32 $_size_execute0_lowered;
	s3 =	sadd.s32 s3, s5;
	[dreg:$0x0] =	wrdreg $0x0  }
0xae: {  	s5 =	sshll.u32 s28, $0x1;
	[dreg:$0x2] =	wrdreg s3  }
0xaf: {  	[dreg:$0x3] =	wrdreg s5  }
0xb0: {  	[dreg:$0x4] =	wrdreg $0xC0  }
0xb1: {  	_ =	task [dreg:s7], $0x5FFFF  }
0xb2: {  	[dreg:$0x1] =	wrdreg $0xFFFFFFFF  }
0xb3: {  	[dreg:$0x0] =	wrdreg $0x60  }
0xb4: {  	[dreg:$0x2] =	wrdreg s24  }
0xb5: {  	[dreg:$0x3] =	wrdreg s16  }
0xb6: {  	[dreg:$0x4] =	wrdreg $0x9  }
0xb7: {  	_ =	task.clear_ibuf [dreg:s7], $0x5FFFF;
	_ =	strace $0x90000046  }
0xb8: {  	s29 =	simm.s32 $0x9;
	_ =	strace $0x80000048  }
0xb9: {  	_ =	swait.ge [sflag:s29], $0x1  }
0xba: {  	[sflag:s29] =	ssyncadd.s32 $0xFFFFFFFF  }
0xbb: {  	_ =	strace $0x90000048  }
0xbc: {  	_ =	sfence  }
0xbd: {  	s30 =	sld [smem:$0x0];
	_ =	sdelay $0x2  }
0xbe: {  	s31 =	sshll.u32 s1, $0xD;
	s1 =	sshrl.u32 s1, $0x2  }
0xbf: {  	s3 =	sand.u32 $0x4000, s31;
	s1 =	sadd.s32 s1, s30  }
0xc0: {  	s0 =	sor.u32 s3, s0;
	s1 =	sshll.u32 s1, $0x11  }
0xc1: {  	s0 =	sor.u32 s1, s0  }
0xc2: {  	s0 =	sadd.s32 $0x8F2B, s0  }
0xc3: {  	[sflag:s0] =	ssyncadd.remote.s32 $0x1  }
0xc4: {  	_ =	sfence.sel $0xFFFF  }
0xc5: {  	[dreg:$0x0] =	wrdreg $0xFFFFFFFF;
	(pc) =	sbr.abs _section_cstart, $3  }
0xc6: {  	[dreg:$0x1] =	wrdreg $0xFFFFFFFF  }
0xc7: {  	_ =	task.clear_ibuf [dreg:s7], $0x2FFFF;
	_ =	strace $0x9FFFFFFF  }
0xc8: {  	(tm) =	ssettm $0x7FFFFFFF  }
0xc9: {  	_ =	shalt  }
tec
execute0_lowered:
.L_overlay_start_1:
0x0: {  	(tag) =	ssettag $0x1  }
0x1: {  	s3 =	rddreg [dreg:$0x0]  }
0x2: {  	s6 =	rddreg [dreg:$0x1];
	s1 =	stileid.u32  }
0x3: {  	s0 =	rddreg [dreg:$0x2];
	s2 =	srdreg.scid  }
0x4: {  	s4 =	sshll.u32 s1, $0x1;
	s5 =	sshrl.u32 s1, $0x1;
	s7 =	sand.u32 $0x1, s2  }
0x5: {  	s2 =	simm.s32 $0x0;
	s4 =	sand.u32 $0x2, s4;
	s28 =	smul.u32 $0x7800, s5  }
0x6: {  	[smem:$0x7FF] =	sst s2;
	s9 =	sshll.u32 s5, $0xB;
	s5 =	smul.u32 $0xB4000, s5  }
0x7: {  	s8 =	sor.u32 s7, s4;
	_ =	strace $0x80000047;
	s7 =	ssub.s32 $0x2, s7  }
0x8: {  	s9 =	sadd.s32 s9, s3;
	s10 =	smul.u32 $0x1E00, s8;
	s11 =	sshrl.u32 s7, $0x1  }
0x9: {  	s12 =	smul.u32 $0xF000, s8;
	s30 =	sshrl.u32 s5, $0x3;
	s15 =	sshll.u32 s8, $0xC  }
0xa: {  	s14 =	ssub.s32 s7, s11;
	s16 =	sor.u32 $0x400, s15;
	s17 =	sor.u32 $0x800, s15  }
0xb: {  	s18 =	sor.u32 $0xC00, s15;
	v0 =	vmov s15;
	s15 =	simm.s32 $0x3C00;
	s4 =	sadd.s32 s28, s10  }
0xc: {  	s29 =	sadd.s32 s5, s12;
	v1 =	vmov s16;
	v2 =	vmov s17;
	s16 =	simm.s32 $0x3C000;
	s17 =	simm.s32 $0x4F00  }
0xd: {  	v3 =	vmov s18;
	s18 =	simm.s32 $0x0;
	s4 =	sshrl.u32 s4, $0x3;
	s7 =	sshrl.u32 s29, $0x3  }
0xe: {  	s13 =	sadd.s32 s4, s3;
	s3 =	sadd.s32 $0xD000, s3;
	s4 =	sadd.s32 $0x1800, s9  }
0xf: {  	s9 =	sadd.s32 s6, s30;
	s6 =	sadd.s32 s6, s7;
	s5 =	sadd.s32 $0x5800, s13  }
0x10: {  	s31 =	sadd.s32 s9, s10;
	s7 =	sadd.s32 $0x58F0, s13;
	s9 =	sadd.s32 $0x59E0, s13  }
0x11: {  	s11 =	sadd.s32 $0x5AD0, s13;
	s13 =	smax.u32 s14, $0x1;
	s14 =	simm.s32 $0x1  }
0x12: {  	s8 =	sadd.s32 $0x780, s31;
	s10 =	sadd.s32 $0xF00, s31;
	s12 =	sadd.s32 $0x1680, s31  }
.LBB2_1:
0x13: {  	[tilespmem:s2], [sflag:$0x1] =	stream.linear.gather [hbm4b:s4+s2], $0x4000, $0x38;
	[tilespmem:$0x10300] =	vst v63  }
0x14: {  	_ =	swait.ge [sflag:s14], $0x4000  }
0x15: {  	[sflag:s14] =	ssyncset.done $0x0  }
0x16: {  	s20 =	simm.s32 $0x4780;
	[sflag:s14] =	ssyncadd.s32 $0xFFFFC000  }
0x17: {  	[tilespmem:s20], [sflag:$0x1] =	stream.linear.gather [hbm4b:s3+s2], $0x780, $0x38;
	[tilespmem:$0x10300] =	vst v63  }
0x18: {  	_ =	swait.ge [sflag:s14], $0x780  }
0x19: {  	[sflag:s14] =	ssyncset.done $0x0  }
0x1a: {  	s19 =	simm.s32 $0x4000;
	[sflag:s14] =	ssyncadd.s32 $0xFFFFF880  }
0x1b: {  	[tilespmem:s19], [sflag:$0x1] =	stream.linear.gather [hbm4b:s5+s2], $0x780, $0x38;
	[tilespmem:$0x10300] =	vst v63  }
0x1c: {  	_ =	swait.ge [sflag:s14], $0x780  }
0x1d: {  	[sflag:s14] =	ssyncset.done $0x0  }
0x1e: {  	[sflag:s14] =	ssyncadd.s32 $0xFFFFF880  }
0x1f: {  	v4 =	vld [tilespmem:s19+$0x0];
	_ =	sdelay $0x2  }
0x20: {  	v5 =	vld [tilespmem:s20+$0x0];
	_ =	sdelay $0x1  }
0x21: {  	v4 =	vshll.u32 v4, $0x4;
	_ =	sdelay $0x2  }
0x22: {  	v5 =	vshll.u32 v5, $0x4  }
0x23: {  	v6 =	vadd.s32 v0, v5  }
0x24: {  	v5 =	vand.u32 $0x70, v5;
	v6 =	vand.u32 $0xFFFFFF80, v6;
	v7 =	vld.idx.msk [tilespmem:v4+s2+$0x0], $0xffff  }
0x25: {  	v5 =	vor.u32 v5, v6;
	_ =	sdelay $0x1  }
0x26: {  	s30 =	sand.u32 $0x70, s2;
	s21 =	sand.u32 $0x3C00, s2  }
0x27: {  	s20 =	sor.u32 s30, s21  }
0x28: {  	[tilespmem:s20+$0x4F00] =	vst v7  }
0x29: {  	v6 =	vld.idx.msk [tilespmem:v5+s2+$0x0], $0xffff  }
0x2a: {  	v7 =	vor.u32 $0x1, v4;
	_ =	sdelay $0x3  }
0x2b: {  	[tilespmem:s20+$0x8D00] =	vst v6  }
0x2c: {  	v6 =	vld.idx.msk [tilespmem:v7+s2+$0x0], $0xffff  }
0x2d: {  	v7 =	vor.u32 $0x1, v5;
	_ =	sdelay $0x3  }
0x2e: {  	[tilespmem:s20+$0x4F80] =	vst v6  }
0x2f: {  	v6 =	vld.idx.msk [tilespmem:v7+s2+$0x0], $0xffff  }
0x30: {  	v7 =	vor.u32 $0x2, v4;
	_ =	sdelay $0x3  }
0x31: {  	[tilespmem:s20+$0x8D80] =	vst v6  }
0x32: {  	v6 =	vld.idx.msk [tilespmem:v7+s2+$0x0], $0xffff  }
0x33: {  	v7 =	vor.u32 $0x2, v5;
	_ =	sdelay $0x3  }
0x34: {  	[tilespmem:s20+$0x5000] =	vst v6  }
0x35: {  	v6 =	vld.idx.msk [tilespmem:v7+s2+$0x0], $0xffff  }
0x36: {  	v7 =	vor.u32 $0x3, v4;
	_ =	sdelay $0x3  }
0x37: {  	[tilespmem:s20+$0x8E00] =	vst v6  }
0x38: {  	v6 =	vld.idx.msk [tilespmem:v7+s2+$0x0], $0xffff  }
0x39: {  	v7 =	vor.u32 $0x3, v5;
	_ =	sdelay $0x3  }
0x3a: {  	[tilespmem:s20+$0x5080] =	vst v6  }
0x3b: {  	v6 =	vld.idx.msk [tilespmem:v7+s2+$0x0], $0xffff  }
0x3c: {  	v7 =	vor.u32 $0x4, v4;
	_ =	sdelay $0x3  }
0x3d: {  	[tilespmem:s20+$0x8E80] =	vst v6  }
0x3e: {  	v6 =	vld.idx.msk [tilespmem:v7+s2+$0x0], $0xffff  }
0x3f: {  	v7 =	vor.u32 $0x4, v5;
	_ =	sdelay $0x3  }
0x40: {  	[tilespmem:s20+$0x5100] =	vst v6  }
0x41: {  	v6 =	vld.idx.msk [tilespmem:v7+s2+$0x0], $0xffff  }
0x42: {  	v7 =	vor.u32 $0x5, v4;
	_ =	sdelay $0x3  }
0x43: {  	[tilespmem:s20+$0xC700] =	vst v6  }
0x44: {  	v6 =	vld.idx.msk [tilespmem:v7+s2+$0x0], $0xffff  }
0x45: {  	v7 =	vor.u32 $0x5, v5;
	_ =	sdelay $0x3  }
0x46: {  	[tilespmem:s20+$0x5180] =	vst v6  }
0x47: {  	v6 =	vld.idx.msk [tilespmem:v7+s2+$0x0], $0xffff  }
0x48: {  	v7 =	vor.u32 $0x6, v4;
	_ =	sdelay $0x3  }
0x49: {  	[tilespmem:s20+$0xC780] =	vst v6  }
0x4a: {  	v6 =	vld.idx.msk [tilespmem:v7+s2+$0x0], $0xffff  }
0x4b: {  	v7 =	vor.u32 $0x6, v5;
	_ =	sdelay $0x3  }
0x4c: {  	[tilespmem:s20+$0x5200] =	vst v6  }
0x4d: {  	v6 =	vld.idx.msk [tilespmem:v7+s2+$0x0], $0xffff  }
0x4e: {  	v7 =	vor.u32 $0x7, v4;
	_ =	sdelay $0x3  }
0x4f: {  	[tilespmem:s20+$0xC800] =	vst v6  }
0x50: {  	v6 =	vld.idx.msk [tilespmem:v7+s2+$0x0], $0xffff  }
0x51: {  	s31 =	sand.u32 $0x7, s2;
	v7 =	vor.u32 $0x7, v5  }
0x52: {  	s21 =	sshll.u32 s31, $0x4  }
0x53: {  	s21 =	sadd.s32 $0x0, s21  }
0x54: {  	s21 =	sor.u32 $0x380, s21  }
0x55: {  	[tilespmem:s21+$0x4F00] =	vst v6  }
0x56: {  	v6 =	vld.idx.msk [tilespmem:v7+s2+$0x0], $0xffff  }
0x57: {  	v7 =	vor.u32 $0x8, v4;
	_ =	sdelay $0x3  }
0x58: {  	[tilespmem:s20+$0xC880] =	vst v6  }
0x59: {  	v6 =	vld.idx.msk [tilespmem:v7+s2+$0x0], $0xffff  }
0x5a: {  	v7 =	vor.u32 $0x8, v5;
	_ =	sdelay $0x3  }
0x5b: {  	[tilespmem:s20+$0x8B00] =	vst v6  }
0x5c: {  	v6 =	vld.idx.msk [tilespmem:v7+s2+$0x0], $0xffff  }
0x5d: {  	v7 =	vor.u32 $0x9, v4;
	_ =	sdelay $0x3  }
0x5e: {  	[tilespmem:s20+$0xC900] =	vst v6  }
0x5f: {  	v6 =	vld.idx.msk [tilespmem:v7+s2+$0x0], $0xffff  }
0x60: {  	v7 =	vor.u32 $0x9, v5;
	_ =	sdelay $0x3  }
0x61: {  	[tilespmem:s20+$0x8B80] =	vst v6  }
0x62: {  	v6 =	vld.idx.msk [tilespmem:v7+s2+$0x0], $0xffff  }
0x63: {  	v7 =	vor.u32 $0xA, v4;
	_ =	sdelay $0x3  }
0x64: {  	[tilespmem:s20+$0xC980] =	vst v6  }
0x65: {  	v6 =	vld.idx.msk [tilespmem:v7+s2+$0x0], $0xffff  }
0x66: {  	v7 =	vor.u32 $0xA, v5;
	_ =	sdelay $0x3  }
0x67: {  	[tilespmem:s20+$0x8C00] =	vst v6  }
0x68: {  	v6 =	vld.idx.msk [tilespmem:v7+s2+$0x0], $0xffff  }
0x69: {  	v4 =	vor.u32 $0xB, v4;
	_ =	sdelay $0x3  }
0x6a: {  	[tilespmem:s20+$0xCA00] =	vst v6  }
0x6b: {  	v4 =	vld.idx.msk [tilespmem:v4+s2+$0x0], $0xffff  }
0x6c: {  	v5 =	vor.u32 $0xB, v5;
	_ =	sdelay $0x3  }
0x6d: {  	[tilespmem:s20+$0x8C80] =	vst v4  }
0x6e: {  	v4 =	vld.idx.msk [tilespmem:v5+s2+$0x0], $0xffff;
	_ =	sdelay $0x2  }
0x6f: {  	s22 =	simm.s32 $0x4790  }
0x70: {  	s23 =	simm.s32 $0x0;
	s24 =	simm.s32 $0x0;
	s21 =	simm.s32 $0x10  }
.LBB2_2:
0x71: {  	[tilespmem:s20+$0xCA80] =	vst v4;
	s23 =	sadd.s32 $0x80, s23;
	s24 =	sadd.s32 $0x1, s24;
	s19 =	sadd.s32 $0x10, s19  }
0x72: {  	p0 =	sne.s32 s21, $0x770;
	s20 =	smov.u32 s21;
	s21 =	sadd.s32 $0x10, s21;
	v4 =	vld [tilespmem:s19+$0x0]  }
0x73: {  	_ =	sdelay $0x2  }
0x74: {  	v5 =	vld [tilespmem:s22+$0x0]  }
0x75: {  	v4 =	vshll.u32 v4, $0x4;
	_ =	sdelay $0x3  }
0x76: {  	v5 =	vshll.u32 v5, $0x4  }
0x77: {  	v6 =	vadd.s32 v0, v5;
	v7 =	vld.idx.msk [tilespmem:v4+s2+$0x0], $0xffff  }
0x78: {  	v5 =	vand.u32 $0x70, v5;
	v6 =	vand.u32 $0xFFFFFF80, v6  }
0x79: {  	v5 =	vor.u32 v5, v6;
	_ =	sdelay $0x1  }
0x7a: {  	s20 =	sand.u32 $0x70, s20;
	s25 =	sand.u32 $0x3C00, s23  }
0x7b: {  	s20 =	sor.u32 s20, s25  }
0x7c: {  	[tilespmem:s20+$0x4F00] =	vst v7  }
0x7d: {  	v6 =	vld.idx.msk [tilespmem:v5+s2+$0x0], $0xffff;
	_ =	sdelay $0x1  }
0x7e: {  	v7 =	vor.u32 $0x1, v4;
	_ =	sdelay $0x3  }
0x7f: {  	[tilespmem:s20+$0x8D00] =	vst v6  }
0x80: {  	v6 =	vld.idx.msk [tilespmem:v7+s2+$0x0], $0xffff;
	_ =	sdelay $0x1  }
0x81: {  	v7 =	vor.u32 $0x1, v5;
	_ =	sdelay $0x3  }
0x82: {  	[tilespmem:s20+$0x4F80] =	vst v6  }
0x83: {  	v6 =	vld.idx.msk [tilespmem:v7+s2+$0x0], $0xffff;
	_ =	sdelay $0x1  }
0x84: {  	v7 =	vor.u32 $0x2, v4;
	_ =	sdelay $0x3  }
0x85: {  	[tilespmem:s20+$0x8D80] =	vst v6  }
0x86: {  	v6 =	vld.idx.msk [tilespmem:v7+s2+$0x0], $0xffff;
	_ =	sdelay $0x1  }
0x87: {  	v7 =	vor.u32 $0x2, v5;
	_ =	sdelay $0x3  }
0x88: {  	[tilespmem:s20+$0x5000] =	vst v6  }
0x89: {  	v6 =	vld.idx.msk [tilespmem:v7+s2+$0x0], $0xffff;
	_ =	sdelay $0x1  }
0x8a: {  	v7 =	vor.u32 $0x3, v4;
	_ =	sdelay $0x3  }
0x8b: {  	[tilespmem:s20+$0x8E00] =	vst v6  }
0x8c: {  	v6 =	vld.idx.msk [tilespmem:v7+s2+$0x0], $0xffff;
	_ =	sdelay $0x1  }
0x8d: {  	v7 =	vor.u32 $0x3, v5;
	_ =	sdelay $0x3  }
0x8e: {  	[tilespmem:s20+$0x5080] =	vst v6  }
0x8f: {  	v6 =	vld.idx.msk [tilespmem:v7+s2+$0x0], $0xffff;
	_ =	sdelay $0x1  }
0x90: {  	v7 =	vor.u32 $0x4, v4;
	_ =	sdelay $0x3  }
0x91: {  	[tilespmem:s20+$0x8E80] =	vst v6  }
0x92: {  	v6 =	vld.idx.msk [tilespmem:v7+s2+$0x0], $0xffff;
	_ =	sdelay $0x1  }
0x93: {  	v7 =	vor.u32 $0x4, v5;
	_ =	sdelay $0x3  }
0x94: {  	[tilespmem:s20+$0x5100] =	vst v6  }
0x95: {  	v6 =	vld.idx.msk [tilespmem:v7+s2+$0x0], $0xffff;
	_ =	sdelay $0x1  }
0x96: {  	v7 =	vor.u32 $0x5, v4;
	_ =	sdelay $0x3  }
0x97: {  	[tilespmem:s20+$0xC700] =	vst v6  }
0x98: {  	v6 =	vld.idx.msk [tilespmem:v7+s2+$0x0], $0xffff;
	_ =	sdelay $0x1  }
0x99: {  	v7 =	vor.u32 $0x5, v5;
	_ =	sdelay $0x3  }
0x9a: {  	[tilespmem:s20+$0x5180] =	vst v6  }
0x9b: {  	v6 =	vld.idx.msk [tilespmem:v7+s2+$0x0], $0xffff;
	_ =	sdelay $0x1  }
0x9c: {  	v7 =	vor.u32 $0x6, v4;
	_ =	sdelay $0x3  }
0x9d: {  	[tilespmem:s20+$0xC780] =	vst v6  }
0x9e: {  	v6 =	vld.idx.msk [tilespmem:v7+s2+$0x0], $0xffff;
	_ =	sdelay $0x1  }
0x9f: {  	v7 =	vor.u32 $0x6, v5;
	_ =	sdelay $0x3  }
0xa0: {  	[tilespmem:s20+$0x5200] =	vst v6  }
0xa1: {  	v6 =	vld.idx.msk [tilespmem:v7+s2+$0x0], $0xffff;
	_ =	sdelay $0x1  }
0xa2: {  	v7 =	vor.u32 $0x7, v4;
	_ =	sdelay $0x3  }
0xa3: {  	[tilespmem:s20+$0xC800] =	vst v6  }
0xa4: {  	v6 =	vld.idx.msk [tilespmem:v7+s2+$0x0], $0xffff;
	_ =	sdelay $0x1  }
0xa5: {  	s25 =	sand.u32 $0x7, s24;
	v7 =	vor.u32 $0x7, v5  }
0xa6: {  	s25 =	sshll.u32 s25, $0x4  }
0xa7: {  	s25 =	sadd.s32 s25, s23  }
0xa8: {  	s25 =	sor.u32 $0x380, s25  }
0xa9: {  	[tilespmem:s25+$0x4F00] =	vst v6  }
0xaa: {  	v6 =	vld.idx.msk [tilespmem:v7+s2+$0x0], $0xffff;
	_ =	sdelay $0x1  }
0xab: {  	v7 =	vor.u32 $0x8, v4;
	_ =	sdelay $0x3  }
0xac: {  	[tilespmem:s20+$0xC880] =	vst v6  }
0xad: {  	v6 =	vld.idx.msk [tilespmem:v7+s2+$0x0], $0xffff;
	_ =	sdelay $0x1  }
0xae: {  	v7 =	vor.u32 $0x8, v5;
	_ =	sdelay $0x3  }
0xaf: {  	[tilespmem:s20+$0x8B00] =	vst v6  }
0xb0: {  	v6 =	vld.idx.msk [tilespmem:v7+s2+$0x0], $0xffff;
	_ =	sdelay $0x1  }
0xb1: {  	v7 =	vor.u32 $0x9, v4;
	_ =	sdelay $0x3  }
0xb2: {  	[tilespmem:s20+$0xC900] =	vst v6  }
0xb3: {  	v6 =	vld.idx.msk [tilespmem:v7+s2+$0x0], $0xffff;
	_ =	sdelay $0x1  }
0xb4: {  	v7 =	vor.u32 $0x9, v5;
	_ =	sdelay $0x3  }
0xb5: {  	[tilespmem:s20+$0x8B80] =	vst v6  }
0xb6: {  	v6 =	vld.idx.msk [tilespmem:v7+s2+$0x0], $0xffff;
	_ =	sdelay $0x1  }
0xb7: {  	v7 =	vor.u32 $0xA, v4;
	_ =	sdelay $0x3  }
0xb8: {  	[tilespmem:s20+$0xC980] =	vst v6  }
0xb9: {  	v6 =	vld.idx.msk [tilespmem:v7+s2+$0x0], $0xffff;
	_ =	sdelay $0x1  }
0xba: {  	v7 =	vor.u32 $0xA, v5;
	_ =	sdelay $0x3  }
0xbb: {  	[tilespmem:s20+$0x8C00] =	vst v6  }
0xbc: {  	v6 =	vld.idx.msk [tilespmem:v7+s2+$0x0], $0xffff;
	_ =	sdelay $0x1  }
0xbd: {  	v4 =	vor.u32 $0xB, v4;
	_ =	sdelay $0x3  }
0xbe: {  	[tilespmem:s20+$0xCA00] =	vst v6  }
0xbf: {  	v4 =	vld.idx.msk [tilespmem:v4+s2+$0x0], $0xffff;
	_ =	sdelay $0x1  }
0xc0: {  	v5 =	vor.u32 $0xB, v5;
	_ =	sdelay $0x3  }
0xc1: {  	[tilespmem:s20+$0x8C80] =	vst v4  }
0xc2: {  	v4 =	vld.idx.msk [tilespmem:v5+s2+$0x0], $0xffff  }
.Ltmp0:
0xc3: {  	(pc) =	sbr.rel @p0 .LBB2_2-.Ltmp0, $2  }
0xc4: {  	_ =	sdelay $0x2  }
0xc5: {  	s22 =	sadd.s32 $0x10, s22  }
0xc6: {  	[tilespmem:s20+$0xCA80] =	vst v4  }
0xc7: {  	[hbm4b:s6+s15] =	stream.strided.scatter [tilespmem:s17], [sflag:$0x1], $0xB400, s16, s15, $0x38;
	[tilespmem:$0x10300] =	vst v63  }
0xc8: {  	_ =	swait.ge [sflag:s14], $0xB400  }
0xc9: {  	[sflag:s14] =	ssyncset.done $0x0  }
0xca: {  	s19 =	simm.s32 $0x0;
	s20 =	simm.s32 $0x4000;
	[sflag:s14] =	ssyncadd.s32 $0xFFFF4C00  }
0xcb: {  	[tilespmem:s20], [sflag:$0x1] =	stream.linear.gather [hbm4b:s7+s19], $0x780, $0x38;
	[tilespmem:$0x10300] =	vst v63  }
0xcc: {  	_ =	swait.ge [sflag:s14], $0x780  }
0xcd: {  	[sflag:s14] =	ssyncset.done $0x0  }
0xce: {  	[sflag:s14] =	ssyncadd.s32 $0xFFFFF880  }
0xcf: {  	v4 =	vld [tilespmem:s20+$0x0];
	_ =	sdelay $0x1  }
0xd0: {  	s21 =	simm.s32 $0x4780  }
0xd1: {  	v5 =	vld [tilespmem:s21+$0x0];
	_ =	sdelay $0x1  }
0xd2: {  	v4 =	vshll.u32 v4, $0x4;
	_ =	sdelay $0x2  }
0xd3: {  	v5 =	vshll.u32 v5, $0x4  }
0xd4: {  	v6 =	vadd.s32 v1, v5  }
0xd5: {  	v5 =	vand.u32 $0x70, v5;
	v6 =	vand.u32 $0xFFFFFF80, v6;
	v7 =	vld.idx.msk [tilespmem:v4+s2+$0x0], $0xffff  }
0xd6: {  	v5 =	vor.u32 v5, v6;
	_ =	sdelay $0x1  }
0xd7: {  	s30 =	sand.u32 $0x70, s19;
	s22 =	sand.u32 $0x3C00, s19  }
0xd8: {  	s21 =	sor.u32 s30, s22  }
0xd9: {  	[tilespmem:s21+$0x4F00] =	vst v7  }
0xda: {  	v6 =	vld.idx.msk [tilespmem:v5+s2+$0x0], $0xffff  }
0xdb: {  	v7 =	vor.u32 $0x1, v4;
	_ =	sdelay $0x3  }
0xdc: {  	[tilespmem:s21+$0x8D00] =	vst v6  }
0xdd: {  	v6 =	vld.idx.msk [tilespmem:v7+s2+$0x0], $0xffff  }
0xde: {  	v7 =	vor.u32 $0x1, v5;
	_ =	sdelay $0x3  }
0xdf: {  	[tilespmem:s21+$0x4F80] =	vst v6  }
0xe0: {  	v6 =	vld.idx.msk [tilespmem:v7+s2+$0x0], $0xffff  }
0xe1: {  	v7 =	vor.u32 $0x2, v4;
	_ =	sdelay $0x3  }
0xe2: {  	[tilespmem:s21+$0x8D80] =	vst v6  }
0xe3: {  	v6 =	vld.idx.msk [tilespmem:v7+s2+$0x0], $0xffff  }
0xe4: {  	v7 =	vor.u32 $0x2, v5;
	_ =	sdelay $0x3  }
0xe5: {  	[tilespmem:s21+$0x5000] =	vst v6  }
0xe6: {  	v6 =	vld.idx.msk [tilespmem:v7+s2+$0x0], $0xffff  }
0xe7: {  	v7 =	vor.u32 $0x3, v4;
	_ =	sdelay $0x3  }
0xe8: {  	[tilespmem:s21+$0x8E00] =	vst v6  }
0xe9: {  	v6 =	vld.idx.msk [tilespmem:v7+s2+$0x0], $0xffff  }
0xea: {  	v7 =	vor.u32 $0x3, v5;
	_ =	sdelay $0x3  }
0xeb: {  	[tilespmem:s21+$0x5080] =	vst v6  }
0xec: {  	v6 =	vld.idx.msk [tilespmem:v7+s2+$0x0], $0xffff  }
0xed: {  	v7 =	vor.u32 $0x4, v4;
	_ =	sdelay $0x3  }
0xee: {  	[tilespmem:s21+$0x8E80] =	vst v6  }
0xef: {  	v6 =	vld.idx.msk [tilespmem:v7+s2+$0x0], $0xffff  }
0xf0: {  	v7 =	vor.u32 $0x4, v5;
	_ =	sdelay $0x3  }
0xf1: {  	[tilespmem:s21+$0x5100] =	vst v6  }
0xf2: {  	v6 =	vld.idx.msk [tilespmem:v7+s2+$0x0], $0xffff  }
0xf3: {  	v7 =	vor.u32 $0x5, v4;
	_ =	sdelay $0x3  }
0xf4: {  	[tilespmem:s21+$0xC700] =	vst v6  }
0xf5: {  	v6 =	vld.idx.msk [tilespmem:v7+s2+$0x0], $0xffff  }
0xf6: {  	v7 =	vor.u32 $0x5, v5;
	_ =	sdelay $0x3  }
0xf7: {  	[tilespmem:s21+$0x5180] =	vst v6  }
0xf8: {  	v6 =	vld.idx.msk [tilespmem:v7+s2+$0x0], $0xffff  }
0xf9: {  	v7 =	vor.u32 $0x6, v4;
	_ =	sdelay $0x3  }
0xfa: {  	[tilespmem:s21+$0xC780] =	vst v6  }
0xfb: {  	v6 =	vld.idx.msk [tilespmem:v7+s2+$0x0], $0xffff  }
0xfc: {  	v7 =	vor.u32 $0x6, v5;
	_ =	sdelay $0x3  }
0xfd: {  	[tilespmem:s21+$0x5200] =	vst v6  }
0xfe: {  	v6 =	vld.idx.msk [tilespmem:v7+s2+$0x0], $0xffff  }
0xff: {  	v7 =	vor.u32 $0x7, v4;
	_ =	sdelay $0x3  }
0x100: {  	[tilespmem:s21+$0xC800] =	vst v6  }
0x101: {  	v6 =	vld.idx.msk [tilespmem:v7+s2+$0x0], $0xffff  }
0x102: {  	s31 =	sand.u32 $0x7, s19;
	v7 =	vor.u32 $0x7, v5  }
0x103: {  	s22 =	sshll.u32 s31, $0x4  }
0x104: {  	s22 =	sadd.s32 $0x0, s22  }
0x105: {  	s22 =	sor.u32 $0x380, s22  }
0x106: {  	[tilespmem:s22+$0x4F00] =	vst v6  }
0x107: {  	v6 =	vld.idx.msk [tilespmem:v7+s2+$0x0], $0xffff  }
0x108: {  	v7 =	vor.u32 $0x8, v4;
	_ =	sdelay $0x3  }
0x109: {  	[tilespmem:s21+$0xC880] =	vst v6  }
0x10a: {  	v6 =	vld.idx.msk [tilespmem:v7+s2+$0x0], $0xffff  }
0x10b: {  	v7 =	vor.u32 $0x8, v5;
	_ =	sdelay $0x3  }
0x10c: {  	[tilespmem:s21+$0x8B00] =	vst v6  }
0x10d: {  	v6 =	vld.idx.msk [tilespmem:v7+s2+$0x0], $0xffff  }
0x10e: {  	v7 =	vor.u32 $0x9, v4;
	_ =	sdelay $0x3  }
0x10f: {  	[tilespmem:s21+$0xC900] =	vst v6  }
0x110: {  	v6 =	vld.idx.msk [tilespmem:v7+s2+$0x0], $0xffff  }
0x111: {  	v7 =	vor.u32 $0x9, v5;
	_ =	sdelay $0x3  }
0x112: {  	[tilespmem:s21+$0x8B80] =	vst v6  }
0x113: {  	v6 =	vld.idx.msk [tilespmem:v7+s2+$0x0], $0xffff  }
0x114: {  	v7 =	vor.u32 $0xA, v4;
	_ =	sdelay $0x3  }
0x115: {  	[tilespmem:s21+$0xC980] =	vst v6  }
0x116: {  	v6 =	vld.idx.msk [tilespmem:v7+s2+$0x0], $0xffff  }
0x117: {  	v7 =	vor.u32 $0xA, v5;
	_ =	sdelay $0x3  }
0x118: {  	[tilespmem:s21+$0x8C00] =	vst v6  }
0x119: {  	v6 =	vld.idx.msk [tilespmem:v7+s2+$0x0], $0xffff  }
0x11a: {  	v4 =	vor.u32 $0xB, v4;
	_ =	sdelay $0x3  }
0x11b: {  	[tilespmem:s21+$0xCA00] =	vst v6  }
0x11c: {  	v4 =	vld.idx.msk [tilespmem:v4+s2+$0x0], $0xffff  }
0x11d: {  	v5 =	vor.u32 $0xB, v5;
	_ =	sdelay $0x3  }
0x11e: {  	[tilespmem:s21+$0x8C80] =	vst v4  }
0x11f: {  	v4 =	vld.idx.msk [tilespmem:v5+s2+$0x0], $0xffff;
	_ =	sdelay $0x3  }
0x120: {  	s23 =	simm.s32 $0x4790;
	s24 =	simm.s32 $0x0;
	s22 =	simm.s32 $0x10  }
.LBB2_4:
0x121: {  	[tilespmem:s21+$0xCA80] =	vst v4;
	s19 =	sadd.s32 $0x80, s19;
	s24 =	sadd.s32 $0x1, s24;
	s20 =	sadd.s32 $0x10, s20  }
0x122: {  	p0 =	sne.s32 s22, $0x770;
	s21 =	smov.u32 s22;
	s22 =	sadd.s32 $0x10, s22;
	v4 =	vld [tilespmem:s20+$0x0]  }
0x123: {  	_ =	sdelay $0x2  }
0x124: {  	v5 =	vld [tilespmem:s23+$0x0]  }
0x125: {  	v4 =	vshll.u32 v4, $0x4;
	_ =	sdelay $0x3  }
0x126: {  	v5 =	vshll.u32 v5, $0x4  }
0x127: {  	v6 =	vadd.s32 v1, v5;
	v7 =	vld.idx.msk [tilespmem:v4+s2+$0x0], $0xffff  }
0x128: {  	v5 =	vand.u32 $0x70, v5;
	v6 =	vand.u32 $0xFFFFFF80, v6  }
0x129: {  	v5 =	vor.u32 v5, v6;
	_ =	sdelay $0x1  }
0x12a: {  	s21 =	sand.u32 $0x70, s21;
	s25 =	sand.u32 $0x3C00, s19  }
0x12b: {  	s21 =	sor.u32 s21, s25  }
0x12c: {  	[tilespmem:s21+$0x4F00] =	vst v7  }
0x12d: {  	v6 =	vld.idx.msk [tilespmem:v5+s2+$0x0], $0xffff;
	_ =	sdelay $0x1  }
0x12e: {  	v7 =	vor.u32 $0x1, v4;
	_ =	sdelay $0x3  }
0x12f: {  	[tilespmem:s21+$0x8D00] =	vst v6  }
0x130: {  	v6 =	vld.idx.msk [tilespmem:v7+s2+$0x0], $0xffff;
	_ =	sdelay $0x1  }
0x131: {  	v7 =	vor.u32 $0x1, v5;
	_ =	sdelay $0x3  }
0x132: {  	[tilespmem:s21+$0x4F80] =	vst v6  }
0x133: {  	v6 =	vld.idx.msk [tilespmem:v7+s2+$0x0], $0xffff;
	_ =	sdelay $0x1  }
0x134: {  	v7 =	vor.u32 $0x2, v4;
	_ =	sdelay $0x3  }
0x135: {  	[tilespmem:s21+$0x8D80] =	vst v6  }
0x136: {  	v6 =	vld.idx.msk [tilespmem:v7+s2+$0x0], $0xffff;
	_ =	sdelay $0x1  }
0x137: {  	v7 =	vor.u32 $0x2, v5;
	_ =	sdelay $0x3  }
0x138: {  	[tilespmem:s21+$0x5000] =	vst v6  }
0x139: {  	v6 =	vld.idx.msk [tilespmem:v7+s2+$0x0], $0xffff;
	_ =	sdelay $0x1  }
0x13a: {  	v7 =	vor.u32 $0x3, v4;
	_ =	sdelay $0x3  }
0x13b: {  	[tilespmem:s21+$0x8E00] =	vst v6  }
0x13c: {  	v6 =	vld.idx.msk [tilespmem:v7+s2+$0x0], $0xffff;
	_ =	sdelay $0x1  }
0x13d: {  	v7 =	vor.u32 $0x3, v5;
	_ =	sdelay $0x3  }
0x13e: {  	[tilespmem:s21+$0x5080] =	vst v6  }
0x13f: {  	v6 =	vld.idx.msk [tilespmem:v7+s2+$0x0], $0xffff;
	_ =	sdelay $0x1  }
0x140: {  	v7 =	vor.u32 $0x4, v4;
	_ =	sdelay $0x3  }
0x141: {  	[tilespmem:s21+$0x8E80] =	vst v6  }
0x142: {  	v6 =	vld.idx.msk [tilespmem:v7+s2+$0x0], $0xffff;
	_ =	sdelay $0x1  }
0x143: {  	v7 =	vor.u32 $0x4, v5;
	_ =	sdelay $0x3  }
0x144: {  	[tilespmem:s21+$0x5100] =	vst v6  }
0x145: {  	v6 =	vld.idx.msk [tilespmem:v7+s2+$0x0], $0xffff;
	_ =	sdelay $0x1  }
0x146: {  	v7 =	vor.u32 $0x5, v4;
	_ =	sdelay $0x3  }
0x147: {  	[tilespmem:s21+$0xC700] =	vst v6  }
0x148: {  	v6 =	vld.idx.msk [tilespmem:v7+s2+$0x0], $0xffff;
	_ =	sdelay $0x1  }
0x149: {  	v7 =	vor.u32 $0x5, v5;
	_ =	sdelay $0x3  }
0x14a: {  	[tilespmem:s21+$0x5180] =	vst v6  }
0x14b: {  	v6 =	vld.idx.msk [tilespmem:v7+s2+$0x0], $0xffff;
	_ =	sdelay $0x1  }
0x14c: {  	v7 =	vor.u32 $0x6, v4;
	_ =	sdelay $0x3  }
0x14d: {  	[tilespmem:s21+$0xC780] =	vst v6  }
0x14e: {  	v6 =	vld.idx.msk [tilespmem:v7+s2+$0x0], $0xffff;
	_ =	sdelay $0x1  }
0x14f: {  	v7 =	vor.u32 $0x6, v5;
	_ =	sdelay $0x3  }
0x150: {  	[tilespmem:s21+$0x5200] =	vst v6  }
0x151: {  	v6 =	vld.idx.msk [tilespmem:v7+s2+$0x0], $0xffff;
	_ =	sdelay $0x1  }
0x152: {  	v7 =	vor.u32 $0x7, v4;
	_ =	sdelay $0x3  }
0x153: {  	[tilespmem:s21+$0xC800] =	vst v6  }
0x154: {  	v6 =	vld.idx.msk [tilespmem:v7+s2+$0x0], $0xffff;
	_ =	sdelay $0x1  }
0x155: {  	s25 =	sand.u32 $0x7, s24;
	v7 =	vor.u32 $0x7, v5  }
0x156: {  	s25 =	sshll.u32 s25, $0x4  }
0x157: {  	s25 =	sadd.s32 s25, s19  }
0x158: {  	s25 =	sor.u32 $0x380, s25  }
0x159: {  	[tilespmem:s25+$0x4F00] =	vst v6  }
0x15a: {  	v6 =	vld.idx.msk [tilespmem:v7+s2+$0x0], $0xffff;
	_ =	sdelay $0x1  }
0x15b: {  	v7 =	vor.u32 $0x8, v4;
	_ =	sdelay $0x3  }
0x15c: {  	[tilespmem:s21+$0xC880] =	vst v6  }
0x15d: {  	v6 =	vld.idx.msk [tilespmem:v7+s2+$0x0], $0xffff;
	_ =	sdelay $0x1  }
0x15e: {  	v7 =	vor.u32 $0x8, v5;
	_ =	sdelay $0x3  }
0x15f: {  	[tilespmem:s21+$0x8B00] =	vst v6  }
0x160: {  	v6 =	vld.idx.msk [tilespmem:v7+s2+$0x0], $0xffff;
	_ =	sdelay $0x1  }
0x161: {  	v7 =	vor.u32 $0x9, v4;
	_ =	sdelay $0x3  }
0x162: {  	[tilespmem:s21+$0xC900] =	vst v6  }
0x163: {  	v6 =	vld.idx.msk [tilespmem:v7+s2+$0x0], $0xffff;
	_ =	sdelay $0x1  }
0x164: {  	v7 =	vor.u32 $0x9, v5;
	_ =	sdelay $0x3  }
0x165: {  	[tilespmem:s21+$0x8B80] =	vst v6  }
0x166: {  	v6 =	vld.idx.msk [tilespmem:v7+s2+$0x0], $0xffff;
	_ =	sdelay $0x1  }
0x167: {  	v7 =	vor.u32 $0xA, v4;
	_ =	sdelay $0x3  }
0x168: {  	[tilespmem:s21+$0xC980] =	vst v6  }
0x169: {  	v6 =	vld.idx.msk [tilespmem:v7+s2+$0x0], $0xffff;
	_ =	sdelay $0x1  }
0x16a: {  	v7 =	vor.u32 $0xA, v5;
	_ =	sdelay $0x3  }
0x16b: {  	[tilespmem:s21+$0x8C00] =	vst v6  }
0x16c: {  	v6 =	vld.idx.msk [tilespmem:v7+s2+$0x0], $0xffff;
	_ =	sdelay $0x1  }
0x16d: {  	v4 =	vor.u32 $0xB, v4;
	_ =	sdelay $0x3  }
0x16e: {  	[tilespmem:s21+$0xCA00] =	vst v6  }
0x16f: {  	v4 =	vld.idx.msk [tilespmem:v4+s2+$0x0], $0xffff;
	_ =	sdelay $0x1  }
0x170: {  	v5 =	vor.u32 $0xB, v5;
	_ =	sdelay $0x3  }
0x171: {  	[tilespmem:s21+$0x8C80] =	vst v4  }
0x172: {  	v4 =	vld.idx.msk [tilespmem:v5+s2+$0x0], $0xffff  }
.Ltmp1:
0x173: {  	(pc) =	sbr.rel @p0 .LBB2_4-.Ltmp1, $2  }
0x174: {  	_ =	sdelay $0x2  }
0x175: {  	s23 =	sadd.s32 $0x10, s23  }
0x176: {  	[tilespmem:s21+$0xCA80] =	vst v4  }
0x177: {  	[hbm4b:s8+s15] =	stream.strided.scatter [tilespmem:s17], [sflag:$0x1], $0xB400, s16, s15, $0x38;
	[tilespmem:$0x10300] =	vst v63  }
0x178: {  	_ =	swait.ge [sflag:s14], $0xB400  }
0x179: {  	[sflag:s14] =	ssyncset.done $0x0  }
0x17a: {  	s19 =	simm.s32 $0x0;
	s20 =	simm.s32 $0x4000;
	[sflag:s14] =	ssyncadd.s32 $0xFFFF4C00  }
0x17b: {  	[tilespmem:s20], [sflag:$0x1] =	stream.linear.gather [hbm4b:s9+s19], $0x780, $0x38;
	[tilespmem:$0x10300] =	vst v63  }
0x17c: {  	_ =	swait.ge [sflag:s14], $0x780  }
0x17d: {  	[sflag:s14] =	ssyncset.done $0x0  }
0x17e: {  	[sflag:s14] =	ssyncadd.s32 $0xFFFFF880  }
0x17f: {  	v4 =	vld [tilespmem:s20+$0x0];
	_ =	sdelay $0x1  }
0x180: {  	s29 =	simm.s32 $0x4780  }
0x181: {  	v5 =	vld [tilespmem:s29+$0x0];
	_ =	sdelay $0x1  }
0x182: {  	v4 =	vshll.u32 v4, $0x4;
	_ =	sdelay $0x2  }
0x183: {  	v5 =	vshll.u32 v5, $0x4  }
0x184: {  	v6 =	vadd.s32 v2, v5  }
0x185: {  	v5 =	vand.u32 $0x70, v5;
	v6 =	vand.u32 $0xFFFFFF80, v6;
	v7 =	vld.idx.msk [tilespmem:v4+s2+$0x0], $0xffff  }
0x186: {  	v5 =	vor.u32 v5, v6;
	_ =	sdelay $0x1  }
0x187: {  	s30 =	sand.u32 $0x70, s19;
	s22 =	sand.u32 $0x3C00, s19  }
0x188: {  	s21 =	sor.u32 s30, s22  }
0x189: {  	[tilespmem:s21+$0x4F00] =	vst v7  }
0x18a: {  	v6 =	vld.idx.msk [tilespmem:v5+s2+$0x0], $0xffff  }
0x18b: {  	v7 =	vor.u32 $0x1, v4;
	_ =	sdelay $0x3  }
0x18c: {  	[tilespmem:s21+$0x8D00] =	vst v6  }
0x18d: {  	v6 =	vld.idx.msk [tilespmem:v7+s2+$0x0], $0xffff  }
0x18e: {  	v7 =	vor.u32 $0x1, v5;
	_ =	sdelay $0x3  }
0x18f: {  	[tilespmem:s21+$0x4F80] =	vst v6  }
0x190: {  	v6 =	vld.idx.msk [tilespmem:v7+s2+$0x0], $0xffff  }
0x191: {  	v7 =	vor.u32 $0x2, v4;
	_ =	sdelay $0x3  }
0x192: {  	[tilespmem:s21+$0x8D80] =	vst v6  }
0x193: {  	v6 =	vld.idx.msk [tilespmem:v7+s2+$0x0], $0xffff  }
0x194: {  	v7 =	vor.u32 $0x2, v5;
	_ =	sdelay $0x3  }
0x195: {  	[tilespmem:s21+$0x5000] =	vst v6  }
0x196: {  	v6 =	vld.idx.msk [tilespmem:v7+s2+$0x0], $0xffff  }
0x197: {  	v7 =	vor.u32 $0x3, v4;
	_ =	sdelay $0x3  }
0x198: {  	[tilespmem:s21+$0x8E00] =	vst v6  }
0x199: {  	v6 =	vld.idx.msk [tilespmem:v7+s2+$0x0], $0xffff  }
0x19a: {  	v7 =	vor.u32 $0x3, v5;
	_ =	sdelay $0x3  }
0x19b: {  	[tilespmem:s21+$0x5080] =	vst v6  }
0x19c: {  	v6 =	vld.idx.msk [tilespmem:v7+s2+$0x0], $0xffff  }
0x19d: {  	v7 =	vor.u32 $0x4, v4;
	_ =	sdelay $0x3  }
0x19e: {  	[tilespmem:s21+$0x8E80] =	vst v6  }
0x19f: {  	v6 =	vld.idx.msk [tilespmem:v7+s2+$0x0], $0xffff  }
0x1a0: {  	v7 =	vor.u32 $0x4, v5;
	_ =	sdelay $0x3  }
0x1a1: {  	[tilespmem:s21+$0x5100] =	vst v6  }
0x1a2: {  	v6 =	vld.idx.msk [tilespmem:v7+s2+$0x0], $0xffff  }
0x1a3: {  	v7 =	vor.u32 $0x5, v4;
	_ =	sdelay $0x3  }
0x1a4: {  	[tilespmem:s21+$0xC700] =	vst v6  }
0x1a5: {  	v6 =	vld.idx.msk [tilespmem:v7+s2+$0x0], $0xffff  }
0x1a6: {  	v7 =	vor.u32 $0x5, v5;
	_ =	sdelay $0x3  }
0x1a7: {  	[tilespmem:s21+$0x5180] =	vst v6  }
0x1a8: {  	v6 =	vld.idx.msk [tilespmem:v7+s2+$0x0], $0xffff  }
0x1a9: {  	v7 =	vor.u32 $0x6, v4;
	_ =	sdelay $0x3  }
0x1aa: {  	[tilespmem:s21+$0xC780] =	vst v6  }
0x1ab: {  	v6 =	vld.idx.msk [tilespmem:v7+s2+$0x0], $0xffff  }
0x1ac: {  	v7 =	vor.u32 $0x6, v5;
	_ =	sdelay $0x3  }
0x1ad: {  	[tilespmem:s21+$0x5200] =	vst v6  }
0x1ae: {  	v6 =	vld.idx.msk [tilespmem:v7+s2+$0x0], $0xffff  }
0x1af: {  	v7 =	vor.u32 $0x7, v4;
	_ =	sdelay $0x3  }
0x1b0: {  	[tilespmem:s21+$0xC800] =	vst v6  }
0x1b1: {  	v6 =	vld.idx.msk [tilespmem:v7+s2+$0x0], $0xffff  }
0x1b2: {  	s31 =	sand.u32 $0x7, s19;
	v7 =	vor.u32 $0x7, v5  }
0x1b3: {  	s22 =	sshll.u32 s31, $0x4  }
0x1b4: {  	s22 =	sadd.s32 $0x0, s22  }
0x1b5: {  	s22 =	sor.u32 $0x380, s22  }
0x1b6: {  	[tilespmem:s22+$0x4F00] =	vst v6  }
0x1b7: {  	v6 =	vld.idx.msk [tilespmem:v7+s2+$0x0], $0xffff  }
0x1b8: {  	v7 =	vor.u32 $0x8, v4;
	_ =	sdelay $0x3  }
0x1b9: {  	[tilespmem:s21+$0xC880] =	vst v6  }
0x1ba: {  	v6 =	vld.idx.msk [tilespmem:v7+s2+$0x0], $0xffff  }
0x1bb: {  	v7 =	vor.u32 $0x8, v5;
	_ =	sdelay $0x3  }
0x1bc: {  	[tilespmem:s21+$0x8B00] =	vst v6  }
0x1bd: {  	v6 =	vld.idx.msk [tilespmem:v7+s2+$0x0], $0xffff  }
0x1be: {  	v7 =	vor.u32 $0x9, v4;
	_ =	sdelay $0x3  }
0x1bf: {  	[tilespmem:s21+$0xC900] =	vst v6  }
0x1c0: {  	v6 =	vld.idx.msk [tilespmem:v7+s2+$0x0], $0xffff  }
0x1c1: {  	v7 =	vor.u32 $0x9, v5;
	_ =	sdelay $0x3  }
0x1c2: {  	[tilespmem:s21+$0x8B80] =	vst v6  }
0x1c3: {  	v6 =	vld.idx.msk [tilespmem:v7+s2+$0x0], $0xffff  }
0x1c4: {  	v7 =	vor.u32 $0xA, v4;
	_ =	sdelay $0x3  }
0x1c5: {  	[tilespmem:s21+$0xC980] =	vst v6  }
0x1c6: {  	v6 =	vld.idx.msk [tilespmem:v7+s2+$0x0], $0xffff  }
0x1c7: {  	v7 =	vor.u32 $0xA, v5;
	_ =	sdelay $0x3  }
0x1c8: {  	[tilespmem:s21+$0x8C00] =	vst v6  }
0x1c9: {  	v6 =	vld.idx.msk [tilespmem:v7+s2+$0x0], $0xffff  }
0x1ca: {  	v4 =	vor.u32 $0xB, v4;
	_ =	sdelay $0x3  }
0x1cb: {  	[tilespmem:s21+$0xCA00] =	vst v6  }
0x1cc: {  	v4 =	vld.idx.msk [tilespmem:v4+s2+$0x0], $0xffff  }
0x1cd: {  	v5 =	vor.u32 $0xB, v5;
	_ =	sdelay $0x3  }
0x1ce: {  	[tilespmem:s21+$0x8C80] =	vst v4  }
0x1cf: {  	v4 =	vld.idx.msk [tilespmem:v5+s2+$0x0], $0xffff;
	_ =	sdelay $0x3  }
0x1d0: {  	s23 =	simm.s32 $0x4790;
	s24 =	simm.s32 $0x0;
	s22 =	simm.s32 $0x10  }
.LBB2_6:
0x1d1: {  	[tilespmem:s21+$0xCA80] =	vst v4;
	s19 =	sadd.s32 $0x80, s19;
	s24 =	sadd.s32 $0x1, s24;
	s20 =	sadd.s32 $0x10, s20  }
0x1d2: {  	p0 =	sne.s32 s22, $0x770;
	s21 =	smov.u32 s22;
	s22 =	sadd.s32 $0x10, s22;
	v4 =	vld [tilespmem:s20+$0x0]  }
0x1d3: {  	_ =	sdelay $0x2  }
0x1d4: {  	v5 =	vld [tilespmem:s23+$0x0]  }
0x1d5: {  	v4 =	vshll.u32 v4, $0x4;
	_ =	sdelay $0x3  }
0x1d6: {  	v5 =	vshll.u32 v5, $0x4  }
0x1d7: {  	v6 =	vadd.s32 v2, v5;
	v7 =	vld.idx.msk [tilespmem:v4+s2+$0x0], $0xffff  }
0x1d8: {  	v5 =	vand.u32 $0x70, v5;
	v6 =	vand.u32 $0xFFFFFF80, v6  }
0x1d9: {  	v5 =	vor.u32 v5, v6;
	_ =	sdelay $0x1  }
0x1da: {  	s21 =	sand.u32 $0x70, s21;
	s25 =	sand.u32 $0x3C00, s19  }
0x1db: {  	s21 =	sor.u32 s21, s25  }
0x1dc: {  	[tilespmem:s21+$0x4F00] =	vst v7  }
0x1dd: {  	v6 =	vld.idx.msk [tilespmem:v5+s2+$0x0], $0xffff;
	_ =	sdelay $0x1  }
0x1de: {  	v7 =	vor.u32 $0x1, v4;
	_ =	sdelay $0x3  }
0x1df: {  	[tilespmem:s21+$0x8D00] =	vst v6  }
0x1e0: {  	v6 =	vld.idx.msk [tilespmem:v7+s2+$0x0], $0xffff;
	_ =	sdelay $0x1  }
0x1e1: {  	v7 =	vor.u32 $0x1, v5;
	_ =	sdelay $0x3  }
0x1e2: {  	[tilespmem:s21+$0x4F80] =	vst v6  }
0x1e3: {  	v6 =	vld.idx.msk [tilespmem:v7+s2+$0x0], $0xffff;
	_ =	sdelay $0x1  }
0x1e4: {  	v7 =	vor.u32 $0x2, v4;
	_ =	sdelay $0x3  }
0x1e5: {  	[tilespmem:s21+$0x8D80] =	vst v6  }
0x1e6: {  	v6 =	vld.idx.msk [tilespmem:v7+s2+$0x0], $0xffff;
	_ =	sdelay $0x1  }
0x1e7: {  	v7 =	vor.u32 $0x2, v5;
	_ =	sdelay $0x3  }
0x1e8: {  	[tilespmem:s21+$0x5000] =	vst v6  }
0x1e9: {  	v6 =	vld.idx.msk [tilespmem:v7+s2+$0x0], $0xffff;
	_ =	sdelay $0x1  }
0x1ea: {  	v7 =	vor.u32 $0x3, v4;
	_ =	sdelay $0x3  }
0x1eb: {  	[tilespmem:s21+$0x8E00] =	vst v6  }
0x1ec: {  	v6 =	vld.idx.msk [tilespmem:v7+s2+$0x0], $0xffff;
	_ =	sdelay $0x1  }
0x1ed: {  	v7 =	vor.u32 $0x3, v5;
	_ =	sdelay $0x3  }
0x1ee: {  	[tilespmem:s21+$0x5080] =	vst v6  }
0x1ef: {  	v6 =	vld.idx.msk [tilespmem:v7+s2+$0x0], $0xffff;
	_ =	sdelay $0x1  }
0x1f0: {  	v7 =	vor.u32 $0x4, v4;
	_ =	sdelay $0x3  }
0x1f1: {  	[tilespmem:s21+$0x8E80] =	vst v6  }
0x1f2: {  	v6 =	vld.idx.msk [tilespmem:v7+s2+$0x0], $0xffff;
	_ =	sdelay $0x1  }
0x1f3: {  	v7 =	vor.u32 $0x4, v5;
	_ =	sdelay $0x3  }
0x1f4: {  	[tilespmem:s21+$0x5100] =	vst v6  }
0x1f5: {  	v6 =	vld.idx.msk [tilespmem:v7+s2+$0x0], $0xffff;
	_ =	sdelay $0x1  }
0x1f6: {  	v7 =	vor.u32 $0x5, v4;
	_ =	sdelay $0x3  }
0x1f7: {  	[tilespmem:s21+$0xC700] =	vst v6  }
0x1f8: {  	v6 =	vld.idx.msk [tilespmem:v7+s2+$0x0], $0xffff;
	_ =	sdelay $0x1  }
0x1f9: {  	v7 =	vor.u32 $0x5, v5;
	_ =	sdelay $0x3  }
0x1fa: {  	[tilespmem:s21+$0x5180] =	vst v6  }
0x1fb: {  	v6 =	vld.idx.msk [tilespmem:v7+s2+$0x0], $0xffff;
	_ =	sdelay $0x1  }
0x1fc: {  	v7 =	vor.u32 $0x6, v4;
	_ =	sdelay $0x3  }
0x1fd: {  	[tilespmem:s21+$0xC780] =	vst v6  }
0x1fe: {  	v6 =	vld.idx.msk [tilespmem:v7+s2+$0x0], $0xffff;
	_ =	sdelay $0x1  }
0x1ff: {  	v7 =	vor.u32 $0x6, v5;
	_ =	sdelay $0x3  }
0x200: {  	[tilespmem:s21+$0x5200] =	vst v6  }
0x201: {  	v6 =	vld.idx.msk [tilespmem:v7+s2+$0x0], $0xffff;
	_ =	sdelay $0x1  }
0x202: {  	v7 =	vor.u32 $0x7, v4;
	_ =	sdelay $0x3  }
0x203: {  	[tilespmem:s21+$0xC800] =	vst v6  }
0x204: {  	v6 =	vld.idx.msk [tilespmem:v7+s2+$0x0], $0xffff;
	_ =	sdelay $0x1  }
0x205: {  	s25 =	sand.u32 $0x7, s24;
	v7 =	vor.u32 $0x7, v5  }
0x206: {  	s25 =	sshll.u32 s25, $0x4  }
0x207: {  	s25 =	sadd.s32 s25, s19  }
0x208: {  	s25 =	sor.u32 $0x380, s25  }
0x209: {  	[tilespmem:s25+$0x4F00] =	vst v6  }
0x20a: {  	v6 =	vld.idx.msk [tilespmem:v7+s2+$0x0], $0xffff;
	_ =	sdelay $0x1  }
0x20b: {  	v7 =	vor.u32 $0x8, v4;
	_ =	sdelay $0x3  }
0x20c: {  	[tilespmem:s21+$0xC880] =	vst v6  }
0x20d: {  	v6 =	vld.idx.msk [tilespmem:v7+s2+$0x0], $0xffff;
	_ =	sdelay $0x1  }
0x20e: {  	v7 =	vor.u32 $0x8, v5;
	_ =	sdelay $0x3  }
0x20f: {  	[tilespmem:s21+$0x8B00] =	vst v6  }
0x210: {  	v6 =	vld.idx.msk [tilespmem:v7+s2+$0x0], $0xffff;
	_ =	sdelay $0x1  }
0x211: {  	v7 =	vor.u32 $0x9, v4;
	_ =	sdelay $0x3  }
0x212: {  	[tilespmem:s21+$0xC900] =	vst v6  }
0x213: {  	v6 =	vld.idx.msk [tilespmem:v7+s2+$0x0], $0xffff;
	_ =	sdelay $0x1  }
0x214: {  	v7 =	vor.u32 $0x9, v5;
	_ =	sdelay $0x3  }
0x215: {  	[tilespmem:s21+$0x8B80] =	vst v6  }
0x216: {  	v6 =	vld.idx.msk [tilespmem:v7+s2+$0x0], $0xffff;
	_ =	sdelay $0x1  }
0x217: {  	v7 =	vor.u32 $0xA, v4;
	_ =	sdelay $0x3  }
0x218: {  	[tilespmem:s21+$0xC980] =	vst v6  }
0x219: {  	v6 =	vld.idx.msk [tilespmem:v7+s2+$0x0], $0xffff;
	_ =	sdelay $0x1  }
0x21a: {  	v7 =	vor.u32 $0xA, v5;
	_ =	sdelay $0x3  }
0x21b: {  	[tilespmem:s21+$0x8C00] =	vst v6  }
0x21c: {  	v6 =	vld.idx.msk [tilespmem:v7+s2+$0x0], $0xffff;
	_ =	sdelay $0x1  }
0x21d: {  	v4 =	vor.u32 $0xB, v4;
	_ =	sdelay $0x3  }
0x21e: {  	[tilespmem:s21+$0xCA00] =	vst v6  }
0x21f: {  	v4 =	vld.idx.msk [tilespmem:v4+s2+$0x0], $0xffff;
	_ =	sdelay $0x1  }
0x220: {  	v5 =	vor.u32 $0xB, v5;
	_ =	sdelay $0x3  }
0x221: {  	[tilespmem:s21+$0x8C80] =	vst v4  }
0x222: {  	v4 =	vld.idx.msk [tilespmem:v5+s2+$0x0], $0xffff  }
.Ltmp2:
0x223: {  	(pc) =	sbr.rel @p0 .LBB2_6-.Ltmp2, $2  }
0x224: {  	_ =	sdelay $0x2  }
0x225: {  	s23 =	sadd.s32 $0x10, s23  }
0x226: {  	[tilespmem:s21+$0xCA80] =	vst v4  }
0x227: {  	[hbm4b:s10+s15] =	stream.strided.scatter [tilespmem:s17], [sflag:$0x1], $0xB400, s16, s15, $0x38;
	[tilespmem:$0x10300] =	vst v63  }
0x228: {  	_ =	swait.ge [sflag:s14], $0xB400  }
0x229: {  	[sflag:s14] =	ssyncset.done $0x0  }
0x22a: {  	s19 =	simm.s32 $0x0;
	s20 =	simm.s32 $0x4000;
	[sflag:s14] =	ssyncadd.s32 $0xFFFF4C00  }
0x22b: {  	[tilespmem:s20], [sflag:$0x1] =	stream.linear.gather [hbm4b:s11+s19], $0x780, $0x38;
	[tilespmem:$0x10300] =	vst v63  }
0x22c: {  	_ =	swait.ge [sflag:s14], $0x780  }
0x22d: {  	[sflag:s14] =	ssyncset.done $0x0  }
0x22e: {  	[sflag:s14] =	ssyncadd.s32 $0xFFFFF880  }
0x22f: {  	v4 =	vld [tilespmem:s20+$0x0];
	_ =	sdelay $0x1  }
0x230: {  	s29 =	simm.s32 $0x4780  }
0x231: {  	v5 =	vld [tilespmem:s29+$0x0];
	_ =	sdelay $0x1  }
0x232: {  	v4 =	vshll.u32 v4, $0x4;
	_ =	sdelay $0x2  }
0x233: {  	v5 =	vshll.u32 v5, $0x4  }
0x234: {  	v6 =	vadd.s32 v3, v5  }
0x235: {  	v5 =	vand.u32 $0x70, v5;
	v6 =	vand.u32 $0xFFFFFF80, v6;
	v7 =	vld.idx.msk [tilespmem:v4+s2+$0x0], $0xffff  }
0x236: {  	v5 =	vor.u32 v5, v6;
	_ =	sdelay $0x1  }
0x237: {  	s30 =	sand.u32 $0x70, s19;
	s22 =	sand.u32 $0x3C00, s19  }
0x238: {  	s21 =	sor.u32 s30, s22  }
0x239: {  	[tilespmem:s21+$0x4F00] =	vst v7  }
0x23a: {  	v6 =	vld.idx.msk [tilespmem:v5+s2+$0x0], $0xffff  }
0x23b: {  	v7 =	vor.u32 $0x1, v4;
	_ =	sdelay $0x3  }
0x23c: {  	[tilespmem:s21+$0x8D00] =	vst v6  }
0x23d: {  	v6 =	vld.idx.msk [tilespmem:v7+s2+$0x0], $0xffff  }
0x23e: {  	v7 =	vor.u32 $0x1, v5;
	_ =	sdelay $0x3  }
0x23f: {  	[tilespmem:s21+$0x4F80] =	vst v6  }
0x240: {  	v6 =	vld.idx.msk [tilespmem:v7+s2+$0x0], $0xffff  }
0x241: {  	v7 =	vor.u32 $0x2, v4;
	_ =	sdelay $0x3  }
0x242: {  	[tilespmem:s21+$0x8D80] =	vst v6  }
0x243: {  	v6 =	vld.idx.msk [tilespmem:v7+s2+$0x0], $0xffff  }
0x244: {  	v7 =	vor.u32 $0x2, v5;
	_ =	sdelay $0x3  }
0x245: {  	[tilespmem:s21+$0x5000] =	vst v6  }
0x246: {  	v6 =	vld.idx.msk [tilespmem:v7+s2+$0x0], $0xffff  }
0x247: {  	v7 =	vor.u32 $0x3, v4;
	_ =	sdelay $0x3  }
0x248: {  	[tilespmem:s21+$0x8E00] =	vst v6  }
0x249: {  	v6 =	vld.idx.msk [tilespmem:v7+s2+$0x0], $0xffff  }
0x24a: {  	v7 =	vor.u32 $0x3, v5;
	_ =	sdelay $0x3  }
0x24b: {  	[tilespmem:s21+$0x5080] =	vst v6  }
0x24c: {  	v6 =	vld.idx.msk [tilespmem:v7+s2+$0x0], $0xffff  }
0x24d: {  	v7 =	vor.u32 $0x4, v4;
	_ =	sdelay $0x3  }
0x24e: {  	[tilespmem:s21+$0x8E80] =	vst v6  }
0x24f: {  	v6 =	vld.idx.msk [tilespmem:v7+s2+$0x0], $0xffff  }
0x250: {  	v7 =	vor.u32 $0x4, v5;
	_ =	sdelay $0x3  }
0x251: {  	[tilespmem:s21+$0x5100] =	vst v6  }
0x252: {  	v6 =	vld.idx.msk [tilespmem:v7+s2+$0x0], $0xffff  }
0x253: {  	v7 =	vor.u32 $0x5, v4;
	_ =	sdelay $0x3  }
0x254: {  	[tilespmem:s21+$0xC700] =	vst v6  }
0x255: {  	v6 =	vld.idx.msk [tilespmem:v7+s2+$0x0], $0xffff  }
0x256: {  	v7 =	vor.u32 $0x5, v5;
	_ =	sdelay $0x3  }
0x257: {  	[tilespmem:s21+$0x5180] =	vst v6  }
0x258: {  	v6 =	vld.idx.msk [tilespmem:v7+s2+$0x0], $0xffff  }
0x259: {  	v7 =	vor.u32 $0x6, v4;
	_ =	sdelay $0x3  }
0x25a: {  	[tilespmem:s21+$0xC780] =	vst v6  }
0x25b: {  	v6 =	vld.idx.msk [tilespmem:v7+s2+$0x0], $0xffff  }
0x25c: {  	v7 =	vor.u32 $0x6, v5;
	_ =	sdelay $0x3  }
0x25d: {  	[tilespmem:s21+$0x5200] =	vst v6  }
0x25e: {  	v6 =	vld.idx.msk [tilespmem:v7+s2+$0x0], $0xffff  }
0x25f: {  	v7 =	vor.u32 $0x7, v4;
	_ =	sdelay $0x3  }
0x260: {  	[tilespmem:s21+$0xC800] =	vst v6  }
0x261: {  	v6 =	vld.idx.msk [tilespmem:v7+s2+$0x0], $0xffff  }
0x262: {  	s31 =	sand.u32 $0x7, s19;
	v7 =	vor.u32 $0x7, v5  }
0x263: {  	s22 =	sshll.u32 s31, $0x4  }
0x264: {  	s22 =	sadd.s32 $0x0, s22  }
0x265: {  	s22 =	sor.u32 $0x380, s22  }
0x266: {  	[tilespmem:s22+$0x4F00] =	vst v6  }
0x267: {  	v6 =	vld.idx.msk [tilespmem:v7+s2+$0x0], $0xffff  }
0x268: {  	v7 =	vor.u32 $0x8, v4;
	_ =	sdelay $0x3  }
0x269: {  	[tilespmem:s21+$0xC880] =	vst v6  }
0x26a: {  	v6 =	vld.idx.msk [tilespmem:v7+s2+$0x0], $0xffff  }
0x26b: {  	v7 =	vor.u32 $0x8, v5;
	_ =	sdelay $0x3  }
0x26c: {  	[tilespmem:s21+$0x8B00] =	vst v6  }
0x26d: {  	v6 =	vld.idx.msk [tilespmem:v7+s2+$0x0], $0xffff  }
0x26e: {  	v7 =	vor.u32 $0x9, v4;
	_ =	sdelay $0x3  }
0x26f: {  	[tilespmem:s21+$0xC900] =	vst v6  }
0x270: {  	v6 =	vld.idx.msk [tilespmem:v7+s2+$0x0], $0xffff  }
0x271: {  	v7 =	vor.u32 $0x9, v5;
	_ =	sdelay $0x3  }
0x272: {  	[tilespmem:s21+$0x8B80] =	vst v6  }
0x273: {  	v6 =	vld.idx.msk [tilespmem:v7+s2+$0x0], $0xffff  }
0x274: {  	v7 =	vor.u32 $0xA, v4;
	_ =	sdelay $0x3  }
0x275: {  	[tilespmem:s21+$0xC980] =	vst v6  }
0x276: {  	v6 =	vld.idx.msk [tilespmem:v7+s2+$0x0], $0xffff  }
0x277: {  	v7 =	vor.u32 $0xA, v5;
	_ =	sdelay $0x3  }
0x278: {  	[tilespmem:s21+$0x8C00] =	vst v6  }
0x279: {  	v6 =	vld.idx.msk [tilespmem:v7+s2+$0x0], $0xffff  }
0x27a: {  	v4 =	vor.u32 $0xB, v4;
	_ =	sdelay $0x3  }
0x27b: {  	[tilespmem:s21+$0xCA00] =	vst v6  }
0x27c: {  	v4 =	vld.idx.msk [tilespmem:v4+s2+$0x0], $0xffff  }
0x27d: {  	v5 =	vor.u32 $0xB, v5;
	_ =	sdelay $0x3  }
0x27e: {  	[tilespmem:s21+$0x8C80] =	vst v4  }
0x27f: {  	v4 =	vld.idx.msk [tilespmem:v5+s2+$0x0], $0xffff;
	_ =	sdelay $0x3  }
0x280: {  	s23 =	simm.s32 $0x4790;
	s24 =	simm.s32 $0x0;
	s22 =	simm.s32 $0x10  }
.LBB2_8:
0x281: {  	[tilespmem:s21+$0xCA80] =	vst v4;
	s19 =	sadd.s32 $0x80, s19;
	s24 =	sadd.s32 $0x1, s24;
	s20 =	sadd.s32 $0x10, s20  }
0x282: {  	p0 =	sne.s32 s22, $0x770;
	s21 =	smov.u32 s22;
	s22 =	sadd.s32 $0x10, s22;
	v4 =	vld [tilespmem:s20+$0x0]  }
0x283: {  	_ =	sdelay $0x2  }
0x284: {  	v5 =	vld [tilespmem:s23+$0x0]  }
0x285: {  	v4 =	vshll.u32 v4, $0x4;
	_ =	sdelay $0x3  }
0x286: {  	v5 =	vshll.u32 v5, $0x4  }
0x287: {  	v6 =	vadd.s32 v3, v5;
	v7 =	vld.idx.msk [tilespmem:v4+s2+$0x0], $0xffff  }
0x288: {  	v5 =	vand.u32 $0x70, v5;
	v6 =	vand.u32 $0xFFFFFF80, v6  }
0x289: {  	v5 =	vor.u32 v5, v6;
	_ =	sdelay $0x1  }
0x28a: {  	s21 =	sand.u32 $0x70, s21;
	s25 =	sand.u32 $0x3C00, s19  }
0x28b: {  	s21 =	sor.u32 s21, s25  }
0x28c: {  	[tilespmem:s21+$0x4F00] =	vst v7  }
0x28d: {  	v6 =	vld.idx.msk [tilespmem:v5+s2+$0x0], $0xffff;
	_ =	sdelay $0x1  }
0x28e: {  	v7 =	vor.u32 $0x1, v4;
	_ =	sdelay $0x3  }
0x28f: {  	[tilespmem:s21+$0x8D00] =	vst v6  }
0x290: {  	v6 =	vld.idx.msk [tilespmem:v7+s2+$0x0], $0xffff;
	_ =	sdelay $0x1  }
0x291: {  	v7 =	vor.u32 $0x1, v5;
	_ =	sdelay $0x3  }
0x292: {  	[tilespmem:s21+$0x4F80] =	vst v6  }
0x293: {  	v6 =	vld.idx.msk [tilespmem:v7+s2+$0x0], $0xffff;
	_ =	sdelay $0x1  }
0x294: {  	v7 =	vor.u32 $0x2, v4;
	_ =	sdelay $0x3  }
0x295: {  	[tilespmem:s21+$0x8D80] =	vst v6  }
0x296: {  	v6 =	vld.idx.msk [tilespmem:v7+s2+$0x0], $0xffff;
	_ =	sdelay $0x1  }
0x297: {  	v7 =	vor.u32 $0x2, v5;
	_ =	sdelay $0x3  }
0x298: {  	[tilespmem:s21+$0x5000] =	vst v6  }
0x299: {  	v6 =	vld.idx.msk [tilespmem:v7+s2+$0x0], $0xffff;
	_ =	sdelay $0x1  }
0x29a: {  	v7 =	vor.u32 $0x3, v4;
	_ =	sdelay $0x3  }
0x29b: {  	[tilespmem:s21+$0x8E00] =	vst v6  }
0x29c: {  	v6 =	vld.idx.msk [tilespmem:v7+s2+$0x0], $0xffff;
	_ =	sdelay $0x1  }
0x29d: {  	v7 =	vor.u32 $0x3, v5;
	_ =	sdelay $0x3  }
0x29e: {  	[tilespmem:s21+$0x5080] =	vst v6  }
0x29f: {  	v6 =	vld.idx.msk [tilespmem:v7+s2+$0x0], $0xffff;
	_ =	sdelay $0x1  }
0x2a0: {  	v7 =	vor.u32 $0x4, v4;
	_ =	sdelay $0x3  }
0x2a1: {  	[tilespmem:s21+$0x8E80] =	vst v6  }
0x2a2: {  	v6 =	vld.idx.msk [tilespmem:v7+s2+$0x0], $0xffff;
	_ =	sdelay $0x1  }
0x2a3: {  	v7 =	vor.u32 $0x4, v5;
	_ =	sdelay $0x3  }
0x2a4: {  	[tilespmem:s21+$0x5100] =	vst v6  }
0x2a5: {  	v6 =	vld.idx.msk [tilespmem:v7+s2+$0x0], $0xffff;
	_ =	sdelay $0x1  }
0x2a6: {  	v7 =	vor.u32 $0x5, v4;
	_ =	sdelay $0x3  }
0x2a7: {  	[tilespmem:s21+$0xC700] =	vst v6  }
0x2a8: {  	v6 =	vld.idx.msk [tilespmem:v7+s2+$0x0], $0xffff;
	_ =	sdelay $0x1  }
0x2a9: {  	v7 =	vor.u32 $0x5, v5;
	_ =	sdelay $0x3  }
0x2aa: {  	[tilespmem:s21+$0x5180] =	vst v6  }
0x2ab: {  	v6 =	vld.idx.msk [tilespmem:v7+s2+$0x0], $0xffff;
	_ =	sdelay $0x1  }
0x2ac: {  	v7 =	vor.u32 $0x6, v4;
	_ =	sdelay $0x3  }
0x2ad: {  	[tilespmem:s21+$0xC780] =	vst v6  }
0x2ae: {  	v6 =	vld.idx.msk [tilespmem:v7+s2+$0x0], $0xffff;
	_ =	sdelay $0x1  }
0x2af: {  	v7 =	vor.u32 $0x6, v5;
	_ =	sdelay $0x3  }
0x2b0: {  	[tilespmem:s21+$0x5200] =	vst v6  }
0x2b1: {  	v6 =	vld.idx.msk [tilespmem:v7+s2+$0x0], $0xffff;
	_ =	sdelay $0x1  }
0x2b2: {  	v7 =	vor.u32 $0x7, v4;
	_ =	sdelay $0x3  }
0x2b3: {  	[tilespmem:s21+$0xC800] =	vst v6  }
0x2b4: {  	v6 =	vld.idx.msk [tilespmem:v7+s2+$0x0], $0xffff;
	_ =	sdelay $0x1  }
0x2b5: {  	s25 =	sand.u32 $0x7, s24;
	v7 =	vor.u32 $0x7, v5  }
0x2b6: {  	s25 =	sshll.u32 s25, $0x4  }
0x2b7: {  	s25 =	sadd.s32 s25, s19  }
0x2b8: {  	s25 =	sor.u32 $0x380, s25  }
0x2b9: {  	[tilespmem:s25+$0x4F00] =	vst v6  }
0x2ba: {  	v6 =	vld.idx.msk [tilespmem:v7+s2+$0x0], $0xffff;
	_ =	sdelay $0x1  }
0x2bb: {  	v7 =	vor.u32 $0x8, v4;
	_ =	sdelay $0x3  }
0x2bc: {  	[tilespmem:s21+$0xC880] =	vst v6  }
0x2bd: {  	v6 =	vld.idx.msk [tilespmem:v7+s2+$0x0], $0xffff;
	_ =	sdelay $0x1  }
0x2be: {  	v7 =	vor.u32 $0x8, v5;
	_ =	sdelay $0x3  }
0x2bf: {  	[tilespmem:s21+$0x8B00] =	vst v6  }
0x2c0: {  	v6 =	vld.idx.msk [tilespmem:v7+s2+$0x0], $0xffff;
	_ =	sdelay $0x1  }
0x2c1: {  	v7 =	vor.u32 $0x9, v4;
	_ =	sdelay $0x3  }
0x2c2: {  	[tilespmem:s21+$0xC900] =	vst v6  }
0x2c3: {  	v6 =	vld.idx.msk [tilespmem:v7+s2+$0x0], $0xffff;
	_ =	sdelay $0x1  }
0x2c4: {  	v7 =	vor.u32 $0x9, v5;
	_ =	sdelay $0x3  }
0x2c5: {  	[tilespmem:s21+$0x8B80] =	vst v6  }
0x2c6: {  	v6 =	vld.idx.msk [tilespmem:v7+s2+$0x0], $0xffff;
	_ =	sdelay $0x1  }
0x2c7: {  	v7 =	vor.u32 $0xA, v4;
	_ =	sdelay $0x3  }
0x2c8: {  	[tilespmem:s21+$0xC980] =	vst v6  }
0x2c9: {  	v6 =	vld.idx.msk [tilespmem:v7+s2+$0x0], $0xffff;
	_ =	sdelay $0x1  }
0x2ca: {  	v7 =	vor.u32 $0xA, v5;
	_ =	sdelay $0x3  }
0x2cb: {  	[tilespmem:s21+$0x8C00] =	vst v6  }
0x2cc: {  	v6 =	vld.idx.msk [tilespmem:v7+s2+$0x0], $0xffff;
	_ =	sdelay $0x1  }
0x2cd: {  	v4 =	vor.u32 $0xB, v4;
	_ =	sdelay $0x3  }
0x2ce: {  	[tilespmem:s21+$0xCA00] =	vst v6  }
0x2cf: {  	v4 =	vld.idx.msk [tilespmem:v4+s2+$0x0], $0xffff;
	_ =	sdelay $0x1  }
0x2d0: {  	v5 =	vor.u32 $0xB, v5;
	_ =	sdelay $0x3  }
0x2d1: {  	[tilespmem:s21+$0x8C80] =	vst v4  }
0x2d2: {  	v4 =	vld.idx.msk [tilespmem:v5+s2+$0x0], $0xffff  }
.Ltmp3:
0x2d3: {  	(pc) =	sbr.rel @p0 .LBB2_8-.Ltmp3, $2  }
0x2d4: {  	_ =	sdelay $0x2  }
0x2d5: {  	s23 =	sadd.s32 $0x10, s23  }
0x2d6: {  	s18 =	sadd.s32 $0x1, s18  }
0x2d7: {  	p0 =	sne.s32 s18, s13  }
.Ltmp4:
0x2d8: {  	[tilespmem:s21+$0xCA80] =	vst v4;
	(pc) =	sbr.rel @p0 .LBB2_1-.Ltmp4, $4  }
0x2d9: {  	[hbm4b:s12+s15] =	stream.strided.scatter [tilespmem:s17], [sflag:$0x1], $0xB400, s16, s15, $0x38;
	[tilespmem:$0x10300] =	vst v63  }
0x2da: {  	_ =	swait.ge [sflag:s14], $0xB400  }
0x2db: {  	[sflag:s14] =	ssyncset.done $0x0  }
0x2dc: {  	[sflag:s14] =	ssyncadd.s32 $0xFFFF4C00  }
0x2dd: {  	_ =	sfence.sel $0x180000  }
0x2de: {  	[bflag:$0x0] =	sbarrier.arrive $0xFFFF  }
0x2df: {  	p0 =	sne.s32 s1, $0x0;
	_ =	strace $0x90000047  }
0x2e0: {  	s0 =	sadd.s32 @!p0 $0x100000, s0;
	[bflag:$0x2] =	sbarrier.arrive $0xFFFF  }
0x2e1: {  	[sflag:s0] =	ssyncadd.tile.s32 @!p0 $0x1;
	_ =	shalt  }
.Lfunc_end2:
_tile_overlayer_lowered:
.L_overlay_start_2:
0x2e2: {  	(tag) =	ssettag $0x2  }
0x2e3: {  	s0 =	rddreg [dreg:$0x0];
	s2 =	stileid.u32  }
0x2e4: {  	s1 =	rddreg [dreg:$0x1];
	p0 =	sne.s32 s2, $0x0  }
0x2e5: {  	s3 =	rddreg [dreg:$0x2];
	[bflag:$0x3] =	sbarrier.arrive $0xFFFF;
	s2 =	simm.s32 @!p0 $0x1C01  }
0x2e6: {  	[timem:s3], [sflag:s2] =	dma.local @!p0 [hbm:s0], s1  }
0x2e7: {  	s0 =	simm.s32 @!p0 $0x1  }
0x2e8: {  	_ =	swait.ge @!p0 [sflag:s0], s1  }
0x2e9: {  	s1 =	ssub.s32 @!p0 $0x0, s1;
	[sflag:s0] =	ssyncset.done @!p0 $0x0  }
0x2ea: {  	[sflag:s0] =	ssyncadd.s32 @!p0 s1  }
0x2eb: {  	[bflag:$0x3] =	sbarrier.arrive $0xFFFF  }
0x2ec: {  	_ =	shalt  }

</sc_bundles>
